<compile_context>
chip_gen: v7x
topology: tpu7x:2x2x1
jax: 0.10.2.dev20260603
libtpu: 0.0.44.dev20260713+nightly
codegen_flags: <defaults>
</compile_context>

<pallas_src>
import functools

import jax
import jax.numpy as jnp
import numpy as np
from jax import lax
from jax.experimental import pallas as pl
from jax.experimental.pallas import tpu as pltpu
from jax.experimental.pallas import tpu_sc as plsc

NUM_FIELD = 26
EMBED_DIM = 16
ATTN_UNITS = 64
BATCH = 4096

_PAIR_I, _PAIR_J = np.triu_indices(NUM_FIELD, k=1)
NUM_PAIRS = len(_PAIR_I)
PAIR_CHUNK = 8
NUM_PAIRS_PAD = ((NUM_PAIRS + PAIR_CHUNK - 1) // PAIR_CHUNK) * PAIR_CHUNK
NUM_CHUNKS = NUM_PAIRS_PAD // PAIR_CHUNK
_PAIRS = list(zip(_PAIR_I.tolist(), _PAIR_J.tolist()))
_PAIRS += [(0, 0)] * (NUM_PAIRS_PAD - NUM_PAIRS)


_SLOT = 131072
_TR_CHUNK = 4096


def _transpose_kernel(*refs):
  out_ref = refs[8]
  for s in range(8):
    out_ref[:, s * EMBED_DIM:(s + 1) * EMBED_DIM] = jnp.transpose(
        refs[s][...], (1, 0))


def _table_superrows(table):
  t2 = table.T

  n_blocks = table.shape[0] // _TR_CHUNK

  def spec(s):
    return pl.BlockSpec(
        (EMBED_DIM, _TR_CHUNK),
        lambda g, s=s: (0, jnp.minimum(s * (_SLOT // _TR_CHUNK) + g,
                                       n_blocks)))

  return pl.pallas_call(
      _transpose_kernel,
      grid=(_SLOT // _TR_CHUNK,),
      in_specs=[spec(s) for s in range(8)],
      out_specs=pl.BlockSpec((_TR_CHUNK, 128), lambda g: (g, 0)),
      out_shape=jax.ShapeDtypeStruct((_SLOT, 128), jnp.float32),
  )(*([t2] * 8))



_SC_CHUNK = 128


def _sc_gather(tsr, idxsr3, idxoff3):
  nw, n_chunks, _ = idxsr3.shape
  n_per_w = n_chunks * _SC_CHUNK
  total = nw * n_per_w
  mesh = plsc.VectorSubcoreMesh(core_axis_name="c", subcore_axis_name="s")
  num_cores = nw // 16

  @functools.partial(
      pl.kernel,
      out_type=jax.ShapeDtypeStruct((total, EMBED_DIM), jnp.float32),
      mesh=mesh,
      scratch_types=[
          pltpu.VMEM((n_chunks, _SC_CHUNK), jnp.int32),
          pltpu.VMEM((n_per_w,), jnp.int32),
          pltpu.VMEM((2, _SC_CHUNK, 128), jnp.float32),
          pltpu.VMEM((n_per_w, EMBED_DIM), jnp.float32),
          pltpu.SemaphoreType.DMA,
          pltpu.SemaphoreType.DMA,
      ],
      compiler_params=pltpu.CompilerParams(use_tc_tiling_on_sc=False,
                                           needs_layout_passes=False),
  )
  def gather_kernel(tsr_hbm, idxsr_hbm, idxoff_hbm, out_hbm,
                    idxsr_v, idxoff_v, srows_v, rows_v, sem_a, sem_b):
    wid = lax.axis_index("s") * num_cores + lax.axis_index("c")
    pltpu.sync_copy(idxsr_hbm.at[wid], idxsr_v)
    pltpu.sync_copy(idxoff_hbm.at[wid], idxoff_v)
    iota16 = lax.iota(jnp.int32, 16)

    def extract(k, buf):
      def group_body(g, _):
        base = k * _SC_CHUNK + g * 16
        off = idxoff_v[pl.ds(base, 16)]
        srcrow = iota16 + g * 16
        dstrow = iota16 + base
        buf16 = jnp.full((16,), buf, jnp.int32)
        for d in range(EMBED_DIM):
          v = plsc.load_gather(srows_v, [buf16, srcrow, off + d])
          plsc.store_scatter(rows_v, [dstrow, jnp.full((16,), d, jnp.int32)], v)
        return 0

      lax.fori_loop(0, _SC_CHUNK // 16, group_body, 0)

    cp0 = pltpu.async_copy(tsr_hbm.at[idxsr_v.at[0]], srows_v.at[0], sem_a)

    def pair_body(k, _):
      @pl.when(2 * k + 1 < n_chunks)
      def _():
        pltpu.async_copy(tsr_hbm.at[idxsr_v.at[2 * k + 1]], srows_v.at[1],
                         sem_b)
      pltpu.make_async_copy(tsr_hbm.at[idxsr_v.at[2 * k]], srows_v.at[0],
                            sem_a).wait()
      extract(2 * k, 0)

      @pl.when(2 * k + 2 < n_chunks)
      def _():
        pltpu.async_copy(tsr_hbm.at[idxsr_v.at[2 * k + 2]], srows_v.at[0],
                         sem_a)

      @pl.when(2 * k + 1 < n_chunks)
      def _():
        pltpu.make_async_copy(tsr_hbm.at[idxsr_v.at[2 * k + 1]],
                              srows_v.at[1], sem_b).wait()
        extract(2 * k + 1, 1)
      return 0

    lax.fori_loop(0, (n_chunks + 1) // 2, pair_body, 0)
    pltpu.sync_copy(rows_v, out_hbm.at[pl.ds(wid * n_per_w, n_per_w)])

  return gather_kernel(tsr, idxsr3, idxoff3)



TB = 256


def _afm_dense_kernel(emb_ref, wbig_ref, bbig_ref, hbig_ref, pbig_ref,
                      out_ref, s_ref, w_ref):
  et = jnp.transpose(emb_ref[...], (0, 2, 1))
  es = [et[i] for i in range(NUM_FIELD)]
  wbig = wbig_ref[...]
  bbig = bbig_ref[...]
  hbig = hbig_ref[...]
  pbig = pbig_ref[...]

  for c in range(NUM_CHUNKS):
    chunk = _PAIRS[c * PAIR_CHUNK:(c + 1) * PAIR_CHUNK]
    prod = jnp.concatenate([es[i] * es[j] for (i, j) in chunk], axis=0)
    z = lax.dot_general(wbig, prod, (((1,), (0,)), ((), ())),
                        precision=lax.Precision.DEFAULT,
                        preferred_element_type=jnp.float32)
    a = jnp.maximum(z + bbig, 0.0)
    sa = (a * hbig).reshape(PAIR_CHUNK, ATTN_UNITS, TB).sum(axis=1)
    wa = (prod * pbig).reshape(PAIR_CHUNK, EMBED_DIM, TB).sum(axis=1)
    s_ref[pl.ds(c * PAIR_CHUNK, PAIR_CHUNK), :] = sa
    w_ref[pl.ds(c * PAIR_CHUNK, PAIR_CHUNK), :] = wa

  pid = lax.broadcasted_iota(jnp.int32, (NUM_PAIRS_PAD, TB), 0)
  valid = pid < NUM_PAIRS
  s_all = jnp.where(valid, s_ref[...], -jnp.inf)
  w_all = jnp.where(valid, w_ref[...], 0.0)
  m = jnp.max(s_all, axis=0, keepdims=True)
  e = jnp.where(valid, jnp.exp(s_all - m), 0.0)
  num = jnp.sum(e * w_all, axis=0, keepdims=True)
  den = jnp.sum(e, axis=0, keepdims=True)
  out_ref[...] = jnp.broadcast_to(num / den, (8, TB))[None]


def _afm_dense(emb_t, attn_W, attn_b, attn_h, proj_p):
  nb = BATCH // TB
  eye = jnp.eye(PAIR_CHUNK, dtype=jnp.float32)
  wbig = jnp.kron(eye, attn_W.T)
  bbig = jnp.tile(attn_b, PAIR_CHUNK)[:, None]
  hbig = jnp.tile(attn_h, PAIR_CHUNK)[:, None]
  pbig = jnp.tile(proj_p, PAIR_CHUNK)[:, None]

  return pl.pallas_call(
      _afm_dense_kernel,
      grid=(nb,),
      in_specs=[
          pl.BlockSpec((NUM_FIELD, TB, EMBED_DIM), lambda b: (0, b, 0)),
          pl.BlockSpec((PAIR_CHUNK * ATTN_UNITS, PAIR_CHUNK * EMBED_DIM),
                       lambda b: (0, 0)),
          pl.BlockSpec((PAIR_CHUNK * ATTN_UNITS, 1), lambda b: (0, 0)),
          pl.BlockSpec((PAIR_CHUNK * ATTN_UNITS, 1), lambda b: (0, 0)),
          pl.BlockSpec((PAIR_CHUNK * EMBED_DIM, 1), lambda b: (0, 0)),
      ],
      out_specs=pl.BlockSpec((1, 8, TB), lambda b: (b, 0, 0)),
      out_shape=jax.ShapeDtypeStruct((nb, 8, TB), jnp.float32),
      scratch_shapes=[
          pltpu.VMEM((NUM_PAIRS_PAD, TB), jnp.float32),
          pltpu.VMEM((NUM_PAIRS_PAD, TB), jnp.float32),
      ],
  )(emb_t, wbig, bbig, hbig, pbig)


def kernel(indices, table, attn_W, attn_b, attn_h, proj_p):
  nw = 32
  n_per_w = BATCH * NUM_FIELD // nw
  idx = indices.astype(jnp.int32).T.reshape(nw, n_per_w)
  idxsr = (idx & (_SLOT - 1)).reshape(nw, n_per_w // _SC_CHUNK, _SC_CHUNK)
  idxoff = (idx >> 17) * EMBED_DIM
  tsr = _table_superrows(table)
  emb = _sc_gather(tsr, idxsr, idxoff)
  emb_t = emb.reshape(NUM_FIELD, BATCH, EMBED_DIM)
  y = _afm_dense(emb_t, attn_W, attn_b, attn_h, proj_p)
  return y[:, 0, :].reshape(BATCH)

# --- scband reference (transcript-rebuilt; emitter-appended) ---
"""Pipeline reference for scband-afm-84293028151296 (READ-ONLY COPY).

The authoritative reference and input builder live on the scoring server;
editing this copy changes nothing except your own understanding.
"""

import jax, jax.numpy as jnp
import numpy as np

NUM_FIELD = 26
NUM_FEATURE = 1000000
EMBED_DIM = 16
ATTN_UNITS = 64
BATCH = 4096

_I, _J = np.triu_indices(NUM_FIELD, k=1)  # 325 pairs


def setup_inputs(seed: int = 0) -> dict:
    key = jax.random.key(seed)
    k1, k2, k3, k4, k5, k6 = jax.random.split(key, 6)
    indices = jax.random.randint(k1, (BATCH, NUM_FIELD), 0, NUM_FEATURE, dtype=jnp.int64)
    table = jax.random.normal(k2, (NUM_FEATURE, EMBED_DIM), dtype=jnp.float32) * 0.01
    attn_W = jax.random.normal(k3, (EMBED_DIM, ATTN_UNITS), dtype=jnp.float32) * 0.1
    attn_b = jnp.zeros((ATTN_UNITS,), dtype=jnp.float32)
    attn_h = jax.random.normal(k4, (ATTN_UNITS,), dtype=jnp.float32) * 0.1
    proj_p = jax.random.normal(k5, (EMBED_DIM,), dtype=jnp.float32) * 0.1
    return {"indices": indices, "table": table, "attn_W": attn_W,
            "attn_b": attn_b, "attn_h": attn_h, "proj_p": proj_p}


def reference(indices, table, attn_W, attn_b, attn_h, proj_p):
    # Embedding lookup: [B, F, d]
    emb = jnp.take(table, indices, axis=0)
    # Pairwise element-wise interactions: [B, P, d]
    pi = emb[:, _I, :]
    pj = emb[:, _J, :]
    inter = pi * pj
    # Attention network (Dense 64 relu -> scalar score per pair)
    a = jax.nn.relu(jnp.einsum('bpd,du->bpu', inter, attn_W) + attn_b)
    scores = jnp.einsum('bpu,u->bp', a, attn_h)
    alpha = jax.nn.softmax(scores, axis=1)
    # Attention-weighted pooling over pairs: [B, d]
    pooled = jnp.sum(alpha[:, :, None] * inter, axis=1)
    # Final projection to prediction: [B]
    y_pred = jnp.einsum('bd,d->b', pooled, proj_p)
    return y_pred

if __name__ == "__main__":
    import jax
    _d = setup_inputs()
    print(jax.jit(kernel)(*tuple(_d.values())))

</pallas_src>

<mosaic_0001>
#map = affine_map<(d0, d1) -> (0, 0)>
#map1 = affine_map<(d0, d1) -> (0, 0, 0)>
module attributes {stable_mosaic.version = 14 : i64} {
  func.func @gather_kernel(%arg0: i32, %arg1: i32, %arg2: memref<131072x128xf32, #tpu.memory_space<hbm>>, %arg3: memref<32x26x128xi32, #tpu.memory_space<hbm>>, %arg4: memref<32x3328xi32, #tpu.memory_space<hbm>>, %arg5: memref<106496x16xf32, #tpu.memory_space<hbm>>, %arg6: memref<26x128xi32, #tpu.memory_space<vmem>>, %arg7: memref<3328xi32, #tpu.memory_space<vmem>>, %arg8: memref<2x128x128xf32, #tpu.memory_space<vmem>>, %arg9: memref<3328x16xf32, #tpu.memory_space<vmem>>, %arg10: memref<!tpu.dma_semaphore, #tpu.memory_space<semaphore_mem>>, %arg11: memref<!tpu.dma_semaphore, #tpu.memory_space<semaphore_mem>>) attributes {dimension_semantics = [#tpu.dimension_semantics<core_parallel>, #tpu.dimension_semantics<subcore_parallel>], iteration_bounds = array<i64: 2, 16>, scalar_prefetch = 0 : i64, scratch_operands = 6 : i64, tpu.core_type = #tpu.core_type<sc_vector_subcore>, window_params = [{transform_indices = #map}, {transform_indices = #map1}, {transform_indices = #map}, {transform_indices = #map}]} {
    %mul3A = arith.constant 2 : i32
    %mul3A_0 = arith.muli %arg1, %mul3A : i32
    %add3A = arith.addi %mul3A_0, %arg0 : i32
    "tpu.region"() ({
      %run_scoped3A = tpu.sem_alloc : memref<!tpu.dma_semaphore, #tpu.memory_space<semaphore_mem>>
      %dma_start3A_20 = arith.constant 0 : i32
      %dma_start3A_21 = arith.constant 0 : i32
      %dma_start3A_22 = tpu.memref_slice %arg3[%add3A, %dma_start3A_20, %dma_start3A_21] : memref<32x26x128xi32, #tpu.memory_space<hbm>> -> memref<1x26x128xi32, #tpu.memory_space<hbm>>
      %dma_start3A_23 = tpu.memref_squeeze %dma_start3A_22 : memref<1x26x128xi32, #tpu.memory_space<hbm>> -> memref<26x128xi32, #tpu.memory_space<hbm>>
      %dma_start3A_24 = arith.constant 0 : i32
      %dma_start3A_25 = arith.constant 0 : i32
      %dma_start3A_26 = tpu.memref_slice %arg3[%add3A, %dma_start3A_24, %dma_start3A_25] : memref<32x26x128xi32, #tpu.memory_space<hbm>> -> memref<1x26x128xi32, #tpu.memory_space<hbm>>
      %dma_start3A_27 = tpu.memref_squeeze %dma_start3A_26 : memref<1x26x128xi32, #tpu.memory_space<hbm>> -> memref<26x128xi32, #tpu.memory_space<hbm>>
      tpu.enqueue_dma source(%dma_start3A_27 : memref<26x128xi32, #tpu.memory_space<hbm>>) target(%arg6 : memref<26x128xi32, #tpu.memory_space<vmem>>) target_semaphore(%run_scoped3A : memref<!tpu.dma_semaphore, #tpu.memory_space<semaphore_mem>>)
      %dma_wait3A = arith.constant 0 : i32
      %dma_wait3A_28 = arith.constant 0 : i32
      %dma_wait3A_29 = tpu.memref_slice %arg3[%add3A, %dma_wait3A, %dma_wait3A_28] : memref<32x26x128xi32, #tpu.memory_space<hbm>> -> memref<1x26x128xi32, #tpu.memory_space<hbm>>
      %dma_wait3A_30 = tpu.memref_squeeze %dma_wait3A_29 : memref<1x26x128xi32, #tpu.memory_space<hbm>> -> memref<26x128xi32, #tpu.memory_space<hbm>>
      %dma_wait3A_31 = arith.constant 0 : i32
      %dma_wait3A_32 = arith.constant 0 : i32
      %dma_wait3A_33 = tpu.memref_slice %arg3[%add3A, %dma_wait3A_31, %dma_wait3A_32] : memref<32x26x128xi32, #tpu.memory_space<hbm>> -> memref<1x26x128xi32, #tpu.memory_space<hbm>>
      %dma_wait3A_34 = tpu.memref_squeeze %dma_wait3A_33 : memref<1x26x128xi32, #tpu.memory_space<hbm>> -> memref<26x128xi32, #tpu.memory_space<hbm>>
      tpu.wait_dma2 semaphore(%run_scoped3A : memref<!tpu.dma_semaphore, #tpu.memory_space<semaphore_mem>>) src(%dma_wait3A_34 : memref<26x128xi32, #tpu.memory_space<hbm>>) dst(%arg6 : memref<26x128xi32, #tpu.memory_space<vmem>>)
      tpu.yield
    }) : () -> ()
    "tpu.region"() ({
      %run_scoped3A = tpu.sem_alloc : memref<!tpu.dma_semaphore, #tpu.memory_space<semaphore_mem>>
      %dma_start3A_20 = arith.constant 0 : i32
      %dma_start3A_21 = tpu.memref_slice %arg4[%add3A, %dma_start3A_20] : memref<32x3328xi32, #tpu.memory_space<hbm>> -> memref<1x3328xi32, #tpu.memory_space<hbm>>
      %dma_start3A_22 = tpu.memref_squeeze %dma_start3A_21 : memref<1x3328xi32, #tpu.memory_space<hbm>> -> memref<3328xi32, #tpu.memory_space<hbm>>
      %dma_start3A_23 = arith.constant 0 : i32
      %dma_start3A_24 = tpu.memref_slice %arg4[%add3A, %dma_start3A_23] : memref<32x3328xi32, #tpu.memory_space<hbm>> -> memref<1x3328xi32, #tpu.memory_space<hbm>>
      %dma_start3A_25 = tpu.memref_squeeze %dma_start3A_24 : memref<1x3328xi32, #tpu.memory_space<hbm>> -> memref<3328xi32, #tpu.memory_space<hbm>>
      tpu.enqueue_dma source(%dma_start3A_25 : memref<3328xi32, #tpu.memory_space<hbm>>) target(%arg7 : memref<3328xi32, #tpu.memory_space<vmem>>) target_semaphore(%run_scoped3A : memref<!tpu.dma_semaphore, #tpu.memory_space<semaphore_mem>>)
      %dma_wait3A = arith.constant 0 : i32
      %dma_wait3A_26 = tpu.memref_slice %arg4[%add3A, %dma_wait3A] : memref<32x3328xi32, #tpu.memory_space<hbm>> -> memref<1x3328xi32, #tpu.memory_space<hbm>>
      %dma_wait3A_27 = tpu.memref_squeeze %dma_wait3A_26 : memref<1x3328xi32, #tpu.memory_space<hbm>> -> memref<3328xi32, #tpu.memory_space<hbm>>
      %dma_wait3A_28 = arith.constant 0 : i32
      %dma_wait3A_29 = tpu.memref_slice %arg4[%add3A, %dma_wait3A_28] : memref<32x3328xi32, #tpu.memory_space<hbm>> -> memref<1x3328xi32, #tpu.memory_space<hbm>>
      %dma_wait3A_30 = tpu.memref_squeeze %dma_wait3A_29 : memref<1x3328xi32, #tpu.memory_space<hbm>> -> memref<3328xi32, #tpu.memory_space<hbm>>
      tpu.wait_dma2 semaphore(%run_scoped3A : memref<!tpu.dma_semaphore, #tpu.memory_space<semaphore_mem>>) src(%dma_wait3A_30 : memref<3328xi32, #tpu.memory_space<hbm>>) dst(%arg7 : memref<3328xi32, #tpu.memory_space<vmem>>)
      tpu.yield
    }) : () -> ()
    %iota3A = tpu.iota {dimensions = array<i32: 0>} : vector<16xi32>
    %dma_start3A = arith.constant 0 : i32
    %dma_start3A_1 = arith.constant 0 : i32
    %dma_start3A_2 = arith.constant 0 : i32
    %dma_start3A_3 = arith.constant 0 : i32
    %dma_start3A_4 = tpu.memref_slice %arg8[%dma_start3A_1, %dma_start3A_2, %dma_start3A_3] : memref<2x128x128xf32, #tpu.memory_space<vmem>> -> memref<1x128x128xf32, #tpu.memory_space<vmem>>
    %dma_start3A_5 = tpu.memref_squeeze %dma_start3A_4 : memref<1x128x128xf32, #tpu.memory_space<vmem>> -> memref<128x128xf32, #tpu.memory_space<vmem>>
    %dma_start3A_6 = arith.constant 0 : i32
    %dma_start3A_7 = tpu.memref_slice %arg6[%dma_start3A, %dma_start3A_6] : memref<26x128xi32, #tpu.memory_space<vmem>> -> memref<1x128xi32, #tpu.memory_space<vmem>>
    %dma_start3A_8 = tpu.memref_squeeze %dma_start3A_7 : memref<1x128xi32, #tpu.memory_space<vmem>> -> memref<128xi32, #tpu.memory_space<vmem>>
    %dma_start3A_9 = arith.constant 0 : i32
    %dma_start3A_10 = arith.constant 0 : i32
    %dma_start3A_11 = tpu.memref_slice %arg2[%dma_start3A_9, %dma_start3A_10] : memref<131072x128xf32, #tpu.memory_space<hbm>> -> memref<131072x128xf32, #tpu.memory_space<hbm>>
    tpu.enqueue_indirect_dma source(%dma_start3A_11 : memref<131072x128xf32, #tpu.memory_space<hbm>>) target(%dma_start3A_5 : memref<128x128xf32, #tpu.memory_space<vmem>>) offsets(%dma_start3A_8 : memref<128xi32, #tpu.memory_space<vmem>>) semaphore(%arg10 : memref<!tpu.dma_semaphore, #tpu.memory_space<semaphore_mem>>)
    %scan3A = arith.constant 0 : i32
    %scan3A_12 = arith.constant 0 : i32
    %scan3A_13 = arith.constant 13 : i32
    %scan3A_14 = arith.addi %scan3A_12, %scan3A_13 : i32
    %scan3A_15 = arith.constant 1 : i32
    %scan3A_16 = scf.for %scan3A_20 = %scan3A_12 to %scan3A_14 step %scan3A_15 iter_args(%scan3A_21 = %scan3A) -> (i32)  : i32 {
      %mul3A_22 = arith.constant 2 : i32
      %mul3A_23 = arith.muli %mul3A_22, %scan3A_20 : i32
      %add3A_24 = arith.constant 1 : i32
      %add3A_25 = arith.addi %mul3A_23, %add3A_24 : i32
      %lt3A = arith.constant 26 : i32
      %lt3A_26 = arith.cmpi slt, %add3A_25, %lt3A : i32
      %convert_element_type3A = arith.extui %lt3A_26 : i1 to i32
      %cond3A = arith.constant 0 : i32
      %cond3A_27 = arith.cmpi ne, %convert_element_type3A, %cond3A : i32
      scf.if %cond3A_27 {
        %mul3A_68 = arith.constant 2 : i32
        %mul3A_69 = arith.muli %mul3A_68, %scan3A_20 : i32
        %add3A_70 = arith.constant 1 : i32
        %add3A_71 = arith.addi %mul3A_69, %add3A_70 : i32
        %dma_start3A_72 = arith.constant 1 : i32
        %dma_start3A_73 = arith.constant 0 : i32
        %dma_start3A_74 = arith.constant 0 : i32
        %dma_start3A_75 = tpu.memref_slice %arg8[%dma_start3A_72, %dma_start3A_73, %dma_start3A_74] : memref<2x128x128xf32, #tpu.memory_space<vmem>> -> memref<1x128x128xf32, #tpu.memory_space<vmem>>
        %dma_start3A_76 = tpu.memref_squeeze %dma_start3A_75 : memref<1x128x128xf32, #tpu.memory_space<vmem>> -> memref<128x128xf32, #tpu.memory_space<vmem>>
        %dma_start3A_77 = arith.constant 0 : i32
        %dma_start3A_78 = tpu.memref_slice %arg6[%add3A_71, %dma_start3A_77] : memref<26x128xi32, #tpu.memory_space<vmem>> -> memref<1x128xi32, #tpu.memory_space<vmem>>
        %dma_start3A_79 = tpu.memref_squeeze %dma_start3A_78 : memref<1x128xi32, #tpu.memory_space<vmem>> -> memref<128xi32, #tpu.memory_space<vmem>>
        %dma_start3A_80 = arith.constant 0 : i32
        %dma_start3A_81 = arith.constant 0 : i32
        %dma_start3A_82 = tpu.memref_slice %arg2[%dma_start3A_80, %dma_start3A_81] : memref<131072x128xf32, #tpu.memory_space<hbm>> -> memref<131072x128xf32, #tpu.memory_space<hbm>>
        tpu.enqueue_indirect_dma source(%dma_start3A_82 : memref<131072x128xf32, #tpu.memory_space<hbm>>) target(%dma_start3A_76 : memref<128x128xf32, #tpu.memory_space<vmem>>) offsets(%dma_start3A_79 : memref<128xi32, #tpu.memory_space<vmem>>) semaphore(%arg11 : memref<!tpu.dma_semaphore, #tpu.memory_space<semaphore_mem>>)
      } else {
      }
      %mul3A_28 = arith.constant 2 : i32
      %mul3A_29 = arith.muli %mul3A_28, %scan3A_20 : i32
      %dma_wait3A = arith.constant 0 : i32
      %dma_wait3A_30 = arith.constant 0 : i32
      %dma_wait3A_31 = arith.constant 0 : i32
      %dma_wait3A_32 = tpu.memref_slice %arg8[%dma_wait3A, %dma_wait3A_30, %dma_wait3A_31] : memref<2x128x128xf32, #tpu.memory_space<vmem>> -> memref<1x128x128xf32, #tpu.memory_space<vmem>>
      %dma_wait3A_33 = tpu.memref_squeeze %dma_wait3A_32 : memref<1x128x128xf32, #tpu.memory_space<vmem>> -> memref<128x128xf32, #tpu.memory_space<vmem>>
      %dma_wait3A_34 = arith.constant 0 : i32
      %dma_wait3A_35 = tpu.memref_slice %arg6[%mul3A_29, %dma_wait3A_34] : memref<26x128xi32, #tpu.memory_space<vmem>> -> memref<1x128xi32, #tpu.memory_space<vmem>>
      %dma_wait3A_36 = tpu.memref_squeeze %dma_wait3A_35 : memref<1x128xi32, #tpu.memory_space<vmem>> -> memref<128xi32, #tpu.memory_space<vmem>>
      %dma_wait3A_37 = arith.constant 0 : i32
      %dma_wait3A_38 = arith.constant 0 : i32
      %dma_wait3A_39 = tpu.memref_slice %arg2[%dma_wait3A_37, %dma_wait3A_38] : memref<131072x128xf32, #tpu.memory_space<hbm>> -> memref<131072x128xf32, #tpu.memory_space<hbm>>
      tpu.wait_indirect_dma semaphore(%arg10 : memref<!tpu.dma_semaphore, #tpu.memory_space<semaphore_mem>>) src(%dma_wait3A_39 : memref<131072x128xf32, #tpu.memory_space<hbm>>) dst(%dma_wait3A_33 : memref<128x128xf32, #tpu.memory_space<vmem>>)
      %mul3A_40 = arith.constant 2 : i32
      %mul3A_41 = arith.muli %mul3A_40, %scan3A_20 : i32
      %scan3A_42 = arith.constant 0 : i32
      %scan3A_43 = arith.constant 0 : i32
      %scan3A_44 = arith.constant 8 : i32
      %scan3A_45 = arith.addi %scan3A_43, %scan3A_44 : i32
      %scan3A_46 = arith.constant 1 : i32
      %scan3A_47 = scf.for %scan3A_68 = %scan3A_43 to %scan3A_45 step %scan3A_46 iter_args(%scan3A_69 = %scan3A_42) -> (i32)  : i32 {
        %mul3A_70 = arith.constant 128 : i32
        %mul3A_71 = arith.muli %mul3A_41, %mul3A_70 : i32
        %mul3A_72 = arith.constant 16 : i32
        %mul3A_73 = arith.muli %scan3A_68, %mul3A_72 : i32
        %add3A_74 = arith.addi %mul3A_71, %mul3A_73 : i32
        %get3A = arith.index_cast %add3A_74 : i32 to index
        %get3A_75 = tpu.vector_load %arg7[%get3A] {strides = array<i32>} : memref<3328xi32, #tpu.memory_space<vmem>>, vector<16xi32>,
        %mul3A_76 = arith.constant 16 : i32
        %mul3A_77 = arith.muli %scan3A_68, %mul3A_76 : i32
        %add3A_78 = vector.broadcast %mul3A_77 : i32 to vector<16xi32>
        %add3A_79 = arith.addi %iota3A, %add3A_78 : vector<16xi32>
        %add3A_80 = vector.broadcast %add3A_74 : i32 to vector<16xi32>
        %add3A_81 = arith.addi %iota3A, %add3A_80 : vector<16xi32>
        %broadcast_in_dim3A = arith.constant 0 : i32
        %broadcast_in_dim3A_82 = vector.broadcast %broadcast_in_dim3A : i32 to vector<16xi32>
        %add3A_83 = arith.constant 0 : i32
        %add3A_84 = vector.broadcast %add3A_83 : i32 to vector<16xi32>
        %add3A_85 = arith.addi %get3A_75, %add3A_84 : vector<16xi32>
        %gather3A = tpu.vector_load_idx %arg8[%broadcast_in_dim3A_82, %add3A_79, %add3A_85] : memref<2x128x128xf32, #tpu.memory_space<vmem>>[vector<16xi32>, vector<16xi32>, vector<16xi32>], vector<16xf32>,
        %broadcast_in_dim3A_86 = arith.constant 0 : i32
        %broadcast_in_dim3A_87 = vector.broadcast %broadcast_in_dim3A_86 : i32 to vector<16xi32>
        tpu.vector_store_idx %arg9[%add3A_81, %broadcast_in_dim3A_87], %gather3A : memref<3328x16xf32, #tpu.memory_space<vmem>>[vector<16xi32>, vector<16xi32>], vector<16xf32>,
        %add3A_88 = arith.constant 1 : i32
        %add3A_89 = vector.broadcast %add3A_88 : i32 to vector<16xi32>
        %add3A_90 = arith.addi %get3A_75, %add3A_89 : vector<16xi32>
        %gather3A_91 = tpu.vector_load_idx %arg8[%broadcast_in_dim3A_82, %add3A_79, %add3A_90] : memref<2x128x128xf32, #tpu.memory_space<vmem>>[vector<16xi32>, vector<16xi32>, vector<16xi32>], vector<16xf32>,
        %broadcast_in_dim3A_92 = arith.constant 1 : i32
        %broadcast_in_dim3A_93 = vector.broadcast %broadcast_in_dim3A_92 : i32 to vector<16xi32>
        tpu.vector_store_idx %arg9[%add3A_81, %broadcast_in_dim3A_93], %gather3A_91 : memref<3328x16xf32, #tpu.memory_space<vmem>>[vector<16xi32>, vector<16xi32>], vector<16xf32>,
        %add3A_94 = arith.constant 2 : i32
        %add3A_95 = vector.broadcast %add3A_94 : i32 to vector<16xi32>
        %add3A_96 = arith.addi %get3A_75, %add3A_95 : vector<16xi32>
        %gather3A_97 = tpu.vector_load_idx %arg8[%broadcast_in_dim3A_82, %add3A_79, %add3A_96] : memref<2x128x128xf32, #tpu.memory_space<vmem>>[vector<16xi32>, vector<16xi32>, vector<16xi32>], vector<16xf32>,
        %broadcast_in_dim3A_98 = arith.constant 2 : i32
        %broadcast_in_dim3A_99 = vector.broadcast %broadcast_in_dim3A_98 : i32 to vector<16xi32>
        tpu.vector_store_idx %arg9[%add3A_81, %broadcast_in_dim3A_99], %gather3A_97 : memref<3328x16xf32, #tpu.memory_space<vmem>>[vector<16xi32>, vector<16xi32>], vector<16xf32>,
        %add3A_100 = arith.constant 3 : i32
        %add3A_101 = vector.broadcast %add3A_100 : i32 to vector<16xi32>
        %add3A_102 = arith.addi %get3A_75, %add3A_101 : vector<16xi32>
        %gather3A_103 = tpu.vector_load_idx %arg8[%broadcast_in_dim3A_82, %add3A_79, %add3A_102] : memref<2x128x128xf32, #tpu.memory_space<vmem>>[vector<16xi32>, vector<16xi32>, vector<16xi32>], vector<16xf32>,
        %broadcast_in_dim3A_104 = arith.constant 3 : i32
        %broadcast_in_dim3A_105 = vector.broadcast %broadcast_in_dim3A_104 : i32 to vector<16xi32>
        tpu.vector_store_idx %arg9[%add3A_81, %broadcast_in_dim3A_105], %gather3A_103 : memref<3328x16xf32, #tpu.memory_space<vmem>>[vector<16xi32>, vector<16xi32>], vector<16xf32>,
        %add3A_106 = arith.constant 4 : i32
        %add3A_107 = vector.broadcast %add3A_106 : i32 to vector<16xi32>
        %add3A_108 = arith.addi %get3A_75, %add3A_107 : vector<16xi32>
        %gather3A_109 = tpu.vector_load_idx %arg8[%broadcast_in_dim3A_82, %add3A_79, %add3A_108] : memref<2x128x128xf32, #tpu.memory_space<vmem>>[vector<16xi32>, vector<16xi32>, vector<16xi32>], vector<16xf32>,
        %broadcast_in_dim3A_110 = arith.constant 4 : i32
        %broadcast_in_dim3A_111 = vector.broadcast %broadcast_in_dim3A_110 : i32 to vector<16xi32>
        tpu.vector_store_idx %arg9[%add3A_81, %broadcast_in_dim3A_111], %gather3A_109 : memref<3328x16xf32, #tpu.memory_space<vmem>>[vector<16xi32>, vector<16xi32>], vector<16xf32>,
        %add3A_112 = arith.constant 5 : i32
        %add3A_113 = vector.broadcast %add3A_112 : i32 to vector<16xi32>
        %add3A_114 = arith.addi %get3A_75, %add3A_113 : vector<16xi32>
        %gather3A_115 = tpu.vector_load_idx %arg8[%broadcast_in_dim3A_82, %add3A_79, %add3A_114] : memref<2x128x128xf32, #tpu.memory_space<vmem>>[vector<16xi32>, vector<16xi32>, vector<16xi32>], vector<16xf32>,
        %broadcast_in_dim3A_116 = arith.constant 5 : i32
        %broadcast_in_dim3A_117 = vector.broadcast %broadcast_in_dim3A_116 : i32 to vector<16xi32>
        tpu.vector_store_idx %arg9[%add3A_81, %broadcast_in_dim3A_117], %gather3A_115 : memref<3328x16xf32, #tpu.memory_space<vmem>>[vector<16xi32>, vector<16xi32>], vector<16xf32>,
        %add3A_118 = arith.constant 6 : i32
        %add3A_119 = vector.broadcast %add3A_118 : i32 to vector<16xi32>
        %add3A_120 = arith.addi %get3A_75, %add3A_119 : vector<16xi32>
        %gather3A_121 = tpu.vector_load_idx %arg8[%broadcast_in_dim3A_82, %add3A_79, %add3A_120] : memref<2x128x128xf32, #tpu.memory_space<vmem>>[vector<16xi32>, vector<16xi32>, vector<16xi32>], vector<16xf32>,
        %broadcast_in_dim3A_122 = arith.constant 6 : i32
        %broadcast_in_dim3A_123 = vector.broadcast %broadcast_in_dim3A_122 : i32 to vector<16xi32>
        tpu.vector_store_idx %arg9[%add3A_81, %broadcast_in_dim3A_123], %gather3A_121 : memref<3328x16xf32, #tpu.memory_space<vmem>>[vector<16xi32>, vector<16xi32>], vector<16xf32>,
        %add3A_124 = arith.constant 7 : i32
        %add3A_125 = vector.broadcast %add3A_124 : i32 to vector<16xi32>
        %add3A_126 = arith.addi %get3A_75, %add3A_125 : vector<16xi32>
        %gather3A_127 = tpu.vector_load_idx %arg8[%broadcast_in_dim3A_82, %add3A_79, %add3A_126] : memref<2x128x128xf32, #tpu.memory_space<vmem>>[vector<16xi32>, vector<16xi32>, vector<16xi32>], vector<16xf32>,
        %broadcast_in_dim3A_128 = arith.constant 7 : i32
        %broadcast_in_dim3A_129 = vector.broadcast %broadcast_in_dim3A_128 : i32 to vector<16xi32>
        tpu.vector_store_idx %arg9[%add3A_81, %broadcast_in_dim3A_129], %gather3A_127 : memref<3328x16xf32, #tpu.memory_space<vmem>>[vector<16xi32>, vector<16xi32>], vector<16xf32>,
        %add3A_130 = arith.constant 8 : i32
        %add3A_131 = vector.broadcast %add3A_130 : i32 to vector<16xi32>
        %add3A_132 = arith.addi %get3A_75, %add3A_131 : vector<16xi32>
        %gather3A_133 = tpu.vector_load_idx %arg8[%broadcast_in_dim3A_82, %add3A_79, %add3A_132] : memref<2x128x128xf32, #tpu.memory_space<vmem>>[vector<16xi32>, vector<16xi32>, vector<16xi32>], vector<16xf32>,
        %broadcast_in_dim3A_134 = arith.constant 8 : i32
        %broadcast_in_dim3A_135 = vector.broadcast %broadcast_in_dim3A_134 : i32 to vector<16xi32>
        tpu.vector_store_idx %arg9[%add3A_81, %broadcast_in_dim3A_135], %gather3A_133 : memref<3328x16xf32, #tpu.memory_space<vmem>>[vector<16xi32>, vector<16xi32>], vector<16xf32>,
        %add3A_136 = arith.constant 9 : i32
        %add3A_137 = vector.broadcast %add3A_136 : i32 to vector<16xi32>
        %add3A_138 = arith.addi %get3A_75, %add3A_137 : vector<16xi32>
        %gather3A_139 = tpu.vector_load_idx %arg8[%broadcast_in_dim3A_82, %add3A_79, %add3A_138] : memref<2x128x128xf32, #tpu.memory_space<vmem>>[vector<16xi32>, vector<16xi32>, vector<16xi32>], vector<16xf32>,
        %broadcast_in_dim3A_140 = arith.constant 9 : i32
        %broadcast_in_dim3A_141 = vector.broadcast %broadcast_in_dim3A_140 : i32 to vector<16xi32>
        tpu.vector_store_idx %arg9[%add3A_81, %broadcast_in_dim3A_141], %gather3A_139 : memref<3328x16xf32, #tpu.memory_space<vmem>>[vector<16xi32>, vector<16xi32>], vector<16xf32>,
        %add3A_142 = arith.constant 10 : i32
        %add3A_143 = vector.broadcast %add3A_142 : i32 to vector<16xi32>
        %add3A_144 = arith.addi %get3A_75, %add3A_143 : vector<16xi32>
        %gather3A_145 = tpu.vector_load_idx %arg8[%broadcast_in_dim3A_82, %add3A_79, %add3A_144] : memref<2x128x128xf32, #tpu.memory_space<vmem>>[vector<16xi32>, vector<16xi32>, vector<16xi32>], vector<16xf32>,
        %broadcast_in_dim3A_146 = arith.constant 10 : i32
        %broadcast_in_dim3A_147 = vector.broadcast %broadcast_in_dim3A_146 : i32 to vector<16xi32>
        tpu.vector_store_idx %arg9[%add3A_81, %broadcast_in_dim3A_147], %gather3A_145 : memref<3328x16xf32, #tpu.memory_space<vmem>>[vector<16xi32>, vector<16xi32>], vector<16xf32>,
        %add3A_148 = arith.constant 11 : i32
        %add3A_149 = vector.broadcast %add3A_148 : i32 to vector<16xi32>
        %add3A_150 = arith.addi %get3A_75, %add3A_149 : vector<16xi32>
        %gather3A_151 = tpu.vector_load_idx %arg8[%broadcast_in_dim3A_82, %add3A_79, %add3A_150] : memref<2x128x128xf32, #tpu.memory_space<vmem>>[vector<16xi32>, vector<16xi32>, vector<16xi32>], vector<16xf32>,
        %broadcast_in_dim3A_152 = arith.constant 11 : i32
        %broadcast_in_dim3A_153 = vector.broadcast %broadcast_in_dim3A_152 : i32 to vector<16xi32>
        tpu.vector_store_idx %arg9[%add3A_81, %broadcast_in_dim3A_153], %gather3A_151 : memref<3328x16xf32, #tpu.memory_space<vmem>>[vector<16xi32>, vector<16xi32>], vector<16xf32>,
        %add3A_154 = arith.constant 12 : i32
        %add3A_155 = vector.broadcast %add3A_154 : i32 to vector<16xi32>
        %add3A_156 = arith.addi %get3A_75, %add3A_155 : vector<16xi32>
        %gather3A_157 = tpu.vector_load_idx %arg8[%broadcast_in_dim3A_82, %add3A_79, %add3A_156] : memref<2x128x128xf32, #tpu.memory_space<vmem>>[vector<16xi32>, vector<16xi32>, vector<16xi32>], vector<16xf32>,
        %broadcast_in_dim3A_158 = arith.constant 12 : i32
        %broadcast_in_dim3A_159 = vector.broadcast %broadcast_in_dim3A_158 : i32 to vector<16xi32>
        tpu.vector_store_idx %arg9[%add3A_81, %broadcast_in_dim3A_159], %gather3A_157 : memref<3328x16xf32, #tpu.memory_space<vmem>>[vector<16xi32>, vector<16xi32>], vector<16xf32>,
        %add3A_160 = arith.constant 13 : i32
        %add3A_161 = vector.broadcast %add3A_160 : i32 to vector<16xi32>
        %add3A_162 = arith.addi %get3A_75, %add3A_161 : vector<16xi32>
        %gather3A_163 = tpu.vector_load_idx %arg8[%broadcast_in_dim3A_82, %add3A_79, %add3A_162] : memref<2x128x128xf32, #tpu.memory_space<vmem>>[vector<16xi32>, vector<16xi32>, vector<16xi32>], vector<16xf32>,
        %broadcast_in_dim3A_164 = arith.constant 13 : i32
        %broadcast_in_dim3A_165 = vector.broadcast %broadcast_in_dim3A_164 : i32 to vector<16xi32>
        tpu.vector_store_idx %arg9[%add3A_81, %broadcast_in_dim3A_165], %gather3A_163 : memref<3328x16xf32, #tpu.memory_space<vmem>>[vector<16xi32>, vector<16xi32>], vector<16xf32>,
        %add3A_166 = arith.constant 14 : i32
        %add3A_167 = vector.broadcast %add3A_166 : i32 to vector<16xi32>
        %add3A_168 = arith.addi %get3A_75, %add3A_167 : vector<16xi32>
        %gather3A_169 = tpu.vector_load_idx %arg8[%broadcast_in_dim3A_82, %add3A_79, %add3A_168] : memref<2x128x128xf32, #tpu.memory_space<vmem>>[vector<16xi32>, vector<16xi32>, vector<16xi32>], vector<16xf32>,
        %broadcast_in_dim3A_170 = arith.constant 14 : i32
        %broadcast_in_dim3A_171 = vector.broadcast %broadcast_in_dim3A_170 : i32 to vector<16xi32>
        tpu.vector_store_idx %arg9[%add3A_81, %broadcast_in_dim3A_171], %gather3A_169 : memref<3328x16xf32, #tpu.memory_space<vmem>>[vector<16xi32>, vector<16xi32>], vector<16xf32>,
        %add3A_172 = arith.constant 15 : i32
        %add3A_173 = vector.broadcast %add3A_172 : i32 to vector<16xi32>
        %add3A_174 = arith.addi %get3A_75, %add3A_173 : vector<16xi32>
        %gather3A_175 = tpu.vector_load_idx %arg8[%broadcast_in_dim3A_82, %add3A_79, %add3A_174] : memref<2x128x128xf32, #tpu.memory_space<vmem>>[vector<16xi32>, vector<16xi32>, vector<16xi32>], vector<16xf32>,
        %broadcast_in_dim3A_176 = arith.constant 15 : i32
        %broadcast_in_dim3A_177 = vector.broadcast %broadcast_in_dim3A_176 : i32 to vector<16xi32>
        tpu.vector_store_idx %arg9[%add3A_81, %broadcast_in_dim3A_177], %gather3A_175 : memref<3328x16xf32, #tpu.memory_space<vmem>>[vector<16xi32>, vector<16xi32>], vector<16xf32>,
        %scan3A_178 = arith.constant 0 : i32
        scf.yield %scan3A_178 : i32
      }
      %scan3A_48 = arith.constant 8 : i32
      %mul3A_49 = arith.constant 2 : i32
      %mul3A_50 = arith.muli %mul3A_49, %scan3A_20 : i32
      %add3A_51 = arith.constant 2 : i32
      %add3A_52 = arith.addi %mul3A_50, %add3A_51 : i32
      %lt3A_53 = arith.constant 26 : i32
      %lt3A_54 = arith.cmpi slt, %add3A_52, %lt3A_53 : i32
      %convert_element_type3A_55 = arith.extui %lt3A_54 : i1 to i32
      %cond3A_56 = arith.constant 0 : i32
      %cond3A_57 = arith.cmpi ne, %convert_element_type3A_55, %cond3A_56 : i32
      scf.if %cond3A_57 {
        %mul3A_68 = arith.constant 2 : i32
        %mul3A_69 = arith.muli %mul3A_68, %scan3A_20 : i32
        %add3A_70 = arith.constant 2 : i32
        %add3A_71 = arith.addi %mul3A_69, %add3A_70 : i32
        %dma_start3A_72 = arith.constant 0 : i32
        %dma_start3A_73 = arith.constant 0 : i32
        %dma_start3A_74 = arith.constant 0 : i32
        %dma_start3A_75 = tpu.memref_slice %arg8[%dma_start3A_72, %dma_start3A_73, %dma_start3A_74] : memref<2x128x128xf32, #tpu.memory_space<vmem>> -> memref<1x128x128xf32, #tpu.memory_space<vmem>>
        %dma_start3A_76 = tpu.memref_squeeze %dma_start3A_75 : memref<1x128x128xf32, #tpu.memory_space<vmem>> -> memref<128x128xf32, #tpu.memory_space<vmem>>
        %dma_start3A_77 = arith.constant 0 : i32
        %dma_start3A_78 = tpu.memref_slice %arg6[%add3A_71, %dma_start3A_77] : memref<26x128xi32, #tpu.memory_space<vmem>> -> memref<1x128xi32, #tpu.memory_space<vmem>>
        %dma_start3A_79 = tpu.memref_squeeze %dma_start3A_78 : memref<1x128xi32, #tpu.memory_space<vmem>> -> memref<128xi32, #tpu.memory_space<vmem>>
        %dma_start3A_80 = arith.constant 0 : i32
        %dma_start3A_81 = arith.constant 0 : i32
        %dma_start3A_82 = tpu.memref_slice %arg2[%dma_start3A_80, %dma_start3A_81] : memref<131072x128xf32, #tpu.memory_space<hbm>> -> memref<131072x128xf32, #tpu.memory_space<hbm>>
        tpu.enqueue_indirect_dma source(%dma_start3A_82 : memref<131072x128xf32, #tpu.memory_space<hbm>>) target(%dma_start3A_76 : memref<128x128xf32, #tpu.memory_space<vmem>>) offsets(%dma_start3A_79 : memref<128xi32, #tpu.memory_space<vmem>>) semaphore(%arg10 : memref<!tpu.dma_semaphore, #tpu.memory_space<semaphore_mem>>)
      } else {
      }
      %mul3A_58 = arith.constant 2 : i32
      %mul3A_59 = arith.muli %mul3A_58, %scan3A_20 : i32
      %add3A_60 = arith.constant 1 : i32
      %add3A_61 = arith.addi %mul3A_59, %add3A_60 : i32
      %lt3A_62 = arith.constant 26 : i32
      %lt3A_63 = arith.cmpi slt, %add3A_61, %lt3A_62 : i32
      %convert_element_type3A_64 = arith.extui %lt3A_63 : i1 to i32
      %cond3A_65 = arith.constant 0 : i32
      %cond3A_66 = arith.cmpi ne, %convert_element_type3A_64, %cond3A_65 : i32
      scf.if %cond3A_66 {
        %mul3A_68 = arith.constant 2 : i32
        %mul3A_69 = arith.muli %mul3A_68, %scan3A_20 : i32
        %add3A_70 = arith.constant 1 : i32
        %add3A_71 = arith.addi %mul3A_69, %add3A_70 : i32
        %dma_wait3A_72 = arith.constant 1 : i32
        %dma_wait3A_73 = arith.constant 0 : i32
        %dma_wait3A_74 = arith.constant 0 : i32
        %dma_wait3A_75 = tpu.memref_slice %arg8[%dma_wait3A_72, %dma_wait3A_73, %dma_wait3A_74] : memref<2x128x128xf32, #tpu.memory_space<vmem>> -> memref<1x128x128xf32, #tpu.memory_space<vmem>>
        %dma_wait3A_76 = tpu.memref_squeeze %dma_wait3A_75 : memref<1x128x128xf32, #tpu.memory_space<vmem>> -> memref<128x128xf32, #tpu.memory_space<vmem>>
        %dma_wait3A_77 = arith.constant 0 : i32
        %dma_wait3A_78 = tpu.memref_slice %arg6[%add3A_71, %dma_wait3A_77] : memref<26x128xi32, #tpu.memory_space<vmem>> -> memref<1x128xi32, #tpu.memory_space<vmem>>
        %dma_wait3A_79 = tpu.memref_squeeze %dma_wait3A_78 : memref<1x128xi32, #tpu.memory_space<vmem>> -> memref<128xi32, #tpu.memory_space<vmem>>
        %dma_wait3A_80 = arith.constant 0 : i32
        %dma_wait3A_81 = arith.constant 0 : i32
        %dma_wait3A_82 = tpu.memref_slice %arg2[%dma_wait3A_80, %dma_wait3A_81] : memref<131072x128xf32, #tpu.memory_space<hbm>> -> memref<131072x128xf32, #tpu.memory_space<hbm>>
        tpu.wait_indirect_dma semaphore(%arg11 : memref<!tpu.dma_semaphore, #tpu.memory_space<semaphore_mem>>) src(%dma_wait3A_82 : memref<131072x128xf32, #tpu.memory_space<hbm>>) dst(%dma_wait3A_76 : memref<128x128xf32, #tpu.memory_space<vmem>>)
        %mul3A_83 = arith.constant 2 : i32
        %mul3A_84 = arith.muli %mul3A_83, %scan3A_20 : i32
        %add3A_85 = arith.constant 1 : i32
        %add3A_86 = arith.addi %mul3A_84, %add3A_85 : i32
        %scan3A_87 = arith.constant 0 : i32
        %scan3A_88 = arith.constant 0 : i32
        %scan3A_89 = arith.constant 8 : i32
        %scan3A_90 = arith.addi %scan3A_88, %scan3A_89 : i32
        %scan3A_91 = arith.constant 1 : i32
        %scan3A_92 = scf.for %scan3A_94 = %scan3A_88 to %scan3A_90 step %scan3A_91 iter_args(%scan3A_95 = %scan3A_87) -> (i32)  : i32 {
          %mul3A_96 = arith.constant 128 : i32
          %mul3A_97 = arith.muli %add3A_86, %mul3A_96 : i32
          %mul3A_98 = arith.constant 16 : i32
          %mul3A_99 = arith.muli %scan3A_94, %mul3A_98 : i32
          %add3A_100 = arith.addi %mul3A_97, %mul3A_99 : i32
          %get3A = arith.index_cast %add3A_100 : i32 to index
          %get3A_101 = tpu.vector_load %arg7[%get3A] {strides = array<i32>} : memref<3328xi32, #tpu.memory_space<vmem>>, vector<16xi32>,
          %mul3A_102 = arith.constant 16 : i32
          %mul3A_103 = arith.muli %scan3A_94, %mul3A_102 : i32
          %add3A_104 = vector.broadcast %mul3A_103 : i32 to vector<16xi32>
          %add3A_105 = arith.addi %iota3A, %add3A_104 : vector<16xi32>
          %add3A_106 = vector.broadcast %add3A_100 : i32 to vector<16xi32>
          %add3A_107 = arith.addi %iota3A, %add3A_106 : vector<16xi32>
          %broadcast_in_dim3A = arith.constant 1 : i32
          %broadcast_in_dim3A_108 = vector.broadcast %broadcast_in_dim3A : i32 to vector<16xi32>
          %add3A_109 = arith.constant 0 : i32
          %add3A_110 = vector.broadcast %add3A_109 : i32 to vector<16xi32>
          %add3A_111 = arith.addi %get3A_101, %add3A_110 : vector<16xi32>
          %gather3A = tpu.vector_load_idx %arg8[%broadcast_in_dim3A_108, %add3A_105, %add3A_111] : memref<2x128x128xf32, #tpu.memory_space<vmem>>[vector<16xi32>, vector<16xi32>, vector<16xi32>], vector<16xf32>,
          %broadcast_in_dim3A_112 = arith.constant 0 : i32
          %broadcast_in_dim3A_113 = vector.broadcast %broadcast_in_dim3A_112 : i32 to vector<16xi32>
          tpu.vector_store_idx %arg9[%add3A_107, %broadcast_in_dim3A_113], %gather3A : memref<3328x16xf32, #tpu.memory_space<vmem>>[vector<16xi32>, vector<16xi32>], vector<16xf32>,
          %add3A_114 = arith.constant 1 : i32
          %add3A_115 = vector.broadcast %add3A_114 : i32 to vector<16xi32>
          %add3A_116 = arith.addi %get3A_101, %add3A_115 : vector<16xi32>
          %gather3A_117 = tpu.vector_load_idx %arg8[%broadcast_in_dim3A_108, %add3A_105, %add3A_116] : memref<2x128x128xf32, #tpu.memory_space<vmem>>[vector<16xi32>, vector<16xi32>, vector<16xi32>], vector<16xf32>,
          %broadcast_in_dim3A_118 = arith.constant 1 : i32
          %broadcast_in_dim3A_119 = vector.broadcast %broadcast_in_dim3A_118 : i32 to vector<16xi32>
          tpu.vector_store_idx %arg9[%add3A_107, %broadcast_in_dim3A_119], %gather3A_117 : memref<3328x16xf32, #tpu.memory_space<vmem>>[vector<16xi32>, vector<16xi32>], vector<16xf32>,
          %add3A_120 = arith.constant 2 : i32
          %add3A_121 = vector.broadcast %add3A_120 : i32 to vector<16xi32>
          %add3A_122 = arith.addi %get3A_101, %add3A_121 : vector<16xi32>
          %gather3A_123 = tpu.vector_load_idx %arg8[%broadcast_in_dim3A_108, %add3A_105, %add3A_122] : memref<2x128x128xf32, #tpu.memory_space<vmem>>[vector<16xi32>, vector<16xi32>, vector<16xi32>], vector<16xf32>,
          %broadcast_in_dim3A_124 = arith.constant 2 : i32
          %broadcast_in_dim3A_125 = vector.broadcast %broadcast_in_dim3A_124 : i32 to vector<16xi32>
          tpu.vector_store_idx %arg9[%add3A_107, %broadcast_in_dim3A_125], %gather3A_123 : memref<3328x16xf32, #tpu.memory_space<vmem>>[vector<16xi32>, vector<16xi32>], vector<16xf32>,
          %add3A_126 = arith.constant 3 : i32
          %add3A_127 = vector.broadcast %add3A_126 : i32 to vector<16xi32>
          %add3A_128 = arith.addi %get3A_101, %add3A_127 : vector<16xi32>
          %gather3A_129 = tpu.vector_load_idx %arg8[%broadcast_in_dim3A_108, %add3A_105, %add3A_128] : memref<2x128x128xf32, #tpu.memory_space<vmem>>[vector<16xi32>, vector<16xi32>, vector<16xi32>], vector<16xf32>,
          %broadcast_in_dim3A_130 = arith.constant 3 : i32
          %broadcast_in_dim3A_131 = vector.broadcast %broadcast_in_dim3A_130 : i32 to vector<16xi32>
          tpu.vector_store_idx %arg9[%add3A_107, %broadcast_in_dim3A_131], %gather3A_129 : memref<3328x16xf32, #tpu.memory_space<vmem>>[vector<16xi32>, vector<16xi32>], vector<16xf32>,
          %add3A_132 = arith.constant 4 : i32
          %add3A_133 = vector.broadcast %add3A_132 : i32 to vector<16xi32>
          %add3A_134 = arith.addi %get3A_101, %add3A_133 : vector<16xi32>
          %gather3A_135 = tpu.vector_load_idx %arg8[%broadcast_in_dim3A_108, %add3A_105, %add3A_134] : memref<2x128x128xf32, #tpu.memory_space<vmem>>[vector<16xi32>, vector<16xi32>, vector<16xi32>], vector<16xf32>,
          %broadcast_in_dim3A_136 = arith.constant 4 : i32
          %broadcast_in_dim3A_137 = vector.broadcast %broadcast_in_dim3A_136 : i32 to vector<16xi32>
          tpu.vector_store_idx %arg9[%add3A_107, %broadcast_in_dim3A_137], %gather3A_135 : memref<3328x16xf32, #tpu.memory_space<vmem>>[vector<16xi32>, vector<16xi32>], vector<16xf32>,
          %add3A_138 = arith.constant 5 : i32
          %add3A_139 = vector.broadcast %add3A_138 : i32 to vector<16xi32>
          %add3A_140 = arith.addi %get3A_101, %add3A_139 : vector<16xi32>
          %gather3A_141 = tpu.vector_load_idx %arg8[%broadcast_in_dim3A_108, %add3A_105, %add3A_140] : memref<2x128x128xf32, #tpu.memory_space<vmem>>[vector<16xi32>, vector<16xi32>, vector<16xi32>], vector<16xf32>,
          %broadcast_in_dim3A_142 = arith.constant 5 : i32
          %broadcast_in_dim3A_143 = vector.broadcast %broadcast_in_dim3A_142 : i32 to vector<16xi32>
          tpu.vector_store_idx %arg9[%add3A_107, %broadcast_in_dim3A_143], %gather3A_141 : memref<3328x16xf32, #tpu.memory_space<vmem>>[vector<16xi32>, vector<16xi32>], vector<16xf32>,
          %add3A_144 = arith.constant 6 : i32
          %add3A_145 = vector.broadcast %add3A_144 : i32 to vector<16xi32>
          %add3A_146 = arith.addi %get3A_101, %add3A_145 : vector<16xi32>
          %gather3A_147 = tpu.vector_load_idx %arg8[%broadcast_in_dim3A_108, %add3A_105, %add3A_146] : memref<2x128x128xf32, #tpu.memory_space<vmem>>[vector<16xi32>, vector<16xi32>, vector<16xi32>], vector<16xf32>,
          %broadcast_in_dim3A_148 = arith.constant 6 : i32
          %broadcast_in_dim3A_149 = vector.broadcast %broadcast_in_dim3A_148 : i32 to vector<16xi32>
          tpu.vector_store_idx %arg9[%add3A_107, %broadcast_in_dim3A_149], %gather3A_147 : memref<3328x16xf32, #tpu.memory_space<vmem>>[vector<16xi32>, vector<16xi32>], vector<16xf32>,
          %add3A_150 = arith.constant 7 : i32
          %add3A_151 = vector.broadcast %add3A_150 : i32 to vector<16xi32>
          %add3A_152 = arith.addi %get3A_101, %add3A_151 : vector<16xi32>
          %gather3A_153 = tpu.vector_load_idx %arg8[%broadcast_in_dim3A_108, %add3A_105, %add3A_152] : memref<2x128x128xf32, #tpu.memory_space<vmem>>[vector<16xi32>, vector<16xi32>, vector<16xi32>], vector<16xf32>,
          %broadcast_in_dim3A_154 = arith.constant 7 : i32
          %broadcast_in_dim3A_155 = vector.broadcast %broadcast_in_dim3A_154 : i32 to vector<16xi32>
          tpu.vector_store_idx %arg9[%add3A_107, %broadcast_in_dim3A_155], %gather3A_153 : memref<3328x16xf32, #tpu.memory_space<vmem>>[vector<16xi32>, vector<16xi32>], vector<16xf32>,
          %add3A_156 = arith.constant 8 : i32
          %add3A_157 = vector.broadcast %add3A_156 : i32 to vector<16xi32>
          %add3A_158 = arith.addi %get3A_101, %add3A_157 : vector<16xi32>
          %gather3A_159 = tpu.vector_load_idx %arg8[%broadcast_in_dim3A_108, %add3A_105, %add3A_158] : memref<2x128x128xf32, #tpu.memory_space<vmem>>[vector<16xi32>, vector<16xi32>, vector<16xi32>], vector<16xf32>,
          %broadcast_in_dim3A_160 = arith.constant 8 : i32
          %broadcast_in_dim3A_161 = vector.broadcast %broadcast_in_dim3A_160 : i32 to vector<16xi32>
          tpu.vector_store_idx %arg9[%add3A_107, %broadcast_in_dim3A_161], %gather3A_159 : memref<3328x16xf32, #tpu.memory_space<vmem>>[vector<16xi32>, vector<16xi32>], vector<16xf32>,
          %add3A_162 = arith.constant 9 : i32
          %add3A_163 = vector.broadcast %add3A_162 : i32 to vector<16xi32>
          %add3A_164 = arith.addi %get3A_101, %add3A_163 : vector<16xi32>
          %gather3A_165 = tpu.vector_load_idx %arg8[%broadcast_in_dim3A_108, %add3A_105, %add3A_164] : memref<2x128x128xf32, #tpu.memory_space<vmem>>[vector<16xi32>, vector<16xi32>, vector<16xi32>], vector<16xf32>,
          %broadcast_in_dim3A_166 = arith.constant 9 : i32
          %broadcast_in_dim3A_167 = vector.broadcast %broadcast_in_dim3A_166 : i32 to vector<16xi32>
          tpu.vector_store_idx %arg9[%add3A_107, %broadcast_in_dim3A_167], %gather3A_165 : memref<3328x16xf32, #tpu.memory_space<vmem>>[vector<16xi32>, vector<16xi32>], vector<16xf32>,
          %add3A_168 = arith.constant 10 : i32
          %add3A_169 = vector.broadcast %add3A_168 : i32 to vector<16xi32>
          %add3A_170 = arith.addi %get3A_101, %add3A_169 : vector<16xi32>
          %gather3A_171 = tpu.vector_load_idx %arg8[%broadcast_in_dim3A_108, %add3A_105, %add3A_170] : memref<2x128x128xf32, #tpu.memory_space<vmem>>[vector<16xi32>, vector<16xi32>, vector<16xi32>], vector<16xf32>,
          %broadcast_in_dim3A_172 = arith.constant 10 : i32
          %broadcast_in_dim3A_173 = vector.broadcast %broadcast_in_dim3A_172 : i32 to vector<16xi32>
          tpu.vector_store_idx %arg9[%add3A_107, %broadcast_in_dim3A_173], %gather3A_171 : memref<3328x16xf32, #tpu.memory_space<vmem>>[vector<16xi32>, vector<16xi32>], vector<16xf32>,
          %add3A_174 = arith.constant 11 : i32
          %add3A_175 = vector.broadcast %add3A_174 : i32 to vector<16xi32>
          %add3A_176 = arith.addi %get3A_101, %add3A_175 : vector<16xi32>
          %gather3A_177 = tpu.vector_load_idx %arg8[%broadcast_in_dim3A_108, %add3A_105, %add3A_176] : memref<2x128x128xf32, #tpu.memory_space<vmem>>[vector<16xi32>, vector<16xi32>, vector<16xi32>], vector<16xf32>,
          %broadcast_in_dim3A_178 = arith.constant 11 : i32
          %broadcast_in_dim3A_179 = vector.broadcast %broadcast_in_dim3A_178 : i32 to vector<16xi32>
          tpu.vector_store_idx %arg9[%add3A_107, %broadcast_in_dim3A_179], %gather3A_177 : memref<3328x16xf32, #tpu.memory_space<vmem>>[vector<16xi32>, vector<16xi32>], vector<16xf32>,
          %add3A_180 = arith.constant 12 : i32
          %add3A_181 = vector.broadcast %add3A_180 : i32 to vector<16xi32>
          %add3A_182 = arith.addi %get3A_101, %add3A_181 : vector<16xi32>
          %gather3A_183 = tpu.vector_load_idx %arg8[%broadcast_in_dim3A_108, %add3A_105, %add3A_182] : memref<2x128x128xf32, #tpu.memory_space<vmem>>[vector<16xi32>, vector<16xi32>, vector<16xi32>], vector<16xf32>,
          %broadcast_in_dim3A_184 = arith.constant 12 : i32
          %broadcast_in_dim3A_185 = vector.broadcast %broadcast_in_dim3A_184 : i32 to vector<16xi32>
          tpu.vector_store_idx %arg9[%add3A_107, %broadcast_in_dim3A_185], %gather3A_183 : memref<3328x16xf32, #tpu.memory_space<vmem>>[vector<16xi32>, vector<16xi32>], vector<16xf32>,
          %add3A_186 = arith.constant 13 : i32
          %add3A_187 = vector.broadcast %add3A_186 : i32 to vector<16xi32>
          %add3A_188 = arith.addi %get3A_101, %add3A_187 : vector<16xi32>
          %gather3A_189 = tpu.vector_load_idx %arg8[%broadcast_in_dim3A_108, %add3A_105, %add3A_188] : memref<2x128x128xf32, #tpu.memory_space<vmem>>[vector<16xi32>, vector<16xi32>, vector<16xi32>], vector<16xf32>,
          %broadcast_in_dim3A_190 = arith.constant 13 : i32
          %broadcast_in_dim3A_191 = vector.broadcast %broadcast_in_dim3A_190 : i32 to vector<16xi32>
          tpu.vector_store_idx %arg9[%add3A_107, %broadcast_in_dim3A_191], %gather3A_189 : memref<3328x16xf32, #tpu.memory_space<vmem>>[vector<16xi32>, vector<16xi32>], vector<16xf32>,
          %add3A_192 = arith.constant 14 : i32
          %add3A_193 = vector.broadcast %add3A_192 : i32 to vector<16xi32>
          %add3A_194 = arith.addi %get3A_101, %add3A_193 : vector<16xi32>
          %gather3A_195 = tpu.vector_load_idx %arg8[%broadcast_in_dim3A_108, %add3A_105, %add3A_194] : memref<2x128x128xf32, #tpu.memory_space<vmem>>[vector<16xi32>, vector<16xi32>, vector<16xi32>], vector<16xf32>,
          %broadcast_in_dim3A_196 = arith.constant 14 : i32
          %broadcast_in_dim3A_197 = vector.broadcast %broadcast_in_dim3A_196 : i32 to vector<16xi32>
          tpu.vector_store_idx %arg9[%add3A_107, %broadcast_in_dim3A_197], %gather3A_195 : memref<3328x16xf32, #tpu.memory_space<vmem>>[vector<16xi32>, vector<16xi32>], vector<16xf32>,
          %add3A_198 = arith.constant 15 : i32
          %add3A_199 = vector.broadcast %add3A_198 : i32 to vector<16xi32>
          %add3A_200 = arith.addi %get3A_101, %add3A_199 : vector<16xi32>
          %gather3A_201 = tpu.vector_load_idx %arg8[%broadcast_in_dim3A_108, %add3A_105, %add3A_200] : memref<2x128x128xf32, #tpu.memory_space<vmem>>[vector<16xi32>, vector<16xi32>, vector<16xi32>], vector<16xf32>,
          %broadcast_in_dim3A_202 = arith.constant 15 : i32
          %broadcast_in_dim3A_203 = vector.broadcast %broadcast_in_dim3A_202 : i32 to vector<16xi32>
          tpu.vector_store_idx %arg9[%add3A_107, %broadcast_in_dim3A_203], %gather3A_201 : memref<3328x16xf32, #tpu.memory_space<vmem>>[vector<16xi32>, vector<16xi32>], vector<16xf32>,
          %scan3A_204 = arith.constant 0 : i32
          scf.yield %scan3A_204 : i32
        }
        %scan3A_93 = arith.constant 8 : i32
      } else {
      }
      %scan3A_67 = arith.constant 0 : i32
      scf.yield %scan3A_67 : i32
    }
    %scan3A_17 = arith.constant 13 : i32
    %mul3A_18 = arith.constant 3328 : i32
    %mul3A_19 = arith.muli %add3A, %mul3A_18 : i32
    "tpu.region"() ({
      %run_scoped3A = tpu.sem_alloc : memref<!tpu.dma_semaphore, #tpu.memory_space<semaphore_mem>>
      %dma_start3A_20 = arith.constant 0 : i32
      %dma_start3A_21 = tpu.memref_slice %arg5[%mul3A_19, %dma_start3A_20] : memref<106496x16xf32, #tpu.memory_space<hbm>> -> memref<3328x16xf32, #tpu.memory_space<hbm>>
      %dma_start3A_22 = arith.constant 0 : i32
      %dma_start3A_23 = tpu.memref_slice %arg5[%mul3A_19, %dma_start3A_22] : memref<106496x16xf32, #tpu.memory_space<hbm>> -> memref<3328x16xf32, #tpu.memory_space<hbm>>
      tpu.enqueue_dma source(%arg9 : memref<3328x16xf32, #tpu.memory_space<vmem>>) target(%dma_start3A_23 : memref<3328x16xf32, #tpu.memory_space<hbm>>) target_semaphore(%run_scoped3A : memref<!tpu.dma_semaphore, #tpu.memory_space<semaphore_mem>>)
      %dma_wait3A = arith.constant 0 : i32
      %dma_wait3A_24 = tpu.memref_slice %arg5[%mul3A_19, %dma_wait3A] : memref<106496x16xf32, #tpu.memory_space<hbm>> -> memref<3328x16xf32, #tpu.memory_space<hbm>>
      %dma_wait3A_25 = arith.constant 0 : i32
      %dma_wait3A_26 = tpu.memref_slice %arg5[%mul3A_19, %dma_wait3A_25] : memref<106496x16xf32, #tpu.memory_space<hbm>> -> memref<3328x16xf32, #tpu.memory_space<hbm>>
      tpu.wait_dma2 semaphore(%run_scoped3A : memref<!tpu.dma_semaphore, #tpu.memory_space<semaphore_mem>>) src(%arg9 : memref<3328x16xf32, #tpu.memory_space<vmem>>) dst(%dma_wait3A_26 : memref<3328x16xf32, #tpu.memory_space<hbm>>)
      tpu.yield
    }) : () -> ()
    return
  }
}

module attributes {stable_mosaic.version = 14 : i64} {
  func.func @_transpose_kernel(%arg0: i32, %arg1: memref<16x4096xf32, #tpu.memory_space<vmem>>, %arg2: memref<16x4096xf32, #tpu.memory_space<vmem>>, %arg3: memref<16x4096xf32, #tpu.memory_space<vmem>>, %arg4: memref<16x4096xf32, #tpu.memory_space<vmem>>, %arg5: memref<16x4096xf32, #tpu.memory_space<vmem>>, %arg6: memref<16x4096xf32, #tpu.memory_space<vmem>>, %arg7: memref<16x4096xf32, #tpu.memory_space<vmem>>, %arg8: memref<16x4096xf32, #tpu.memory_space<vmem>>, %arg9: memref<4096x128xf32, #tpu.memory_space<vmem>>) attributes {dimension_semantics = [#tpu.dimension_semantics<arbitrary>], iteration_bounds = array<i64: 32>, scalar_prefetch = 0 : i64, scratch_operands = 0 : i64, tpu.core_type = #tpu.core_type<tc>, window_params = [{transform_indices = @transform_0, window_bounds = array<i64: 16, 4096>}, {transform_indices = @transform_1, window_bounds = array<i64: 16, 4096>}, {transform_indices = @transform_2, window_bounds = array<i64: 16, 4096>}, {transform_indices = @transform_3, window_bounds = array<i64: 16, 4096>}, {transform_indices = @transform_4, window_bounds = array<i64: 16, 4096>}, {transform_indices = @transform_5, window_bounds = array<i64: 16, 4096>}, {transform_indices = @transform_6, window_bounds = array<i64: 16, 4096>}, {transform_indices = @transform_7, window_bounds = array<i64: 16, 4096>}, {transform_indices = @transform_8, window_bounds = array<i64: 4096, 128>}]} {
    %get3A = arith.constant 0 : index
    %get3A_0 = arith.constant 0 : index
    %get3A_1 = vector.load %arg1[%get3A, %get3A_0] : memref<16x4096xf32, #tpu.memory_space<vmem>>, vector<16x4096xf32>
    %transpose3A = tpu.transpose %get3A_1, [1, 0] : vector<16x4096xf32> -> vector<4096x16xf32>
    %swap3A = arith.constant 0 : index
    %swap3A_2 = arith.constant 0 : index
    %swap3A_3 = vector.load %arg9[%swap3A, %swap3A_2] : memref<4096x128xf32, #tpu.memory_space<vmem>>, vector<4096x16xf32>
    tpu.vector_store %arg9[%swap3A, %swap3A_2], %transpose3A {strides = array<i32>} : memref<4096x128xf32, #tpu.memory_space<vmem>>, vector<4096x16xf32>,
    %get3A_4 = arith.constant 0 : index
    %get3A_5 = arith.constant 0 : index
    %get3A_6 = vector.load %arg2[%get3A_4, %get3A_5] : memref<16x4096xf32, #tpu.memory_space<vmem>>, vector<16x4096xf32>
    %transpose3A_7 = tpu.transpose %get3A_6, [1, 0] : vector<16x4096xf32> -> vector<4096x16xf32>
    %swap3A_8 = arith.constant 0 : index
    %swap3A_9 = arith.constant 16 : index
    %swap3A_10 = vector.load %arg9[%swap3A_8, %swap3A_9] : memref<4096x128xf32, #tpu.memory_space<vmem>>, vector<4096x16xf32>
    tpu.vector_store %arg9[%swap3A_8, %swap3A_9], %transpose3A_7 {strides = array<i32>} : memref<4096x128xf32, #tpu.memory_space<vmem>>, vector<4096x16xf32>,
    %get3A_11 = arith.constant 0 : index
    %get3A_12 = arith.constant 0 : index
    %get3A_13 = vector.load %arg3[%get3A_11, %get3A_12] : memref<16x4096xf32, #tpu.memory_space<vmem>>, vector<16x4096xf32>
    %transpose3A_14 = tpu.transpose %get3A_13, [1, 0] : vector<16x4096xf32> -> vector<4096x16xf32>
    %swap3A_15 = arith.constant 0 : index
    %swap3A_16 = arith.constant 32 : index
    %swap3A_17 = vector.load %arg9[%swap3A_15, %swap3A_16] : memref<4096x128xf32, #tpu.memory_space<vmem>>, vector<4096x16xf32>
    tpu.vector_store %arg9[%swap3A_15, %swap3A_16], %transpose3A_14 {strides = array<i32>} : memref<4096x128xf32, #tpu.memory_space<vmem>>, vector<4096x16xf32>,
    %get3A_18 = arith.constant 0 : index
    %get3A_19 = arith.constant 0 : index
    %get3A_20 = vector.load %arg4[%get3A_18, %get3A_19] : memref<16x4096xf32, #tpu.memory_space<vmem>>, vector<16x4096xf32>
    %transpose3A_21 = tpu.transpose %get3A_20, [1, 0] : vector<16x4096xf32> -> vector<4096x16xf32>
    %swap3A_22 = arith.constant 0 : index
    %swap3A_23 = arith.constant 48 : index
    %swap3A_24 = vector.load %arg9[%swap3A_22, %swap3A_23] : memref<4096x128xf32, #tpu.memory_space<vmem>>, vector<4096x16xf32>
    tpu.vector_store %arg9[%swap3A_22, %swap3A_23], %transpose3A_21 {strides = array<i32>} : memref<4096x128xf32, #tpu.memory_space<vmem>>, vector<4096x16xf32>,
    %get3A_25 = arith.constant 0 : index
    %get3A_26 = arith.constant 0 : index
    %get3A_27 = vector.load %arg5[%get3A_25, %get3A_26] : memref<16x4096xf32, #tpu.memory_space<vmem>>, vector<16x4096xf32>
    %transpose3A_28 = tpu.transpose %get3A_27, [1, 0] : vector<16x4096xf32> -> vector<4096x16xf32>
    %swap3A_29 = arith.constant 0 : index
    %swap3A_30 = arith.constant 64 : index
    %swap3A_31 = vector.load %arg9[%swap3A_29, %swap3A_30] : memref<4096x128xf32, #tpu.memory_space<vmem>>, vector<4096x16xf32>
    tpu.vector_store %arg9[%swap3A_29, %swap3A_30], %transpose3A_28 {strides = array<i32>} : memref<4096x128xf32, #tpu.memory_space<vmem>>, vector<4096x16xf32>,
    %get3A_32 = arith.constant 0 : index
    %get3A_33 = arith.constant 0 : index
    %get3A_34 = vector.load %arg6[%get3A_32, %get3A_33] : memref<16x4096xf32, #tpu.memory_space<vmem>>, vector<16x4096xf32>
    %transpose3A_35 = tpu.transpose %get3A_34, [1, 0] : vector<16x4096xf32> -> vector<4096x16xf32>
    %swap3A_36 = arith.constant 0 : index
    %swap3A_37 = arith.constant 80 : index
    %swap3A_38 = vector.load %arg9[%swap3A_36, %swap3A_37] : memref<4096x128xf32, #tpu.memory_space<vmem>>, vector<4096x16xf32>
    tpu.vector_store %arg9[%swap3A_36, %swap3A_37], %transpose3A_35 {strides = array<i32>} : memref<4096x128xf32, #tpu.memory_space<vmem>>, vector<4096x16xf32>,
    %get3A_39 = arith.constant 0 : index
    %get3A_40 = arith.constant 0 : index
    %get3A_41 = vector.load %arg7[%get3A_39, %get3A_40] : memref<16x4096xf32, #tpu.memory_space<vmem>>, vector<16x4096xf32>
    %transpose3A_42 = tpu.transpose %get3A_41, [1, 0] : vector<16x4096xf32> -> vector<4096x16xf32>
    %swap3A_43 = arith.constant 0 : index
    %swap3A_44 = arith.constant 96 : index
    %swap3A_45 = vector.load %arg9[%swap3A_43, %swap3A_44] : memref<4096x128xf32, #tpu.memory_space<vmem>>, vector<4096x16xf32>
    tpu.vector_store %arg9[%swap3A_43, %swap3A_44], %transpose3A_42 {strides = array<i32>} : memref<4096x128xf32, #tpu.memory_space<vmem>>, vector<4096x16xf32>,
    %get3A_46 = arith.constant 0 : index
    %get3A_47 = arith.constant 0 : index
    %get3A_48 = vector.load %arg8[%get3A_46, %get3A_47] : memref<16x4096xf32, #tpu.memory_space<vmem>>, vector<16x4096xf32>
    %transpose3A_49 = tpu.transpose %get3A_48, [1, 0] : vector<16x4096xf32> -> vector<4096x16xf32>
    %swap3A_50 = arith.constant 0 : index
    %swap3A_51 = arith.constant 112 : index
    %swap3A_52 = vector.load %arg9[%swap3A_50, %swap3A_51] : memref<4096x128xf32, #tpu.memory_space<vmem>>, vector<4096x16xf32>
    tpu.vector_store %arg9[%swap3A_50, %swap3A_51], %transpose3A_49 {strides = array<i32>} : memref<4096x128xf32, #tpu.memory_space<vmem>>, vector<4096x16xf32>,
    return
  }
  func.func @transform_0(%arg0: i32) -> (i32, i32) {
    %add3A = arith.constant 0 : i32
    %add3A_0 = arith.addi %add3A, %arg0 : i32
    %min3A = arith.constant 244 : i32
    %min3A_1 = arith.minsi %add3A_0, %min3A : i32
    %c0_i32 = arith.constant 0 : i32
    %c0_i32_2 = arith.constant 0 : i32
    return %c0_i32, %min3A_1 : i32, i32
  }
  func.func @transform_1(%arg0: i32) -> (i32, i32) {
    %add3A = arith.constant 32 : i32
    %add3A_0 = arith.addi %add3A, %arg0 : i32
    %min3A = arith.constant 244 : i32
    %min3A_1 = arith.minsi %add3A_0, %min3A : i32
    %c0_i32 = arith.constant 0 : i32
    %c0_i32_2 = arith.constant 0 : i32
    return %c0_i32, %min3A_1 : i32, i32
  }
  func.func @transform_2(%arg0: i32) -> (i32, i32) {
    %add3A = arith.constant 64 : i32
    %add3A_0 = arith.addi %add3A, %arg0 : i32
    %min3A = arith.constant 244 : i32
    %min3A_1 = arith.minsi %add3A_0, %min3A : i32
    %c0_i32 = arith.constant 0 : i32
    %c0_i32_2 = arith.constant 0 : i32
    return %c0_i32, %min3A_1 : i32, i32
  }
  func.func @transform_3(%arg0: i32) -> (i32, i32) {
    %add3A = arith.constant 96 : i32
    %add3A_0 = arith.addi %add3A, %arg0 : i32
    %min3A = arith.constant 244 : i32
    %min3A_1 = arith.minsi %add3A_0, %min3A : i32
    %c0_i32 = arith.constant 0 : i32
    %c0_i32_2 = arith.constant 0 : i32
    return %c0_i32, %min3A_1 : i32, i32
  }
  func.func @transform_4(%arg0: i32) -> (i32, i32) {
    %add3A = arith.constant 128 : i32
    %add3A_0 = arith.addi %add3A, %arg0 : i32
    %min3A = arith.constant 244 : i32
    %min3A_1 = arith.minsi %add3A_0, %min3A : i32
    %c0_i32 = arith.constant 0 : i32
    %c0_i32_2 = arith.constant 0 : i32
    return %c0_i32, %min3A_1 : i32, i32
  }
  func.func @transform_5(%arg0: i32) -> (i32, i32) {
    %add3A = arith.constant 160 : i32
    %add3A_0 = arith.addi %add3A, %arg0 : i32
    %min3A = arith.constant 244 : i32
    %min3A_1 = arith.minsi %add3A_0, %min3A : i32
    %c0_i32 = arith.constant 0 : i32
    %c0_i32_2 = arith.constant 0 : i32
    return %c0_i32, %min3A_1 : i32, i32
  }
  func.func @transform_6(%arg0: i32) -> (i32, i32) {
    %add3A = arith.constant 192 : i32
    %add3A_0 = arith.addi %add3A, %arg0 : i32
    %min3A = arith.constant 244 : i32
    %min3A_1 = arith.minsi %add3A_0, %min3A : i32
    %c0_i32 = arith.constant 0 : i32
    %c0_i32_2 = arith.constant 0 : i32
    return %c0_i32, %min3A_1 : i32, i32
  }
  func.func @transform_7(%arg0: i32) -> (i32, i32) {
    %add3A = arith.constant 224 : i32
    %add3A_0 = arith.addi %add3A, %arg0 : i32
    %min3A = arith.constant 244 : i32
    %min3A_1 = arith.minsi %add3A_0, %min3A : i32
    %c0_i32 = arith.constant 0 : i32
    %c0_i32_2 = arith.constant 0 : i32
    return %c0_i32, %min3A_1 : i32, i32
  }
  func.func @transform_8(%arg0: i32) -> (i32, i32) {
    %c0_i32 = arith.constant 0 : i32
    %c0_i32_0 = arith.constant 0 : i32
    return %arg0, %c0_i32 : i32, i32
  }
}

module attributes {stable_mosaic.version = 14 : i64} {
  func.func @_afm_dense_kernel(%arg0: i32, %arg1: memref<26x256x16xf32, #tpu.memory_space<vmem>>, %arg2: memref<512x128xf32, #tpu.memory_space<vmem>>, %arg3: memref<512x1xf32, #tpu.memory_space<vmem>>, %arg4: memref<512x1xf32, #tpu.memory_space<vmem>>, %arg5: memref<128x1xf32, #tpu.memory_space<vmem>>, %arg6: memref<1x8x256xf32, #tpu.memory_space<vmem>>, %arg7: memref<328x256xf32, #tpu.memory_space<vmem>>, %arg8: memref<328x256xf32, #tpu.memory_space<vmem>>) attributes {dimension_semantics = [#tpu.dimension_semantics<arbitrary>], iteration_bounds = array<i64: 16>, scalar_prefetch = 0 : i64, scratch_operands = 2 : i64, tpu.core_type = #tpu.core_type<tc>, window_params = [{transform_indices = @transform_0, window_bounds = array<i64: 26, 256, 16>}, {pipeline_mode = #tpu.pipeline_mode<synchronous>, transform_indices = @transform_1, window_bounds = array<i64: 512, 128>}, {pipeline_mode = #tpu.pipeline_mode<synchronous>, transform_indices = @transform_2, window_bounds = array<i64: 512, 1>}, {pipeline_mode = #tpu.pipeline_mode<synchronous>, transform_indices = @transform_3, window_bounds = array<i64: 512, 1>}, {pipeline_mode = #tpu.pipeline_mode<synchronous>, transform_indices = @transform_4, window_bounds = array<i64: 128, 1>}, {transform_indices = @transform_5, window_bounds = array<i64: 1, 8, 256>}]} {
    %get3A = arith.constant 0 : index
    %get3A_0 = arith.constant 0 : index
    %get3A_1 = arith.constant 0 : index
    %get3A_2 = vector.load %arg1[%get3A, %get3A_0, %get3A_1] : memref<26x256x16xf32, #tpu.memory_space<vmem>>, vector<26x256x16xf32>
    %transpose3A = tpu.transpose %get3A_2, [0, 2, 1] : vector<26x256x16xf32> -> vector<26x16x256xf32>
    %slice3A = vector.extract_strided_slice %transpose3A {offsets = [0, 0, 0], sizes = [1, 16, 256], strides = [1, 1, 1]} : vector<26x16x256xf32> to vector<1x16x256xf32>
    %squeeze3A = vector.shape_cast %slice3A : vector<1x16x256xf32> to vector<16x256xf32>
    %slice3A_3 = vector.extract_strided_slice %transpose3A {offsets = [1, 0, 0], sizes = [1, 16, 256], strides = [1, 1, 1]} : vector<26x16x256xf32> to vector<1x16x256xf32>
    %squeeze3A_4 = vector.shape_cast %slice3A_3 : vector<1x16x256xf32> to vector<16x256xf32>
    %slice3A_5 = vector.extract_strided_slice %transpose3A {offsets = [2, 0, 0], sizes = [1, 16, 256], strides = [1, 1, 1]} : vector<26x16x256xf32> to vector<1x16x256xf32>
    %squeeze3A_6 = vector.shape_cast %slice3A_5 : vector<1x16x256xf32> to vector<16x256xf32>
    %slice3A_7 = vector.extract_strided_slice %transpose3A {offsets = [3, 0, 0], sizes = [1, 16, 256], strides = [1, 1, 1]} : vector<26x16x256xf32> to vector<1x16x256xf32>
    %squeeze3A_8 = vector.shape_cast %slice3A_7 : vector<1x16x256xf32> to vector<16x256xf32>
    %slice3A_9 = vector.extract_strided_slice %transpose3A {offsets = [4, 0, 0], sizes = [1, 16, 256], strides = [1, 1, 1]} : vector<26x16x256xf32> to vector<1x16x256xf32>
    %squeeze3A_10 = vector.shape_cast %slice3A_9 : vector<1x16x256xf32> to vector<16x256xf32>
    %slice3A_11 = vector.extract_strided_slice %transpose3A {offsets = [5, 0, 0], sizes = [1, 16, 256], strides = [1, 1, 1]} : vector<26x16x256xf32> to vector<1x16x256xf32>
    %squeeze3A_12 = vector.shape_cast %slice3A_11 : vector<1x16x256xf32> to vector<16x256xf32>
    %slice3A_13 = vector.extract_strided_slice %transpose3A {offsets = [6, 0, 0], sizes = [1, 16, 256], strides = [1, 1, 1]} : vector<26x16x256xf32> to vector<1x16x256xf32>
    %squeeze3A_14 = vector.shape_cast %slice3A_13 : vector<1x16x256xf32> to vector<16x256xf32>
    %slice3A_15 = vector.extract_strided_slice %transpose3A {offsets = [7, 0, 0], sizes = [1, 16, 256], strides = [1, 1, 1]} : vector<26x16x256xf32> to vector<1x16x256xf32>
    %squeeze3A_16 = vector.shape_cast %slice3A_15 : vector<1x16x256xf32> to vector<16x256xf32>
    %slice3A_17 = vector.extract_strided_slice %transpose3A {offsets = [8, 0, 0], sizes = [1, 16, 256], strides = [1, 1, 1]} : vector<26x16x256xf32> to vector<1x16x256xf32>
    %squeeze3A_18 = vector.shape_cast %slice3A_17 : vector<1x16x256xf32> to vector<16x256xf32>
    %slice3A_19 = vector.extract_strided_slice %transpose3A {offsets = [9, 0, 0], sizes = [1, 16, 256], strides = [1, 1, 1]} : vector<26x16x256xf32> to vector<1x16x256xf32>
    %squeeze3A_20 = vector.shape_cast %slice3A_19 : vector<1x16x256xf32> to vector<16x256xf32>
    %slice3A_21 = vector.extract_strided_slice %transpose3A {offsets = [10, 0, 0], sizes = [1, 16, 256], strides = [1, 1, 1]} : vector<26x16x256xf32> to vector<1x16x256xf32>
    %squeeze3A_22 = vector.shape_cast %slice3A_21 : vector<1x16x256xf32> to vector<16x256xf32>
    %slice3A_23 = vector.extract_strided_slice %transpose3A {offsets = [11, 0, 0], sizes = [1, 16, 256], strides = [1, 1, 1]} : vector<26x16x256xf32> to vector<1x16x256xf32>
    %squeeze3A_24 = vector.shape_cast %slice3A_23 : vector<1x16x256xf32> to vector<16x256xf32>
    %slice3A_25 = vector.extract_strided_slice %transpose3A {offsets = [12, 0, 0], sizes = [1, 16, 256], strides = [1, 1, 1]} : vector<26x16x256xf32> to vector<1x16x256xf32>
    %squeeze3A_26 = vector.shape_cast %slice3A_25 : vector<1x16x256xf32> to vector<16x256xf32>
    %slice3A_27 = vector.extract_strided_slice %transpose3A {offsets = [13, 0, 0], sizes = [1, 16, 256], strides = [1, 1, 1]} : vector<26x16x256xf32> to vector<1x16x256xf32>
    %squeeze3A_28 = vector.shape_cast %slice3A_27 : vector<1x16x256xf32> to vector<16x256xf32>
    %slice3A_29 = vector.extract_strided_slice %transpose3A {offsets = [14, 0, 0], sizes = [1, 16, 256], strides = [1, 1, 1]} : vector<26x16x256xf32> to vector<1x16x256xf32>
    %squeeze3A_30 = vector.shape_cast %slice3A_29 : vector<1x16x256xf32> to vector<16x256xf32>
    %slice3A_31 = vector.extract_strided_slice %transpose3A {offsets = [15, 0, 0], sizes = [1, 16, 256], strides = [1, 1, 1]} : vector<26x16x256xf32> to vector<1x16x256xf32>
    %squeeze3A_32 = vector.shape_cast %slice3A_31 : vector<1x16x256xf32> to vector<16x256xf32>
    %slice3A_33 = vector.extract_strided_slice %transpose3A {offsets = [16, 0, 0], sizes = [1, 16, 256], strides = [1, 1, 1]} : vector<26x16x256xf32> to vector<1x16x256xf32>
    %squeeze3A_34 = vector.shape_cast %slice3A_33 : vector<1x16x256xf32> to vector<16x256xf32>
    %slice3A_35 = vector.extract_strided_slice %transpose3A {offsets = [17, 0, 0], sizes = [1, 16, 256], strides = [1, 1, 1]} : vector<26x16x256xf32> to vector<1x16x256xf32>
    %squeeze3A_36 = vector.shape_cast %slice3A_35 : vector<1x16x256xf32> to vector<16x256xf32>
    %slice3A_37 = vector.extract_strided_slice %transpose3A {offsets = [18, 0, 0], sizes = [1, 16, 256], strides = [1, 1, 1]} : vector<26x16x256xf32> to vector<1x16x256xf32>
    %squeeze3A_38 = vector.shape_cast %slice3A_37 : vector<1x16x256xf32> to vector<16x256xf32>
    %slice3A_39 = vector.extract_strided_slice %transpose3A {offsets = [19, 0, 0], sizes = [1, 16, 256], strides = [1, 1, 1]} : vector<26x16x256xf32> to vector<1x16x256xf32>
    %squeeze3A_40 = vector.shape_cast %slice3A_39 : vector<1x16x256xf32> to vector<16x256xf32>
    %slice3A_41 = vector.extract_strided_slice %transpose3A {offsets = [20, 0, 0], sizes = [1, 16, 256], strides = [1, 1, 1]} : vector<26x16x256xf32> to vector<1x16x256xf32>
    %squeeze3A_42 = vector.shape_cast %slice3A_41 : vector<1x16x256xf32> to vector<16x256xf32>
    %slice3A_43 = vector.extract_strided_slice %transpose3A {offsets = [21, 0, 0], sizes = [1, 16, 256], strides = [1, 1, 1]} : vector<26x16x256xf32> to vector<1x16x256xf32>
    %squeeze3A_44 = vector.shape_cast %slice3A_43 : vector<1x16x256xf32> to vector<16x256xf32>
    %slice3A_45 = vector.extract_strided_slice %transpose3A {offsets = [22, 0, 0], sizes = [1, 16, 256], strides = [1, 1, 1]} : vector<26x16x256xf32> to vector<1x16x256xf32>
    %squeeze3A_46 = vector.shape_cast %slice3A_45 : vector<1x16x256xf32> to vector<16x256xf32>
    %slice3A_47 = vector.extract_strided_slice %transpose3A {offsets = [23, 0, 0], sizes = [1, 16, 256], strides = [1, 1, 1]} : vector<26x16x256xf32> to vector<1x16x256xf32>
    %squeeze3A_48 = vector.shape_cast %slice3A_47 : vector<1x16x256xf32> to vector<16x256xf32>
    %slice3A_49 = vector.extract_strided_slice %transpose3A {offsets = [24, 0, 0], sizes = [1, 16, 256], strides = [1, 1, 1]} : vector<26x16x256xf32> to vector<1x16x256xf32>
    %squeeze3A_50 = vector.shape_cast %slice3A_49 : vector<1x16x256xf32> to vector<16x256xf32>
    %slice3A_51 = vector.extract_strided_slice %transpose3A {offsets = [25, 0, 0], sizes = [1, 16, 256], strides = [1, 1, 1]} : vector<26x16x256xf32> to vector<1x16x256xf32>
    %squeeze3A_52 = vector.shape_cast %slice3A_51 : vector<1x16x256xf32> to vector<16x256xf32>
    %get3A_53 = arith.constant 0 : index
    %get3A_54 = arith.constant 0 : index
    %get3A_55 = vector.load %arg2[%get3A_53, %get3A_54] : memref<512x128xf32, #tpu.memory_space<vmem>>, vector<512x128xf32>
    %get3A_56 = arith.constant 0 : index
    %get3A_57 = arith.constant 0 : index
    %get3A_58 = vector.load %arg3[%get3A_56, %get3A_57] : memref<512x1xf32, #tpu.memory_space<vmem>>, vector<512x1xf32>
    %get3A_59 = arith.constant 0 : index
    %get3A_60 = arith.constant 0 : index
    %get3A_61 = vector.load %arg4[%get3A_59, %get3A_60] : memref<512x1xf32, #tpu.memory_space<vmem>>, vector<512x1xf32>
    %get3A_62 = arith.constant 0 : index
    %get3A_63 = arith.constant 0 : index
    %get3A_64 = vector.load %arg5[%get3A_62, %get3A_63] : memref<128x1xf32, #tpu.memory_space<vmem>>, vector<128x1xf32>
    %mul3A = arith.mulf %squeeze3A, %squeeze3A_4 : vector<16x256xf32>
    %mul3A_65 = arith.mulf %squeeze3A, %squeeze3A_6 : vector<16x256xf32>
    %mul3A_66 = arith.mulf %squeeze3A, %squeeze3A_8 : vector<16x256xf32>
    %mul3A_67 = arith.mulf %squeeze3A, %squeeze3A_10 : vector<16x256xf32>
    %mul3A_68 = arith.mulf %squeeze3A, %squeeze3A_12 : vector<16x256xf32>
    %mul3A_69 = arith.mulf %squeeze3A, %squeeze3A_14 : vector<16x256xf32>
    %mul3A_70 = arith.mulf %squeeze3A, %squeeze3A_16 : vector<16x256xf32>
    %mul3A_71 = arith.mulf %squeeze3A, %squeeze3A_18 : vector<16x256xf32>
    %concatenate3A = tpu.concatenate %mul3A, %mul3A_65, %mul3A_66, %mul3A_67, %mul3A_68, %mul3A_69, %mul3A_70, %mul3A_71 in 0 : vector<16x256xf32>, vector<16x256xf32>, vector<16x256xf32>, vector<16x256xf32>, vector<16x256xf32>, vector<16x256xf32>, vector<16x256xf32>, vector<16x256xf32> -> vector<128x256xf32>
    %dot_general3A = arith.constant dense<0.000000e+00> : vector<512x256xf32>
    %dot_general3A_72 = tpu.matmul %get3A_55, %concatenate3A, %dot_general3A {dimension_numbers = #tpu.dot_dimension_numbers<[1], [0], [0], [1], [0, 0, 1, 1], [], []>, transpose_lhs_hint = false} : vector<512x128xf32>, vector<128x256xf32>, vector<512x256xf32> -> vector<512x256xf32>
    %add3A = vector.broadcast %get3A_58 : vector<512x1xf32> to vector<512x256xf32>
    %add3A_73 = arith.addf %dot_general3A_72, %add3A : vector<512x256xf32>
    %max3A = arith.constant 0.000000e+00 : f32
    %max3A_74 = vector.broadcast %max3A : f32 to vector<512x256xf32>
    %max3A_75 = arith.maximumf %add3A_73, %max3A_74 : vector<512x256xf32>
    %mul3A_76 = vector.broadcast %get3A_61 : vector<512x1xf32> to vector<512x256xf32>
    %mul3A_77 = arith.mulf %max3A_75, %mul3A_76 : vector<512x256xf32>
    %reshape3A = vector.shape_cast %mul3A_77 : vector<512x256xf32> to vector<8x64x256xf32>
    %reduce_sum3A = arith.constant dense<0.000000e+00> : vector<8x256xf32>
    %reduce_sum3A_78 = vector.multi_reduction <add>, %reshape3A, %reduce_sum3A [1] : vector<8x64x256xf32> to vector<8x256xf32>
    %mul3A_79 = vector.broadcast %get3A_64 : vector<128x1xf32> to vector<128x256xf32>
    %mul3A_80 = arith.mulf %concatenate3A, %mul3A_79 : vector<128x256xf32>
    %reshape3A_81 = vector.shape_cast %mul3A_80 : vector<128x256xf32> to vector<8x16x256xf32>
    %reduce_sum3A_82 = arith.constant dense<0.000000e+00> : vector<8x256xf32>
    %reduce_sum3A_83 = vector.multi_reduction <add>, %reshape3A_81, %reduce_sum3A_82 [1] : vector<8x16x256xf32> to vector<8x256xf32>
    %swap3A = arith.constant 0 : index
    %swap3A_84 = arith.constant 0 : index
    %swap3A_85 = vector.load %arg7[%swap3A, %swap3A_84] : memref<328x256xf32, #tpu.memory_space<vmem>>, vector<8x256xf32>
    tpu.vector_store %arg7[%swap3A, %swap3A_84], %reduce_sum3A_78 {strides = array<i32>} : memref<328x256xf32, #tpu.memory_space<vmem>>, vector<8x256xf32>,
    %swap3A_86 = arith.constant 0 : index
    %swap3A_87 = arith.constant 0 : index
    %swap3A_88 = vector.load %arg8[%swap3A_86, %swap3A_87] : memref<328x256xf32, #tpu.memory_space<vmem>>, vector<8x256xf32>
    tpu.vector_store %arg8[%swap3A_86, %swap3A_87], %reduce_sum3A_83 {strides = array<i32>} : memref<328x256xf32, #tpu.memory_space<vmem>>, vector<8x256xf32>,
    %mul3A_89 = arith.mulf %squeeze3A, %squeeze3A_20 : vector<16x256xf32>
    %mul3A_90 = arith.mulf %squeeze3A, %squeeze3A_22 : vector<16x256xf32>
    %mul3A_91 = arith.mulf %squeeze3A, %squeeze3A_24 : vector<16x256xf32>
    %mul3A_92 = arith.mulf %squeeze3A, %squeeze3A_26 : vector<16x256xf32>
    %mul3A_93 = arith.mulf %squeeze3A, %squeeze3A_28 : vector<16x256xf32>
    %mul3A_94 = arith.mulf %squeeze3A, %squeeze3A_30 : vector<16x256xf32>
    %mul3A_95 = arith.mulf %squeeze3A, %squeeze3A_32 : vector<16x256xf32>
    %mul3A_96 = arith.mulf %squeeze3A, %squeeze3A_34 : vector<16x256xf32>
    %concatenate3A_97 = tpu.concatenate %mul3A_89, %mul3A_90, %mul3A_91, %mul3A_92, %mul3A_93, %mul3A_94, %mul3A_95, %mul3A_96 in 0 : vector<16x256xf32>, vector<16x256xf32>, vector<16x256xf32>, vector<16x256xf32>, vector<16x256xf32>, vector<16x256xf32>, vector<16x256xf32>, vector<16x256xf32> -> vector<128x256xf32>
    %dot_general3A_98 = arith.constant dense<0.000000e+00> : vector<512x256xf32>
    %dot_general3A_99 = tpu.matmul %get3A_55, %concatenate3A_97, %dot_general3A_98 {dimension_numbers = #tpu.dot_dimension_numbers<[1], [0], [0], [1], [0, 0, 1, 1], [], []>, transpose_lhs_hint = false} : vector<512x128xf32>, vector<128x256xf32>, vector<512x256xf32> -> vector<512x256xf32>
    %add3A_100 = vector.broadcast %get3A_58 : vector<512x1xf32> to vector<512x256xf32>
    %add3A_101 = arith.addf %dot_general3A_99, %add3A_100 : vector<512x256xf32>
    %max3A_102 = arith.constant 0.000000e+00 : f32
    %max3A_103 = vector.broadcast %max3A_102 : f32 to vector<512x256xf32>
    %max3A_104 = arith.maximumf %add3A_101, %max3A_103 : vector<512x256xf32>
    %mul3A_105 = vector.broadcast %get3A_61 : vector<512x1xf32> to vector<512x256xf32>
    %mul3A_106 = arith.mulf %max3A_104, %mul3A_105 : vector<512x256xf32>
    %reshape3A_107 = vector.shape_cast %mul3A_106 : vector<512x256xf32> to vector<8x64x256xf32>
    %reduce_sum3A_108 = arith.constant dense<0.000000e+00> : vector<8x256xf32>
    %reduce_sum3A_109 = vector.multi_reduction <add>, %reshape3A_107, %reduce_sum3A_108 [1] : vector<8x64x256xf32> to vector<8x256xf32>
    %mul3A_110 = vector.broadcast %get3A_64 : vector<128x1xf32> to vector<128x256xf32>
    %mul3A_111 = arith.mulf %concatenate3A_97, %mul3A_110 : vector<128x256xf32>
    %reshape3A_112 = vector.shape_cast %mul3A_111 : vector<128x256xf32> to vector<8x16x256xf32>
    %reduce_sum3A_113 = arith.constant dense<0.000000e+00> : vector<8x256xf32>
    %reduce_sum3A_114 = vector.multi_reduction <add>, %reshape3A_112, %reduce_sum3A_113 [1] : vector<8x16x256xf32> to vector<8x256xf32>
    %swap3A_115 = arith.constant 8 : index
    %swap3A_116 = arith.constant 0 : index
    %swap3A_117 = vector.load %arg7[%swap3A_115, %swap3A_116] : memref<328x256xf32, #tpu.memory_space<vmem>>, vector<8x256xf32>
    tpu.vector_store %arg7[%swap3A_115, %swap3A_116], %reduce_sum3A_109 {strides = array<i32>} : memref<328x256xf32, #tpu.memory_space<vmem>>, vector<8x256xf32>,
    %swap3A_118 = arith.constant 8 : index
    %swap3A_119 = arith.constant 0 : index
    %swap3A_120 = vector.load %arg8[%swap3A_118, %swap3A_119] : memref<328x256xf32, #tpu.memory_space<vmem>>, vector<8x256xf32>
    tpu.vector_store %arg8[%swap3A_118, %swap3A_119], %reduce_sum3A_114 {strides = array<i32>} : memref<328x256xf32, #tpu.memory_space<vmem>>, vector<8x256xf32>,
    %mul3A_121 = arith.mulf %squeeze3A, %squeeze3A_36 : vector<16x256xf32>
    %mul3A_122 = arith.mulf %squeeze3A, %squeeze3A_38 : vector<16x256xf32>
    %mul3A_123 = arith.mulf %squeeze3A, %squeeze3A_40 : vector<16x256xf32>
    %mul3A_124 = arith.mulf %squeeze3A, %squeeze3A_42 : vector<16x256xf32>
    %mul3A_125 = arith.mulf %squeeze3A, %squeeze3A_44 : vector<16x256xf32>
    %mul3A_126 = arith.mulf %squeeze3A, %squeeze3A_46 : vector<16x256xf32>
    %mul3A_127 = arith.mulf %squeeze3A, %squeeze3A_48 : vector<16x256xf32>
    %mul3A_128 = arith.mulf %squeeze3A, %squeeze3A_50 : vector<16x256xf32>
    %concatenate3A_129 = tpu.concatenate %mul3A_121, %mul3A_122, %mul3A_123, %mul3A_124, %mul3A_125, %mul3A_126, %mul3A_127, %mul3A_128 in 0 : vector<16x256xf32>, vector<16x256xf32>, vector<16x256xf32>, vector<16x256xf32>, vector<16x256xf32>, vector<16x256xf32>, vector<16x256xf32>, vector<16x256xf32> -> vector<128x256xf32>
    %dot_general3A_130 = arith.constant dense<0.000000e+00> : vector<512x256xf32>
    %dot_general3A_131 = tpu.matmul %get3A_55, %concatenate3A_129, %dot_general3A_130 {dimension_numbers = #tpu.dot_dimension_numbers<[1], [0], [0], [1], [0, 0, 1, 1], [], []>, transpose_lhs_hint = false} : vector<512x128xf32>, vector<128x256xf32>, vector<512x256xf32> -> vector<512x256xf32>
    %add3A_132 = vector.broadcast %get3A_58 : vector<512x1xf32> to vector<512x256xf32>
    %add3A_133 = arith.addf %dot_general3A_131, %add3A_132 : vector<512x256xf32>
    %max3A_134 = arith.constant 0.000000e+00 : f32
    %max3A_135 = vector.broadcast %max3A_134 : f32 to vector<512x256xf32>
    %max3A_136 = arith.maximumf %add3A_133, %max3A_135 : vector<512x256xf32>
    %mul3A_137 = vector.broadcast %get3A_61 : vector<512x1xf32> to vector<512x256xf32>
    %mul3A_138 = arith.mulf %max3A_136, %mul3A_137 : vector<512x256xf32>
    %reshape3A_139 = vector.shape_cast %mul3A_138 : vector<512x256xf32> to vector<8x64x256xf32>
    %reduce_sum3A_140 = arith.constant dense<0.000000e+00> : vector<8x256xf32>
    %reduce_sum3A_141 = vector.multi_reduction <add>, %reshape3A_139, %reduce_sum3A_140 [1] : vector<8x64x256xf32> to vector<8x256xf32>
    %mul3A_142 = vector.broadcast %get3A_64 : vector<128x1xf32> to vector<128x256xf32>
    %mul3A_143 = arith.mulf %concatenate3A_129, %mul3A_142 : vector<128x256xf32>
    %reshape3A_144 = vector.shape_cast %mul3A_143 : vector<128x256xf32> to vector<8x16x256xf32>
    %reduce_sum3A_145 = arith.constant dense<0.000000e+00> : vector<8x256xf32>
    %reduce_sum3A_146 = vector.multi_reduction <add>, %reshape3A_144, %reduce_sum3A_145 [1] : vector<8x16x256xf32> to vector<8x256xf32>
    %swap3A_147 = arith.constant 16 : index
    %swap3A_148 = arith.constant 0 : index
    %swap3A_149 = vector.load %arg7[%swap3A_147, %swap3A_148] : memref<328x256xf32, #tpu.memory_space<vmem>>, vector<8x256xf32>
    tpu.vector_store %arg7[%swap3A_147, %swap3A_148], %reduce_sum3A_141 {strides = array<i32>} : memref<328x256xf32, #tpu.memory_space<vmem>>, vector<8x256xf32>,
    %swap3A_150 = arith.constant 16 : index
    %swap3A_151 = arith.constant 0 : index
    %swap3A_152 = vector.load %arg8[%swap3A_150, %swap3A_151] : memref<328x256xf32, #tpu.memory_space<vmem>>, vector<8x256xf32>
    tpu.vector_store %arg8[%swap3A_150, %swap3A_151], %reduce_sum3A_146 {strides = array<i32>} : memref<328x256xf32, #tpu.memory_space<vmem>>, vector<8x256xf32>,
    %mul3A_153 = arith.mulf %squeeze3A, %squeeze3A_52 : vector<16x256xf32>
    %mul3A_154 = arith.mulf %squeeze3A_4, %squeeze3A_6 : vector<16x256xf32>
    %mul3A_155 = arith.mulf %squeeze3A_4, %squeeze3A_8 : vector<16x256xf32>
    %mul3A_156 = arith.mulf %squeeze3A_4, %squeeze3A_10 : vector<16x256xf32>
    %mul3A_157 = arith.mulf %squeeze3A_4, %squeeze3A_12 : vector<16x256xf32>
    %mul3A_158 = arith.mulf %squeeze3A_4, %squeeze3A_14 : vector<16x256xf32>
    %mul3A_159 = arith.mulf %squeeze3A_4, %squeeze3A_16 : vector<16x256xf32>
    %mul3A_160 = arith.mulf %squeeze3A_4, %squeeze3A_18 : vector<16x256xf32>
    %concatenate3A_161 = tpu.concatenate %mul3A_153, %mul3A_154, %mul3A_155, %mul3A_156, %mul3A_157, %mul3A_158, %mul3A_159, %mul3A_160 in 0 : vector<16x256xf32>, vector<16x256xf32>, vector<16x256xf32>, vector<16x256xf32>, vector<16x256xf32>, vector<16x256xf32>, vector<16x256xf32>, vector<16x256xf32> -> vector<128x256xf32>
    %dot_general3A_162 = arith.constant dense<0.000000e+00> : vector<512x256xf32>
    %dot_general3A_163 = tpu.matmul %get3A_55, %concatenate3A_161, %dot_general3A_162 {dimension_numbers = #tpu.dot_dimension_numbers<[1], [0], [0], [1], [0, 0, 1, 1], [], []>, transpose_lhs_hint = false} : vector<512x128xf32>, vector<128x256xf32>, vector<512x256xf32> -> vector<512x256xf32>
    %add3A_164 = vector.broadcast %get3A_58 : vector<512x1xf32> to vector<512x256xf32>
    %add3A_165 = arith.addf %dot_general3A_163, %add3A_164 : vector<512x256xf32>
    %max3A_166 = arith.constant 0.000000e+00 : f32
    %max3A_167 = vector.broadcast %max3A_166 : f32 to vector<512x256xf32>
    %max3A_168 = arith.maximumf %add3A_165, %max3A_167 : vector<512x256xf32>
    %mul3A_169 = vector.broadcast %get3A_61 : vector<512x1xf32> to vector<512x256xf32>
    %mul3A_170 = arith.mulf %max3A_168, %mul3A_169 : vector<512x256xf32>
    %reshape3A_171 = vector.shape_cast %mul3A_170 : vector<512x256xf32> to vector<8x64x256xf32>
    %reduce_sum3A_172 = arith.constant dense<0.000000e+00> : vector<8x256xf32>
    %reduce_sum3A_173 = vector.multi_reduction <add>, %reshape3A_171, %reduce_sum3A_172 [1] : vector<8x64x256xf32> to vector<8x256xf32>
    %mul3A_174 = vector.broadcast %get3A_64 : vector<128x1xf32> to vector<128x256xf32>
    %mul3A_175 = arith.mulf %concatenate3A_161, %mul3A_174 : vector<128x256xf32>
    %reshape3A_176 = vector.shape_cast %mul3A_175 : vector<128x256xf32> to vector<8x16x256xf32>
    %reduce_sum3A_177 = arith.constant dense<0.000000e+00> : vector<8x256xf32>
    %reduce_sum3A_178 = vector.multi_reduction <add>, %reshape3A_176, %reduce_sum3A_177 [1] : vector<8x16x256xf32> to vector<8x256xf32>
    %swap3A_179 = arith.constant 24 : index
    %swap3A_180 = arith.constant 0 : index
    %swap3A_181 = vector.load %arg7[%swap3A_179, %swap3A_180] : memref<328x256xf32, #tpu.memory_space<vmem>>, vector<8x256xf32>
    tpu.vector_store %arg7[%swap3A_179, %swap3A_180], %reduce_sum3A_173 {strides = array<i32>} : memref<328x256xf32, #tpu.memory_space<vmem>>, vector<8x256xf32>,
    %swap3A_182 = arith.constant 24 : index
    %swap3A_183 = arith.constant 0 : index
    %swap3A_184 = vector.load %arg8[%swap3A_182, %swap3A_183] : memref<328x256xf32, #tpu.memory_space<vmem>>, vector<8x256xf32>
    tpu.vector_store %arg8[%swap3A_182, %swap3A_183], %reduce_sum3A_178 {strides = array<i32>} : memref<328x256xf32, #tpu.memory_space<vmem>>, vector<8x256xf32>,
    %mul3A_185 = arith.mulf %squeeze3A_4, %squeeze3A_20 : vector<16x256xf32>
    %mul3A_186 = arith.mulf %squeeze3A_4, %squeeze3A_22 : vector<16x256xf32>
    %mul3A_187 = arith.mulf %squeeze3A_4, %squeeze3A_24 : vector<16x256xf32>
    %mul3A_188 = arith.mulf %squeeze3A_4, %squeeze3A_26 : vector<16x256xf32>
    %mul3A_189 = arith.mulf %squeeze3A_4, %squeeze3A_28 : vector<16x256xf32>
    %mul3A_190 = arith.mulf %squeeze3A_4, %squeeze3A_30 : vector<16x256xf32>
    %mul3A_191 = arith.mulf %squeeze3A_4, %squeeze3A_32 : vector<16x256xf32>
    %mul3A_192 = arith.mulf %squeeze3A_4, %squeeze3A_34 : vector<16x256xf32>
    %concatenate3A_193 = tpu.concatenate %mul3A_185, %mul3A_186, %mul3A_187, %mul3A_188, %mul3A_189, %mul3A_190, %mul3A_191, %mul3A_192 in 0 : vector<16x256xf32>, vector<16x256xf32>, vector<16x256xf32>, vector<16x256xf32>, vector<16x256xf32>, vector<16x256xf32>, vector<16x256xf32>, vector<16x256xf32> -> vector<128x256xf32>
    %dot_general3A_194 = arith.constant dense<0.000000e+00> : vector<512x256xf32>
    %dot_general3A_195 = tpu.matmul %get3A_55, %concatenate3A_193, %dot_general3A_194 {dimension_numbers = #tpu.dot_dimension_numbers<[1], [0], [0], [1], [0, 0, 1, 1], [], []>, transpose_lhs_hint = false} : vector<512x128xf32>, vector<128x256xf32>, vector<512x256xf32> -> vector<512x256xf32>
    %add3A_196 = vector.broadcast %get3A_58 : vector<512x1xf32> to vector<512x256xf32>
    %add3A_197 = arith.addf %dot_general3A_195, %add3A_196 : vector<512x256xf32>
    %max3A_198 = arith.constant 0.000000e+00 : f32
    %max3A_199 = vector.broadcast %max3A_198 : f32 to vector<512x256xf32>
    %max3A_200 = arith.maximumf %add3A_197, %max3A_199 : vector<512x256xf32>
    %mul3A_201 = vector.broadcast %get3A_61 : vector<512x1xf32> to vector<512x256xf32>
    %mul3A_202 = arith.mulf %max3A_200, %mul3A_201 : vector<512x256xf32>
    %reshape3A_203 = vector.shape_cast %mul3A_202 : vector<512x256xf32> to vector<8x64x256xf32>
    %reduce_sum3A_204 = arith.constant dense<0.000000e+00> : vector<8x256xf32>
    %reduce_sum3A_205 = vector.multi_reduction <add>, %reshape3A_203, %reduce_sum3A_204 [1] : vector<8x64x256xf32> to vector<8x256xf32>
    %mul3A_206 = vector.broadcast %get3A_64 : vector<128x1xf32> to vector<128x256xf32>
    %mul3A_207 = arith.mulf %concatenate3A_193, %mul3A_206 : vector<128x256xf32>
    %reshape3A_208 = vector.shape_cast %mul3A_207 : vector<128x256xf32> to vector<8x16x256xf32>
    %reduce_sum3A_209 = arith.constant dense<0.000000e+00> : vector<8x256xf32>
    %reduce_sum3A_210 = vector.multi_reduction <add>, %reshape3A_208, %reduce_sum3A_209 [1] : vector<8x16x256xf32> to vector<8x256xf32>
    %swap3A_211 = arith.constant 32 : index
    %swap3A_212 = arith.constant 0 : index
    %swap3A_213 = vector.load %arg7[%swap3A_211, %swap3A_212] : memref<328x256xf32, #tpu.memory_space<vmem>>, vector<8x256xf32>
    tpu.vector_store %arg7[%swap3A_211, %swap3A_212], %reduce_sum3A_205 {strides = array<i32>} : memref<328x256xf32, #tpu.memory_space<vmem>>, vector<8x256xf32>,
    %swap3A_214 = arith.constant 32 : index
    %swap3A_215 = arith.constant 0 : index
    %swap3A_216 = vector.load %arg8[%swap3A_214, %swap3A_215] : memref<328x256xf32, #tpu.memory_space<vmem>>, vector<8x256xf32>
    tpu.vector_store %arg8[%swap3A_214, %swap3A_215], %reduce_sum3A_210 {strides = array<i32>} : memref<328x256xf32, #tpu.memory_space<vmem>>, vector<8x256xf32>,
    %mul3A_217 = arith.mulf %squeeze3A_4, %squeeze3A_36 : vector<16x256xf32>
    %mul3A_218 = arith.mulf %squeeze3A_4, %squeeze3A_38 : vector<16x256xf32>
    %mul3A_219 = arith.mulf %squeeze3A_4, %squeeze3A_40 : vector<16x256xf32>
    %mul3A_220 = arith.mulf %squeeze3A_4, %squeeze3A_42 : vector<16x256xf32>
    %mul3A_221 = arith.mulf %squeeze3A_4, %squeeze3A_44 : vector<16x256xf32>
    %mul3A_222 = arith.mulf %squeeze3A_4, %squeeze3A_46 : vector<16x256xf32>
    %mul3A_223 = arith.mulf %squeeze3A_4, %squeeze3A_48 : vector<16x256xf32>
    %mul3A_224 = arith.mulf %squeeze3A_4, %squeeze3A_50 : vector<16x256xf32>
    %concatenate3A_225 = tpu.concatenate %mul3A_217, %mul3A_218, %mul3A_219, %mul3A_220, %mul3A_221, %mul3A_222, %mul3A_223, %mul3A_224 in 0 : vector<16x256xf32>, vector<16x256xf32>, vector<16x256xf32>, vector<16x256xf32>, vector<16x256xf32>, vector<16x256xf32>, vector<16x256xf32>, vector<16x256xf32> -> vector<128x256xf32>
    %dot_general3A_226 = arith.constant dense<0.000000e+00> : vector<512x256xf32>
    %dot_general3A_227 = tpu.matmul %get3A_55, %concatenate3A_225, %dot_general3A_226 {dimension_numbers = #tpu.dot_dimension_numbers<[1], [0], [0], [1], [0, 0, 1, 1], [], []>, transpose_lhs_hint = false} : vector<512x128xf32>, vector<128x256xf32>, vector<512x256xf32> -> vector<512x256xf32>
    %add3A_228 = vector.broadcast %get3A_58 : vector<512x1xf32> to vector<512x256xf32>
    %add3A_229 = arith.addf %dot_general3A_227, %add3A_228 : vector<512x256xf32>
    %max3A_230 = arith.constant 0.000000e+00 : f32
    %max3A_231 = vector.broadcast %max3A_230 : f32 to vector<512x256xf32>
    %max3A_232 = arith.maximumf %add3A_229, %max3A_231 : vector<512x256xf32>
    %mul3A_233 = vector.broadcast %get3A_61 : vector<512x1xf32> to vector<512x256xf32>
    %mul3A_234 = arith.mulf %max3A_232, %mul3A_233 : vector<512x256xf32>
    %reshape3A_235 = vector.shape_cast %mul3A_234 : vector<512x256xf32> to vector<8x64x256xf32>
    %reduce_sum3A_236 = arith.constant dense<0.000000e+00> : vector<8x256xf32>
    %reduce_sum3A_237 = vector.multi_reduction <add>, %reshape3A_235, %reduce_sum3A_236 [1] : vector<8x64x256xf32> to vector<8x256xf32>
    %mul3A_238 = vector.broadcast %get3A_64 : vector<128x1xf32> to vector<128x256xf32>
    %mul3A_239 = arith.mulf %concatenate3A_225, %mul3A_238 : vector<128x256xf32>
    %reshape3A_240 = vector.shape_cast %mul3A_239 : vector<128x256xf32> to vector<8x16x256xf32>
    %reduce_sum3A_241 = arith.constant dense<0.000000e+00> : vector<8x256xf32>
    %reduce_sum3A_242 = vector.multi_reduction <add>, %reshape3A_240, %reduce_sum3A_241 [1] : vector<8x16x256xf32> to vector<8x256xf32>
    %swap3A_243 = arith.constant 40 : index
    %swap3A_244 = arith.constant 0 : index
    %swap3A_245 = vector.load %arg7[%swap3A_243, %swap3A_244] : memref<328x256xf32, #tpu.memory_space<vmem>>, vector<8x256xf32>
    tpu.vector_store %arg7[%swap3A_243, %swap3A_244], %reduce_sum3A_237 {strides = array<i32>} : memref<328x256xf32, #tpu.memory_space<vmem>>, vector<8x256xf32>,
    %swap3A_246 = arith.constant 40 : index
    %swap3A_247 = arith.constant 0 : index
    %swap3A_248 = vector.load %arg8[%swap3A_246, %swap3A_247] : memref<328x256xf32, #tpu.memory_space<vmem>>, vector<8x256xf32>
    tpu.vector_store %arg8[%swap3A_246, %swap3A_247], %reduce_sum3A_242 {strides = array<i32>} : memref<328x256xf32, #tpu.memory_space<vmem>>, vector<8x256xf32>,
    %mul3A_249 = arith.mulf %squeeze3A_4, %squeeze3A_52 : vector<16x256xf32>
    %mul3A_250 = arith.mulf %squeeze3A_6, %squeeze3A_8 : vector<16x256xf32>
    %mul3A_251 = arith.mulf %squeeze3A_6, %squeeze3A_10 : vector<16x256xf32>
    %mul3A_252 = arith.mulf %squeeze3A_6, %squeeze3A_12 : vector<16x256xf32>
    %mul3A_253 = arith.mulf %squeeze3A_6, %squeeze3A_14 : vector<16x256xf32>
    %mul3A_254 = arith.mulf %squeeze3A_6, %squeeze3A_16 : vector<16x256xf32>
    %mul3A_255 = arith.mulf %squeeze3A_6, %squeeze3A_18 : vector<16x256xf32>
    %mul3A_256 = arith.mulf %squeeze3A_6, %squeeze3A_20 : vector<16x256xf32>
    %concatenate3A_257 = tpu.concatenate %mul3A_249, %mul3A_250, %mul3A_251, %mul3A_252, %mul3A_253, %mul3A_254, %mul3A_255, %mul3A_256 in 0 : vector<16x256xf32>, vector<16x256xf32>, vector<16x256xf32>, vector<16x256xf32>, vector<16x256xf32>, vector<16x256xf32>, vector<16x256xf32>, vector<16x256xf32> -> vector<128x256xf32>
    %dot_general3A_258 = arith.constant dense<0.000000e+00> : vector<512x256xf32>
    %dot_general3A_259 = tpu.matmul %get3A_55, %concatenate3A_257, %dot_general3A_258 {dimension_numbers = #tpu.dot_dimension_numbers<[1], [0], [0], [1], [0, 0, 1, 1], [], []>, transpose_lhs_hint = false} : vector<512x128xf32>, vector<128x256xf32>, vector<512x256xf32> -> vector<512x256xf32>
    %add3A_260 = vector.broadcast %get3A_58 : vector<512x1xf32> to vector<512x256xf32>
    %add3A_261 = arith.addf %dot_general3A_259, %add3A_260 : vector<512x256xf32>
    %max3A_262 = arith.constant 0.000000e+00 : f32
    %max3A_263 = vector.broadcast %max3A_262 : f32 to vector<512x256xf32>
    %max3A_264 = arith.maximumf %add3A_261, %max3A_263 : vector<512x256xf32>
    %mul3A_265 = vector.broadcast %get3A_61 : vector<512x1xf32> to vector<512x256xf32>
    %mul3A_266 = arith.mulf %max3A_264, %mul3A_265 : vector<512x256xf32>
    %reshape3A_267 = vector.shape_cast %mul3A_266 : vector<512x256xf32> to vector<8x64x256xf32>
    %reduce_sum3A_268 = arith.constant dense<0.000000e+00> : vector<8x256xf32>
    %reduce_sum3A_269 = vector.multi_reduction <add>, %reshape3A_267, %reduce_sum3A_268 [1] : vector<8x64x256xf32> to vector<8x256xf32>
    %mul3A_270 = vector.broadcast %get3A_64 : vector<128x1xf32> to vector<128x256xf32>
    %mul3A_271 = arith.mulf %concatenate3A_257, %mul3A_270 : vector<128x256xf32>
    %reshape3A_272 = vector.shape_cast %mul3A_271 : vector<128x256xf32> to vector<8x16x256xf32>
    %reduce_sum3A_273 = arith.constant dense<0.000000e+00> : vector<8x256xf32>
    %reduce_sum3A_274 = vector.multi_reduction <add>, %reshape3A_272, %reduce_sum3A_273 [1] : vector<8x16x256xf32> to vector<8x256xf32>
    %swap3A_275 = arith.constant 48 : index
    %swap3A_276 = arith.constant 0 : index
    %swap3A_277 = vector.load %arg7[%swap3A_275, %swap3A_276] : memref<328x256xf32, #tpu.memory_space<vmem>>, vector<8x256xf32>
    tpu.vector_store %arg7[%swap3A_275, %swap3A_276], %reduce_sum3A_269 {strides = array<i32>} : memref<328x256xf32, #tpu.memory_space<vmem>>, vector<8x256xf32>,
    %swap3A_278 = arith.constant 48 : index
    %swap3A_279 = arith.constant 0 : index
    %swap3A_280 = vector.load %arg8[%swap3A_278, %swap3A_279] : memref<328x256xf32, #tpu.memory_space<vmem>>, vector<8x256xf32>
    tpu.vector_store %arg8[%swap3A_278, %swap3A_279], %reduce_sum3A_274 {strides = array<i32>} : memref<328x256xf32, #tpu.memory_space<vmem>>, vector<8x256xf32>,
    %mul3A_281 = arith.mulf %squeeze3A_6, %squeeze3A_22 : vector<16x256xf32>
    %mul3A_282 = arith.mulf %squeeze3A_6, %squeeze3A_24 : vector<16x256xf32>
    %mul3A_283 = arith.mulf %squeeze3A_6, %squeeze3A_26 : vector<16x256xf32>
    %mul3A_284 = arith.mulf %squeeze3A_6, %squeeze3A_28 : vector<16x256xf32>
    %mul3A_285 = arith.mulf %squeeze3A_6, %squeeze3A_30 : vector<16x256xf32>
    %mul3A_286 = arith.mulf %squeeze3A_6, %squeeze3A_32 : vector<16x256xf32>
    %mul3A_287 = arith.mulf %squeeze3A_6, %squeeze3A_34 : vector<16x256xf32>
    %mul3A_288 = arith.mulf %squeeze3A_6, %squeeze3A_36 : vector<16x256xf32>
    %concatenate3A_289 = tpu.concatenate %mul3A_281, %mul3A_282, %mul3A_283, %mul3A_284, %mul3A_285, %mul3A_286, %mul3A_287, %mul3A_288 in 0 : vector<16x256xf32>, vector<16x256xf32>, vector<16x256xf32>, vector<16x256xf32>, vector<16x256xf32>, vector<16x256xf32>, vector<16x256xf32>, vector<16x256xf32> -> vector<128x256xf32>
    %dot_general3A_290 = arith.constant dense<0.000000e+00> : vector<512x256xf32>
    %dot_general3A_291 = tpu.matmul %get3A_55, %concatenate3A_289, %dot_general3A_290 {dimension_numbers = #tpu.dot_dimension_numbers<[1], [0], [0], [1], [0, 0, 1, 1], [], []>, transpose_lhs_hint = false} : vector<512x128xf32>, vector<128x256xf32>, vector<512x256xf32> -> vector<512x256xf32>
    %add3A_292 = vector.broadcast %get3A_58 : vector<512x1xf32> to vector<512x256xf32>
    %add3A_293 = arith.addf %dot_general3A_291, %add3A_292 : vector<512x256xf32>
    %max3A_294 = arith.constant 0.000000e+00 : f32
    %max3A_295 = vector.broadcast %max3A_294 : f32 to vector<512x256xf32>
    %max3A_296 = arith.maximumf %add3A_293, %max3A_295 : vector<512x256xf32>
    %mul3A_297 = vector.broadcast %get3A_61 : vector<512x1xf32> to vector<512x256xf32>
    %mul3A_298 = arith.mulf %max3A_296, %mul3A_297 : vector<512x256xf32>
    %reshape3A_299 = vector.shape_cast %mul3A_298 : vector<512x256xf32> to vector<8x64x256xf32>
    %reduce_sum3A_300 = arith.constant dense<0.000000e+00> : vector<8x256xf32>
    %reduce_sum3A_301 = vector.multi_reduction <add>, %reshape3A_299, %reduce_sum3A_300 [1] : vector<8x64x256xf32> to vector<8x256xf32>
    %mul3A_302 = vector.broadcast %get3A_64 : vector<128x1xf32> to vector<128x256xf32>
    %mul3A_303 = arith.mulf %concatenate3A_289, %mul3A_302 : vector<128x256xf32>
    %reshape3A_304 = vector.shape_cast %mul3A_303 : vector<128x256xf32> to vector<8x16x256xf32>
    %reduce_sum3A_305 = arith.constant dense<0.000000e+00> : vector<8x256xf32>
    %reduce_sum3A_306 = vector.multi_reduction <add>, %reshape3A_304, %reduce_sum3A_305 [1] : vector<8x16x256xf32> to vector<8x256xf32>
    %swap3A_307 = arith.constant 56 : index
    %swap3A_308 = arith.constant 0 : index
    %swap3A_309 = vector.load %arg7[%swap3A_307, %swap3A_308] : memref<328x256xf32, #tpu.memory_space<vmem>>, vector<8x256xf32>
    tpu.vector_store %arg7[%swap3A_307, %swap3A_308], %reduce_sum3A_301 {strides = array<i32>} : memref<328x256xf32, #tpu.memory_space<vmem>>, vector<8x256xf32>,
    %swap3A_310 = arith.constant 56 : index
    %swap3A_311 = arith.constant 0 : index
    %swap3A_312 = vector.load %arg8[%swap3A_310, %swap3A_311] : memref<328x256xf32, #tpu.memory_space<vmem>>, vector<8x256xf32>
    tpu.vector_store %arg8[%swap3A_310, %swap3A_311], %reduce_sum3A_306 {strides = array<i32>} : memref<328x256xf32, #tpu.memory_space<vmem>>, vector<8x256xf32>,
    %mul3A_313 = arith.mulf %squeeze3A_6, %squeeze3A_38 : vector<16x256xf32>
    %mul3A_314 = arith.mulf %squeeze3A_6, %squeeze3A_40 : vector<16x256xf32>
    %mul3A_315 = arith.mulf %squeeze3A_6, %squeeze3A_42 : vector<16x256xf32>
    %mul3A_316 = arith.mulf %squeeze3A_6, %squeeze3A_44 : vector<16x256xf32>
    %mul3A_317 = arith.mulf %squeeze3A_6, %squeeze3A_46 : vector<16x256xf32>
    %mul3A_318 = arith.mulf %squeeze3A_6, %squeeze3A_48 : vector<16x256xf32>
    %mul3A_319 = arith.mulf %squeeze3A_6, %squeeze3A_50 : vector<16x256xf32>
    %mul3A_320 = arith.mulf %squeeze3A_6, %squeeze3A_52 : vector<16x256xf32>
    %concatenate3A_321 = tpu.concatenate %mul3A_313, %mul3A_314, %mul3A_315, %mul3A_316, %mul3A_317, %mul3A_318, %mul3A_319, %mul3A_320 in 0 : vector<16x256xf32>, vector<16x256xf32>, vector<16x256xf32>, vector<16x256xf32>, vector<16x256xf32>, vector<16x256xf32>, vector<16x256xf32>, vector<16x256xf32> -> vector<128x256xf32>
    %dot_general3A_322 = arith.constant dense<0.000000e+00> : vector<512x256xf32>
    %dot_general3A_323 = tpu.matmul %get3A_55, %concatenate3A_321, %dot_general3A_322 {dimension_numbers = #tpu.dot_dimension_numbers<[1], [0], [0], [1], [0, 0, 1, 1], [], []>, transpose_lhs_hint = false} : vector<512x128xf32>, vector<128x256xf32>, vector<512x256xf32> -> vector<512x256xf32>
    %add3A_324 = vector.broadcast %get3A_58 : vector<512x1xf32> to vector<512x256xf32>
    %add3A_325 = arith.addf %dot_general3A_323, %add3A_324 : vector<512x256xf32>
    %max3A_326 = arith.constant 0.000000e+00 : f32
    %max3A_327 = vector.broadcast %max3A_326 : f32 to vector<512x256xf32>
    %max3A_328 = arith.maximumf %add3A_325, %max3A_327 : vector<512x256xf32>
    %mul3A_329 = vector.broadcast %get3A_61 : vector<512x1xf32> to vector<512x256xf32>
    %mul3A_330 = arith.mulf %max3A_328, %mul3A_329 : vector<512x256xf32>
    %reshape3A_331 = vector.shape_cast %mul3A_330 : vector<512x256xf32> to vector<8x64x256xf32>
    %reduce_sum3A_332 = arith.constant dense<0.000000e+00> : vector<8x256xf32>
    %reduce_sum3A_333 = vector.multi_reduction <add>, %reshape3A_331, %reduce_sum3A_332 [1] : vector<8x64x256xf32> to vector<8x256xf32>
    %mul3A_334 = vector.broadcast %get3A_64 : vector<128x1xf32> to vector<128x256xf32>
    %mul3A_335 = arith.mulf %concatenate3A_321, %mul3A_334 : vector<128x256xf32>
    %reshape3A_336 = vector.shape_cast %mul3A_335 : vector<128x256xf32> to vector<8x16x256xf32>
    %reduce_sum3A_337 = arith.constant dense<0.000000e+00> : vector<8x256xf32>
    %reduce_sum3A_338 = vector.multi_reduction <add>, %reshape3A_336, %reduce_sum3A_337 [1] : vector<8x16x256xf32> to vector<8x256xf32>
    %swap3A_339 = arith.constant 64 : index
    %swap3A_340 = arith.constant 0 : index
    %swap3A_341 = vector.load %arg7[%swap3A_339, %swap3A_340] : memref<328x256xf32, #tpu.memory_space<vmem>>, vector<8x256xf32>
    tpu.vector_store %arg7[%swap3A_339, %swap3A_340], %reduce_sum3A_333 {strides = array<i32>} : memref<328x256xf32, #tpu.memory_space<vmem>>, vector<8x256xf32>,
    %swap3A_342 = arith.constant 64 : index
    %swap3A_343 = arith.constant 0 : index
    %swap3A_344 = vector.load %arg8[%swap3A_342, %swap3A_343] : memref<328x256xf32, #tpu.memory_space<vmem>>, vector<8x256xf32>
    tpu.vector_store %arg8[%swap3A_342, %swap3A_343], %reduce_sum3A_338 {strides = array<i32>} : memref<328x256xf32, #tpu.memory_space<vmem>>, vector<8x256xf32>,
    %mul3A_345 = arith.mulf %squeeze3A_8, %squeeze3A_10 : vector<16x256xf32>
    %mul3A_346 = arith.mulf %squeeze3A_8, %squeeze3A_12 : vector<16x256xf32>
    %mul3A_347 = arith.mulf %squeeze3A_8, %squeeze3A_14 : vector<16x256xf32>
    %mul3A_348 = arith.mulf %squeeze3A_8, %squeeze3A_16 : vector<16x256xf32>
    %mul3A_349 = arith.mulf %squeeze3A_8, %squeeze3A_18 : vector<16x256xf32>
    %mul3A_350 = arith.mulf %squeeze3A_8, %squeeze3A_20 : vector<16x256xf32>
    %mul3A_351 = arith.mulf %squeeze3A_8, %squeeze3A_22 : vector<16x256xf32>
    %mul3A_352 = arith.mulf %squeeze3A_8, %squeeze3A_24 : vector<16x256xf32>
    %concatenate3A_353 = tpu.concatenate %mul3A_345, %mul3A_346, %mul3A_347, %mul3A_348, %mul3A_349, %mul3A_350, %mul3A_351, %mul3A_352 in 0 : vector<16x256xf32>, vector<16x256xf32>, vector<16x256xf32>, vector<16x256xf32>, vector<16x256xf32>, vector<16x256xf32>, vector<16x256xf32>, vector<16x256xf32> -> vector<128x256xf32>
    %dot_general3A_354 = arith.constant dense<0.000000e+00> : vector<512x256xf32>
    %dot_general3A_355 = tpu.matmul %get3A_55, %concatenate3A_353, %dot_general3A_354 {dimension_numbers = #tpu.dot_dimension_numbers<[1], [0], [0], [1], [0, 0, 1, 1], [], []>, transpose_lhs_hint = false} : vector<512x128xf32>, vector<128x256xf32>, vector<512x256xf32> -> vector<512x256xf32>
    %add3A_356 = vector.broadcast %get3A_58 : vector<512x1xf32> to vector<512x256xf32>
    %add3A_357 = arith.addf %dot_general3A_355, %add3A_356 : vector<512x256xf32>
    %max3A_358 = arith.constant 0.000000e+00 : f32
    %max3A_359 = vector.broadcast %max3A_358 : f32 to vector<512x256xf32>
    %max3A_360 = arith.maximumf %add3A_357, %max3A_359 : vector<512x256xf32>
    %mul3A_361 = vector.broadcast %get3A_61 : vector<512x1xf32> to vector<512x256xf32>
    %mul3A_362 = arith.mulf %max3A_360, %mul3A_361 : vector<512x256xf32>
    %reshape3A_363 = vector.shape_cast %mul3A_362 : vector<512x256xf32> to vector<8x64x256xf32>
    %reduce_sum3A_364 = arith.constant dense<0.000000e+00> : vector<8x256xf32>
    %reduce_sum3A_365 = vector.multi_reduction <add>, %reshape3A_363, %reduce_sum3A_364 [1] : vector<8x64x256xf32> to vector<8x256xf32>
    %mul3A_366 = vector.broadcast %get3A_64 : vector<128x1xf32> to vector<128x256xf32>
    %mul3A_367 = arith.mulf %concatenate3A_353, %mul3A_366 : vector<128x256xf32>
    %reshape3A_368 = vector.shape_cast %mul3A_367 : vector<128x256xf32> to vector<8x16x256xf32>
    %reduce_sum3A_369 = arith.constant dense<0.000000e+00> : vector<8x256xf32>
    %reduce_sum3A_370 = vector.multi_reduction <add>, %reshape3A_368, %reduce_sum3A_369 [1] : vector<8x16x256xf32> to vector<8x256xf32>
    %swap3A_371 = arith.constant 72 : index
    %swap3A_372 = arith.constant 0 : index
    %swap3A_373 = vector.load %arg7[%swap3A_371, %swap3A_372] : memref<328x256xf32, #tpu.memory_space<vmem>>, vector<8x256xf32>
    tpu.vector_store %arg7[%swap3A_371, %swap3A_372], %reduce_sum3A_365 {strides = array<i32>} : memref<328x256xf32, #tpu.memory_space<vmem>>, vector<8x256xf32>,
    %swap3A_374 = arith.constant 72 : index
    %swap3A_375 = arith.constant 0 : index
    %swap3A_376 = vector.load %arg8[%swap3A_374, %swap3A_375] : memref<328x256xf32, #tpu.memory_space<vmem>>, vector<8x256xf32>
    tpu.vector_store %arg8[%swap3A_374, %swap3A_375], %reduce_sum3A_370 {strides = array<i32>} : memref<328x256xf32, #tpu.memory_space<vmem>>, vector<8x256xf32>,
    %mul3A_377 = arith.mulf %squeeze3A_8, %squeeze3A_26 : vector<16x256xf32>
    %mul3A_378 = arith.mulf %squeeze3A_8, %squeeze3A_28 : vector<16x256xf32>
    %mul3A_379 = arith.mulf %squeeze3A_8, %squeeze3A_30 : vector<16x256xf32>
    %mul3A_380 = arith.mulf %squeeze3A_8, %squeeze3A_32 : vector<16x256xf32>
    %mul3A_381 = arith.mulf %squeeze3A_8, %squeeze3A_34 : vector<16x256xf32>
    %mul3A_382 = arith.mulf %squeeze3A_8, %squeeze3A_36 : vector<16x256xf32>
    %mul3A_383 = arith.mulf %squeeze3A_8, %squeeze3A_38 : vector<16x256xf32>
    %mul3A_384 = arith.mulf %squeeze3A_8, %squeeze3A_40 : vector<16x256xf32>
    %concatenate3A_385 = tpu.concatenate %mul3A_377, %mul3A_378, %mul3A_379, %mul3A_380, %mul3A_381, %mul3A_382, %mul3A_383, %mul3A_384 in 0 : vector<16x256xf32>, vector<16x256xf32>, vector<16x256xf32>, vector<16x256xf32>, vector<16x256xf32>, vector<16x256xf32>, vector<16x256xf32>, vector<16x256xf32> -> vector<128x256xf32>
    %dot_general3A_386 = arith.constant dense<0.000000e+00> : vector<512x256xf32>
    %dot_general3A_387 = tpu.matmul %get3A_55, %concatenate3A_385, %dot_general3A_386 {dimension_numbers = #tpu.dot_dimension_numbers<[1], [0], [0], [1], [0, 0, 1, 1], [], []>, transpose_lhs_hint = false} : vector<512x128xf32>, vector<128x256xf32>, vector<512x256xf32> -> vector<512x256xf32>
    %add3A_388 = vector.broadcast %get3A_58 : vector<512x1xf32> to vector<512x256xf32>
    %add3A_389 = arith.addf %dot_general3A_387, %add3A_388 : vector<512x256xf32>
    %max3A_390 = arith.constant 0.000000e+00 : f32
    %max3A_391 = vector.broadcast %max3A_390 : f32 to vector<512x256xf32>
    %max3A_392 = arith.maximumf %add3A_389, %max3A_391 : vector<512x256xf32>
    %mul3A_393 = vector.broadcast %get3A_61 : vector<512x1xf32> to vector<512x256xf32>
    %mul3A_394 = arith.mulf %max3A_392, %mul3A_393 : vector<512x256xf32>
    %reshape3A_395 = vector.shape_cast %mul3A_394 : vector<512x256xf32> to vector<8x64x256xf32>
    %reduce_sum3A_396 = arith.constant dense<0.000000e+00> : vector<8x256xf32>
    %reduce_sum3A_397 = vector.multi_reduction <add>, %reshape3A_395, %reduce_sum3A_396 [1] : vector<8x64x256xf32> to vector<8x256xf32>
    %mul3A_398 = vector.broadcast %get3A_64 : vector<128x1xf32> to vector<128x256xf32>
    %mul3A_399 = arith.mulf %concatenate3A_385, %mul3A_398 : vector<128x256xf32>
    %reshape3A_400 = vector.shape_cast %mul3A_399 : vector<128x256xf32> to vector<8x16x256xf32>
    %reduce_sum3A_401 = arith.constant dense<0.000000e+00> : vector<8x256xf32>
    %reduce_sum3A_402 = vector.multi_reduction <add>, %reshape3A_400, %reduce_sum3A_401 [1] : vector<8x16x256xf32> to vector<8x256xf32>
    %swap3A_403 = arith.constant 80 : index
    %swap3A_404 = arith.constant 0 : index
    %swap3A_405 = vector.load %arg7[%swap3A_403, %swap3A_404] : memref<328x256xf32, #tpu.memory_space<vmem>>, vector<8x256xf32>
    tpu.vector_store %arg7[%swap3A_403, %swap3A_404], %reduce_sum3A_397 {strides = array<i32>} : memref<328x256xf32, #tpu.memory_space<vmem>>, vector<8x256xf32>,
    %swap3A_406 = arith.constant 80 : index
    %swap3A_407 = arith.constant 0 : index
    %swap3A_408 = vector.load %arg8[%swap3A_406, %swap3A_407] : memref<328x256xf32, #tpu.memory_space<vmem>>, vector<8x256xf32>
    tpu.vector_store %arg8[%swap3A_406, %swap3A_407], %reduce_sum3A_402 {strides = array<i32>} : memref<328x256xf32, #tpu.memory_space<vmem>>, vector<8x256xf32>,
    %mul3A_409 = arith.mulf %squeeze3A_8, %squeeze3A_42 : vector<16x256xf32>
    %mul3A_410 = arith.mulf %squeeze3A_8, %squeeze3A_44 : vector<16x256xf32>
    %mul3A_411 = arith.mulf %squeeze3A_8, %squeeze3A_46 : vector<16x256xf32>
    %mul3A_412 = arith.mulf %squeeze3A_8, %squeeze3A_48 : vector<16x256xf32>
    %mul3A_413 = arith.mulf %squeeze3A_8, %squeeze3A_50 : vector<16x256xf32>
    %mul3A_414 = arith.mulf %squeeze3A_8, %squeeze3A_52 : vector<16x256xf32>
    %mul3A_415 = arith.mulf %squeeze3A_10, %squeeze3A_12 : vector<16x256xf32>
    %mul3A_416 = arith.mulf %squeeze3A_10, %squeeze3A_14 : vector<16x256xf32>
    %concatenate3A_417 = tpu.concatenate %mul3A_409, %mul3A_410, %mul3A_411, %mul3A_412, %mul3A_413, %mul3A_414, %mul3A_415, %mul3A_416 in 0 : vector<16x256xf32>, vector<16x256xf32>, vector<16x256xf32>, vector<16x256xf32>, vector<16x256xf32>, vector<16x256xf32>, vector<16x256xf32>, vector<16x256xf32> -> vector<128x256xf32>
    %dot_general3A_418 = arith.constant dense<0.000000e+00> : vector<512x256xf32>
    %dot_general3A_419 = tpu.matmul %get3A_55, %concatenate3A_417, %dot_general3A_418 {dimension_numbers = #tpu.dot_dimension_numbers<[1], [0], [0], [1], [0, 0, 1, 1], [], []>, transpose_lhs_hint = false} : vector<512x128xf32>, vector<128x256xf32>, vector<512x256xf32> -> vector<512x256xf32>
    %add3A_420 = vector.broadcast %get3A_58 : vector<512x1xf32> to vector<512x256xf32>
    %add3A_421 = arith.addf %dot_general3A_419, %add3A_420 : vector<512x256xf32>
    %max3A_422 = arith.constant 0.000000e+00 : f32
    %max3A_423 = vector.broadcast %max3A_422 : f32 to vector<512x256xf32>
    %max3A_424 = arith.maximumf %add3A_421, %max3A_423 : vector<512x256xf32>
    %mul3A_425 = vector.broadcast %get3A_61 : vector<512x1xf32> to vector<512x256xf32>
    %mul3A_426 = arith.mulf %max3A_424, %mul3A_425 : vector<512x256xf32>
    %reshape3A_427 = vector.shape_cast %mul3A_426 : vector<512x256xf32> to vector<8x64x256xf32>
    %reduce_sum3A_428 = arith.constant dense<0.000000e+00> : vector<8x256xf32>
    %reduce_sum3A_429 = vector.multi_reduction <add>, %reshape3A_427, %reduce_sum3A_428 [1] : vector<8x64x256xf32> to vector<8x256xf32>
    %mul3A_430 = vector.broadcast %get3A_64 : vector<128x1xf32> to vector<128x256xf32>
    %mul3A_431 = arith.mulf %concatenate3A_417, %mul3A_430 : vector<128x256xf32>
    %reshape3A_432 = vector.shape_cast %mul3A_431 : vector<128x256xf32> to vector<8x16x256xf32>
    %reduce_sum3A_433 = arith.constant dense<0.000000e+00> : vector<8x256xf32>
    %reduce_sum3A_434 = vector.multi_reduction <add>, %reshape3A_432, %reduce_sum3A_433 [1] : vector<8x16x256xf32> to vector<8x256xf32>
    %swap3A_435 = arith.constant 88 : index
    %swap3A_436 = arith.constant 0 : index
    %swap3A_437 = vector.load %arg7[%swap3A_435, %swap3A_436] : memref<328x256xf32, #tpu.memory_space<vmem>>, vector<8x256xf32>
    tpu.vector_store %arg7[%swap3A_435, %swap3A_436], %reduce_sum3A_429 {strides = array<i32>} : memref<328x256xf32, #tpu.memory_space<vmem>>, vector<8x256xf32>,
    %swap3A_438 = arith.constant 88 : index
    %swap3A_439 = arith.constant 0 : index
    %swap3A_440 = vector.load %arg8[%swap3A_438, %swap3A_439] : memref<328x256xf32, #tpu.memory_space<vmem>>, vector<8x256xf32>
    tpu.vector_store %arg8[%swap3A_438, %swap3A_439], %reduce_sum3A_434 {strides = array<i32>} : memref<328x256xf32, #tpu.memory_space<vmem>>, vector<8x256xf32>,
    %mul3A_441 = arith.mulf %squeeze3A_10, %squeeze3A_16 : vector<16x256xf32>
    %mul3A_442 = arith.mulf %squeeze3A_10, %squeeze3A_18 : vector<16x256xf32>
    %mul3A_443 = arith.mulf %squeeze3A_10, %squeeze3A_20 : vector<16x256xf32>
    %mul3A_444 = arith.mulf %squeeze3A_10, %squeeze3A_22 : vector<16x256xf32>
    %mul3A_445 = arith.mulf %squeeze3A_10, %squeeze3A_24 : vector<16x256xf32>
    %mul3A_446 = arith.mulf %squeeze3A_10, %squeeze3A_26 : vector<16x256xf32>
    %mul3A_447 = arith.mulf %squeeze3A_10, %squeeze3A_28 : vector<16x256xf32>
    %mul3A_448 = arith.mulf %squeeze3A_10, %squeeze3A_30 : vector<16x256xf32>
    %concatenate3A_449 = tpu.concatenate %mul3A_441, %mul3A_442, %mul3A_443, %mul3A_444, %mul3A_445, %mul3A_446, %mul3A_447, %mul3A_448 in 0 : vector<16x256xf32>, vector<16x256xf32>, vector<16x256xf32>, vector<16x256xf32>, vector<16x256xf32>, vector<16x256xf32>, vector<16x256xf32>, vector<16x256xf32> -> vector<128x256xf32>
    %dot_general3A_450 = arith.constant dense<0.000000e+00> : vector<512x256xf32>
    %dot_general3A_451 = tpu.matmul %get3A_55, %concatenate3A_449, %dot_general3A_450 {dimension_numbers = #tpu.dot_dimension_numbers<[1], [0], [0], [1], [0, 0, 1, 1], [], []>, transpose_lhs_hint = false} : vector<512x128xf32>, vector<128x256xf32>, vector<512x256xf32> -> vector<512x256xf32>
    %add3A_452 = vector.broadcast %get3A_58 : vector<512x1xf32> to vector<512x256xf32>
    %add3A_453 = arith.addf %dot_general3A_451, %add3A_452 : vector<512x256xf32>
    %max3A_454 = arith.constant 0.000000e+00 : f32
    %max3A_455 = vector.broadcast %max3A_454 : f32 to vector<512x256xf32>
    %max3A_456 = arith.maximumf %add3A_453, %max3A_455 : vector<512x256xf32>
    %mul3A_457 = vector.broadcast %get3A_61 : vector<512x1xf32> to vector<512x256xf32>
    %mul3A_458 = arith.mulf %max3A_456, %mul3A_457 : vector<512x256xf32>
    %reshape3A_459 = vector.shape_cast %mul3A_458 : vector<512x256xf32> to vector<8x64x256xf32>
    %reduce_sum3A_460 = arith.constant dense<0.000000e+00> : vector<8x256xf32>
    %reduce_sum3A_461 = vector.multi_reduction <add>, %reshape3A_459, %reduce_sum3A_460 [1] : vector<8x64x256xf32> to vector<8x256xf32>
    %mul3A_462 = vector.broadcast %get3A_64 : vector<128x1xf32> to vector<128x256xf32>
    %mul3A_463 = arith.mulf %concatenate3A_449, %mul3A_462 : vector<128x256xf32>
    %reshape3A_464 = vector.shape_cast %mul3A_463 : vector<128x256xf32> to vector<8x16x256xf32>
    %reduce_sum3A_465 = arith.constant dense<0.000000e+00> : vector<8x256xf32>
    %reduce_sum3A_466 = vector.multi_reduction <add>, %reshape3A_464, %reduce_sum3A_465 [1] : vector<8x16x256xf32> to vector<8x256xf32>
    %swap3A_467 = arith.constant 96 : index
    %swap3A_468 = arith.constant 0 : index
    %swap3A_469 = vector.load %arg7[%swap3A_467, %swap3A_468] : memref<328x256xf32, #tpu.memory_space<vmem>>, vector<8x256xf32>
    tpu.vector_store %arg7[%swap3A_467, %swap3A_468], %reduce_sum3A_461 {strides = array<i32>} : memref<328x256xf32, #tpu.memory_space<vmem>>, vector<8x256xf32>,
    %swap3A_470 = arith.constant 96 : index
    %swap3A_471 = arith.constant 0 : index
    %swap3A_472 = vector.load %arg8[%swap3A_470, %swap3A_471] : memref<328x256xf32, #tpu.memory_space<vmem>>, vector<8x256xf32>
    tpu.vector_store %arg8[%swap3A_470, %swap3A_471], %reduce_sum3A_466 {strides = array<i32>} : memref<328x256xf32, #tpu.memory_space<vmem>>, vector<8x256xf32>,
    %mul3A_473 = arith.mulf %squeeze3A_10, %squeeze3A_32 : vector<16x256xf32>
    %mul3A_474 = arith.mulf %squeeze3A_10, %squeeze3A_34 : vector<16x256xf32>
    %mul3A_475 = arith.mulf %squeeze3A_10, %squeeze3A_36 : vector<16x256xf32>
    %mul3A_476 = arith.mulf %squeeze3A_10, %squeeze3A_38 : vector<16x256xf32>
    %mul3A_477 = arith.mulf %squeeze3A_10, %squeeze3A_40 : vector<16x256xf32>
    %mul3A_478 = arith.mulf %squeeze3A_10, %squeeze3A_42 : vector<16x256xf32>
    %mul3A_479 = arith.mulf %squeeze3A_10, %squeeze3A_44 : vector<16x256xf32>
    %mul3A_480 = arith.mulf %squeeze3A_10, %squeeze3A_46 : vector<16x256xf32>
    %concatenate3A_481 = tpu.concatenate %mul3A_473, %mul3A_474, %mul3A_475, %mul3A_476, %mul3A_477, %mul3A_478, %mul3A_479, %mul3A_480 in 0 : vector<16x256xf32>, vector<16x256xf32>, vector<16x256xf32>, vector<16x256xf32>, vector<16x256xf32>, vector<16x256xf32>, vector<16x256xf32>, vector<16x256xf32> -> vector<128x256xf32>
    %dot_general3A_482 = arith.constant dense<0.000000e+00> : vector<512x256xf32>
    %dot_general3A_483 = tpu.matmul %get3A_55, %concatenate3A_481, %dot_general3A_482 {dimension_numbers = #tpu.dot_dimension_numbers<[1], [0], [0], [1], [0, 0, 1, 1], [], []>, transpose_lhs_hint = false} : vector<512x128xf32>, vector<128x256xf32>, vector<512x256xf32> -> vector<512x256xf32>
    %add3A_484 = vector.broadcast %get3A_58 : vector<512x1xf32> to vector<512x256xf32>
    %add3A_485 = arith.addf %dot_general3A_483, %add3A_484 : vector<512x256xf32>
    %max3A_486 = arith.constant 0.000000e+00 : f32
    %max3A_487 = vector.broadcast %max3A_486 : f32 to vector<512x256xf32>
    %max3A_488 = arith.maximumf %add3A_485, %max3A_487 : vector<512x256xf32>
    %mul3A_489 = vector.broadcast %get3A_61 : vector<512x1xf32> to vector<512x256xf32>
    %mul3A_490 = arith.mulf %max3A_488, %mul3A_489 : vector<512x256xf32>
    %reshape3A_491 = vector.shape_cast %mul3A_490 : vector<512x256xf32> to vector<8x64x256xf32>
    %reduce_sum3A_492 = arith.constant dense<0.000000e+00> : vector<8x256xf32>
    %reduce_sum3A_493 = vector.multi_reduction <add>, %reshape3A_491, %reduce_sum3A_492 [1] : vector<8x64x256xf32> to vector<8x256xf32>
    %mul3A_494 = vector.broadcast %get3A_64 : vector<128x1xf32> to vector<128x256xf32>
    %mul3A_495 = arith.mulf %concatenate3A_481, %mul3A_494 : vector<128x256xf32>
    %reshape3A_496 = vector.shape_cast %mul3A_495 : vector<128x256xf32> to vector<8x16x256xf32>
    %reduce_sum3A_497 = arith.constant dense<0.000000e+00> : vector<8x256xf32>
    %reduce_sum3A_498 = vector.multi_reduction <add>, %reshape3A_496, %reduce_sum3A_497 [1] : vector<8x16x256xf32> to vector<8x256xf32>
    %swap3A_499 = arith.constant 104 : index
    %swap3A_500 = arith.constant 0 : index
    %swap3A_501 = vector.load %arg7[%swap3A_499, %swap3A_500] : memref<328x256xf32, #tpu.memory_space<vmem>>, vector<8x256xf32>
    tpu.vector_store %arg7[%swap3A_499, %swap3A_500], %reduce_sum3A_493 {strides = array<i32>} : memref<328x256xf32, #tpu.memory_space<vmem>>, vector<8x256xf32>,
    %swap3A_502 = arith.constant 104 : index
    %swap3A_503 = arith.constant 0 : index
    %swap3A_504 = vector.load %arg8[%swap3A_502, %swap3A_503] : memref<328x256xf32, #tpu.memory_space<vmem>>, vector<8x256xf32>
    tpu.vector_store %arg8[%swap3A_502, %swap3A_503], %reduce_sum3A_498 {strides = array<i32>} : memref<328x256xf32, #tpu.memory_space<vmem>>, vector<8x256xf32>,
    %mul3A_505 = arith.mulf %squeeze3A_10, %squeeze3A_48 : vector<16x256xf32>
    %mul3A_506 = arith.mulf %squeeze3A_10, %squeeze3A_50 : vector<16x256xf32>
    %mul3A_507 = arith.mulf %squeeze3A_10, %squeeze3A_52 : vector<16x256xf32>
    %mul3A_508 = arith.mulf %squeeze3A_12, %squeeze3A_14 : vector<16x256xf32>
    %mul3A_509 = arith.mulf %squeeze3A_12, %squeeze3A_16 : vector<16x256xf32>
    %mul3A_510 = arith.mulf %squeeze3A_12, %squeeze3A_18 : vector<16x256xf32>
    %mul3A_511 = arith.mulf %squeeze3A_12, %squeeze3A_20 : vector<16x256xf32>
    %mul3A_512 = arith.mulf %squeeze3A_12, %squeeze3A_22 : vector<16x256xf32>
    %concatenate3A_513 = tpu.concatenate %mul3A_505, %mul3A_506, %mul3A_507, %mul3A_508, %mul3A_509, %mul3A_510, %mul3A_511, %mul3A_512 in 0 : vector<16x256xf32>, vector<16x256xf32>, vector<16x256xf32>, vector<16x256xf32>, vector<16x256xf32>, vector<16x256xf32>, vector<16x256xf32>, vector<16x256xf32> -> vector<128x256xf32>
    %dot_general3A_514 = arith.constant dense<0.000000e+00> : vector<512x256xf32>
    %dot_general3A_515 = tpu.matmul %get3A_55, %concatenate3A_513, %dot_general3A_514 {dimension_numbers = #tpu.dot_dimension_numbers<[1], [0], [0], [1], [0, 0, 1, 1], [], []>, transpose_lhs_hint = false} : vector<512x128xf32>, vector<128x256xf32>, vector<512x256xf32> -> vector<512x256xf32>
    %add3A_516 = vector.broadcast %get3A_58 : vector<512x1xf32> to vector<512x256xf32>
    %add3A_517 = arith.addf %dot_general3A_515, %add3A_516 : vector<512x256xf32>
    %max3A_518 = arith.constant 0.000000e+00 : f32
    %max3A_519 = vector.broadcast %max3A_518 : f32 to vector<512x256xf32>
    %max3A_520 = arith.maximumf %add3A_517, %max3A_519 : vector<512x256xf32>
    %mul3A_521 = vector.broadcast %get3A_61 : vector<512x1xf32> to vector<512x256xf32>
    %mul3A_522 = arith.mulf %max3A_520, %mul3A_521 : vector<512x256xf32>
    %reshape3A_523 = vector.shape_cast %mul3A_522 : vector<512x256xf32> to vector<8x64x256xf32>
    %reduce_sum3A_524 = arith.constant dense<0.000000e+00> : vector<8x256xf32>
    %reduce_sum3A_525 = vector.multi_reduction <add>, %reshape3A_523, %reduce_sum3A_524 [1] : vector<8x64x256xf32> to vector<8x256xf32>
    %mul3A_526 = vector.broadcast %get3A_64 : vector<128x1xf32> to vector<128x256xf32>
    %mul3A_527 = arith.mulf %concatenate3A_513, %mul3A_526 : vector<128x256xf32>
    %reshape3A_528 = vector.shape_cast %mul3A_527 : vector<128x256xf32> to vector<8x16x256xf32>
    %reduce_sum3A_529 = arith.constant dense<0.000000e+00> : vector<8x256xf32>
    %reduce_sum3A_530 = vector.multi_reduction <add>, %reshape3A_528, %reduce_sum3A_529 [1] : vector<8x16x256xf32> to vector<8x256xf32>
    %swap3A_531 = arith.constant 112 : index
    %swap3A_532 = arith.constant 0 : index
    %swap3A_533 = vector.load %arg7[%swap3A_531, %swap3A_532] : memref<328x256xf32, #tpu.memory_space<vmem>>, vector<8x256xf32>
    tpu.vector_store %arg7[%swap3A_531, %swap3A_532], %reduce_sum3A_525 {strides = array<i32>} : memref<328x256xf32, #tpu.memory_space<vmem>>, vector<8x256xf32>,
    %swap3A_534 = arith.constant 112 : index
    %swap3A_535 = arith.constant 0 : index
    %swap3A_536 = vector.load %arg8[%swap3A_534, %swap3A_535] : memref<328x256xf32, #tpu.memory_space<vmem>>, vector<8x256xf32>
    tpu.vector_store %arg8[%swap3A_534, %swap3A_535], %reduce_sum3A_530 {strides = array<i32>} : memref<328x256xf32, #tpu.memory_space<vmem>>, vector<8x256xf32>,
    %mul3A_537 = arith.mulf %squeeze3A_12, %squeeze3A_24 : vector<16x256xf32>
    %mul3A_538 = arith.mulf %squeeze3A_12, %squeeze3A_26 : vector<16x256xf32>
    %mul3A_539 = arith.mulf %squeeze3A_12, %squeeze3A_28 : vector<16x256xf32>
    %mul3A_540 = arith.mulf %squeeze3A_12, %squeeze3A_30 : vector<16x256xf32>
    %mul3A_541 = arith.mulf %squeeze3A_12, %squeeze3A_32 : vector<16x256xf32>
    %mul3A_542 = arith.mulf %squeeze3A_12, %squeeze3A_34 : vector<16x256xf32>
    %mul3A_543 = arith.mulf %squeeze3A_12, %squeeze3A_36 : vector<16x256xf32>
    %mul3A_544 = arith.mulf %squeeze3A_12, %squeeze3A_38 : vector<16x256xf32>
    %concatenate3A_545 = tpu.concatenate %mul3A_537, %mul3A_538, %mul3A_539, %mul3A_540, %mul3A_541, %mul3A_542, %mul3A_543, %mul3A_544 in 0 : vector<16x256xf32>, vector<16x256xf32>, vector<16x256xf32>, vector<16x256xf32>, vector<16x256xf32>, vector<16x256xf32>, vector<16x256xf32>, vector<16x256xf32> -> vector<128x256xf32>
    %dot_general3A_546 = arith.constant dense<0.000000e+00> : vector<512x256xf32>
    %dot_general3A_547 = tpu.matmul %get3A_55, %concatenate3A_545, %dot_general3A_546 {dimension_numbers = #tpu.dot_dimension_numbers<[1], [0], [0], [1], [0, 0, 1, 1], [], []>, transpose_lhs_hint = false} : vector<512x128xf32>, vector<128x256xf32>, vector<512x256xf32> -> vector<512x256xf32>
    %add3A_548 = vector.broadcast %get3A_58 : vector<512x1xf32> to vector<512x256xf32>
    %add3A_549 = arith.addf %dot_general3A_547, %add3A_548 : vector<512x256xf32>
    %max3A_550 = arith.constant 0.000000e+00 : f32
    %max3A_551 = vector.broadcast %max3A_550 : f32 to vector<512x256xf32>
    %max3A_552 = arith.maximumf %add3A_549, %max3A_551 : vector<512x256xf32>
    %mul3A_553 = vector.broadcast %get3A_61 : vector<512x1xf32> to vector<512x256xf32>
    %mul3A_554 = arith.mulf %max3A_552, %mul3A_553 : vector<512x256xf32>
    %reshape3A_555 = vector.shape_cast %mul3A_554 : vector<512x256xf32> to vector<8x64x256xf32>
    %reduce_sum3A_556 = arith.constant dense<0.000000e+00> : vector<8x256xf32>
    %reduce_sum3A_557 = vector.multi_reduction <add>, %reshape3A_555, %reduce_sum3A_556 [1] : vector<8x64x256xf32> to vector<8x256xf32>
    %mul3A_558 = vector.broadcast %get3A_64 : vector<128x1xf32> to vector<128x256xf32>
    %mul3A_559 = arith.mulf %concatenate3A_545, %mul3A_558 : vector<128x256xf32>
    %reshape3A_560 = vector.shape_cast %mul3A_559 : vector<128x256xf32> to vector<8x16x256xf32>
    %reduce_sum3A_561 = arith.constant dense<0.000000e+00> : vector<8x256xf32>
    %reduce_sum3A_562 = vector.multi_reduction <add>, %reshape3A_560, %reduce_sum3A_561 [1] : vector<8x16x256xf32> to vector<8x256xf32>
    %swap3A_563 = arith.constant 120 : index
    %swap3A_564 = arith.constant 0 : index
    %swap3A_565 = vector.load %arg7[%swap3A_563, %swap3A_564] : memref<328x256xf32, #tpu.memory_space<vmem>>, vector<8x256xf32>
    tpu.vector_store %arg7[%swap3A_563, %swap3A_564], %reduce_sum3A_557 {strides = array<i32>} : memref<328x256xf32, #tpu.memory_space<vmem>>, vector<8x256xf32>,
    %swap3A_566 = arith.constant 120 : index
    %swap3A_567 = arith.constant 0 : index
    %swap3A_568 = vector.load %arg8[%swap3A_566, %swap3A_567] : memref<328x256xf32, #tpu.memory_space<vmem>>, vector<8x256xf32>
    tpu.vector_store %arg8[%swap3A_566, %swap3A_567], %reduce_sum3A_562 {strides = array<i32>} : memref<328x256xf32, #tpu.memory_space<vmem>>, vector<8x256xf32>,
    %mul3A_569 = arith.mulf %squeeze3A_12, %squeeze3A_40 : vector<16x256xf32>
    %mul3A_570 = arith.mulf %squeeze3A_12, %squeeze3A_42 : vector<16x256xf32>
    %mul3A_571 = arith.mulf %squeeze3A_12, %squeeze3A_44 : vector<16x256xf32>
    %mul3A_572 = arith.mulf %squeeze3A_12, %squeeze3A_46 : vector<16x256xf32>
    %mul3A_573 = arith.mulf %squeeze3A_12, %squeeze3A_48 : vector<16x256xf32>
    %mul3A_574 = arith.mulf %squeeze3A_12, %squeeze3A_50 : vector<16x256xf32>
    %mul3A_575 = arith.mulf %squeeze3A_12, %squeeze3A_52 : vector<16x256xf32>
    %mul3A_576 = arith.mulf %squeeze3A_14, %squeeze3A_16 : vector<16x256xf32>
    %concatenate3A_577 = tpu.concatenate %mul3A_569, %mul3A_570, %mul3A_571, %mul3A_572, %mul3A_573, %mul3A_574, %mul3A_575, %mul3A_576 in 0 : vector<16x256xf32>, vector<16x256xf32>, vector<16x256xf32>, vector<16x256xf32>, vector<16x256xf32>, vector<16x256xf32>, vector<16x256xf32>, vector<16x256xf32> -> vector<128x256xf32>
    %dot_general3A_578 = arith.constant dense<0.000000e+00> : vector<512x256xf32>
    %dot_general3A_579 = tpu.matmul %get3A_55, %concatenate3A_577, %dot_general3A_578 {dimension_numbers = #tpu.dot_dimension_numbers<[1], [0], [0], [1], [0, 0, 1, 1], [], []>, transpose_lhs_hint = false} : vector<512x128xf32>, vector<128x256xf32>, vector<512x256xf32> -> vector<512x256xf32>
    %add3A_580 = vector.broadcast %get3A_58 : vector<512x1xf32> to vector<512x256xf32>
    %add3A_581 = arith.addf %dot_general3A_579, %add3A_580 : vector<512x256xf32>
    %max3A_582 = arith.constant 0.000000e+00 : f32
    %max3A_583 = vector.broadcast %max3A_582 : f32 to vector<512x256xf32>
    %max3A_584 = arith.maximumf %add3A_581, %max3A_583 : vector<512x256xf32>
    %mul3A_585 = vector.broadcast %get3A_61 : vector<512x1xf32> to vector<512x256xf32>
    %mul3A_586 = arith.mulf %max3A_584, %mul3A_585 : vector<512x256xf32>
    %reshape3A_587 = vector.shape_cast %mul3A_586 : vector<512x256xf32> to vector<8x64x256xf32>
    %reduce_sum3A_588 = arith.constant dense<0.000000e+00> : vector<8x256xf32>
    %reduce_sum3A_589 = vector.multi_reduction <add>, %reshape3A_587, %reduce_sum3A_588 [1] : vector<8x64x256xf32> to vector<8x256xf32>
    %mul3A_590 = vector.broadcast %get3A_64 : vector<128x1xf32> to vector<128x256xf32>
    %mul3A_591 = arith.mulf %concatenate3A_577, %mul3A_590 : vector<128x256xf32>
    %reshape3A_592 = vector.shape_cast %mul3A_591 : vector<128x256xf32> to vector<8x16x256xf32>
    %reduce_sum3A_593 = arith.constant dense<0.000000e+00> : vector<8x256xf32>
    %reduce_sum3A_594 = vector.multi_reduction <add>, %reshape3A_592, %reduce_sum3A_593 [1] : vector<8x16x256xf32> to vector<8x256xf32>
    %swap3A_595 = arith.constant 128 : index
    %swap3A_596 = arith.constant 0 : index
    %swap3A_597 = vector.load %arg7[%swap3A_595, %swap3A_596] : memref<328x256xf32, #tpu.memory_space<vmem>>, vector<8x256xf32>
    tpu.vector_store %arg7[%swap3A_595, %swap3A_596], %reduce_sum3A_589 {strides = array<i32>} : memref<328x256xf32, #tpu.memory_space<vmem>>, vector<8x256xf32>,
    %swap3A_598 = arith.constant 128 : index
    %swap3A_599 = arith.constant 0 : index
    %swap3A_600 = vector.load %arg8[%swap3A_598, %swap3A_599] : memref<328x256xf32, #tpu.memory_space<vmem>>, vector<8x256xf32>
    tpu.vector_store %arg8[%swap3A_598, %swap3A_599], %reduce_sum3A_594 {strides = array<i32>} : memref<328x256xf32, #tpu.memory_space<vmem>>, vector<8x256xf32>,
    %mul3A_601 = arith.mulf %squeeze3A_14, %squeeze3A_18 : vector<16x256xf32>
    %mul3A_602 = arith.mulf %squeeze3A_14, %squeeze3A_20 : vector<16x256xf32>
    %mul3A_603 = arith.mulf %squeeze3A_14, %squeeze3A_22 : vector<16x256xf32>
    %mul3A_604 = arith.mulf %squeeze3A_14, %squeeze3A_24 : vector<16x256xf32>
    %mul3A_605 = arith.mulf %squeeze3A_14, %squeeze3A_26 : vector<16x256xf32>
    %mul3A_606 = arith.mulf %squeeze3A_14, %squeeze3A_28 : vector<16x256xf32>
    %mul3A_607 = arith.mulf %squeeze3A_14, %squeeze3A_30 : vector<16x256xf32>
    %mul3A_608 = arith.mulf %squeeze3A_14, %squeeze3A_32 : vector<16x256xf32>
    %concatenate3A_609 = tpu.concatenate %mul3A_601, %mul3A_602, %mul3A_603, %mul3A_604, %mul3A_605, %mul3A_606, %mul3A_607, %mul3A_608 in 0 : vector<16x256xf32>, vector<16x256xf32>, vector<16x256xf32>, vector<16x256xf32>, vector<16x256xf32>, vector<16x256xf32>, vector<16x256xf32>, vector<16x256xf32> -> vector<128x256xf32>
    %dot_general3A_610 = arith.constant dense<0.000000e+00> : vector<512x256xf32>
    %dot_general3A_611 = tpu.matmul %get3A_55, %concatenate3A_609, %dot_general3A_610 {dimension_numbers = #tpu.dot_dimension_numbers<[1], [0], [0], [1], [0, 0, 1, 1], [], []>, transpose_lhs_hint = false} : vector<512x128xf32>, vector<128x256xf32>, vector<512x256xf32> -> vector<512x256xf32>
    %add3A_612 = vector.broadcast %get3A_58 : vector<512x1xf32> to vector<512x256xf32>
    %add3A_613 = arith.addf %dot_general3A_611, %add3A_612 : vector<512x256xf32>
    %max3A_614 = arith.constant 0.000000e+00 : f32
    %max3A_615 = vector.broadcast %max3A_614 : f32 to vector<512x256xf32>
    %max3A_616 = arith.maximumf %add3A_613, %max3A_615 : vector<512x256xf32>
    %mul3A_617 = vector.broadcast %get3A_61 : vector<512x1xf32> to vector<512x256xf32>
    %mul3A_618 = arith.mulf %max3A_616, %mul3A_617 : vector<512x256xf32>
    %reshape3A_619 = vector.shape_cast %mul3A_618 : vector<512x256xf32> to vector<8x64x256xf32>
    %reduce_sum3A_620 = arith.constant dense<0.000000e+00> : vector<8x256xf32>
    %reduce_sum3A_621 = vector.multi_reduction <add>, %reshape3A_619, %reduce_sum3A_620 [1] : vector<8x64x256xf32> to vector<8x256xf32>
    %mul3A_622 = vector.broadcast %get3A_64 : vector<128x1xf32> to vector<128x256xf32>
    %mul3A_623 = arith.mulf %concatenate3A_609, %mul3A_622 : vector<128x256xf32>
    %reshape3A_624 = vector.shape_cast %mul3A_623 : vector<128x256xf32> to vector<8x16x256xf32>
    %reduce_sum3A_625 = arith.constant dense<0.000000e+00> : vector<8x256xf32>
    %reduce_sum3A_626 = vector.multi_reduction <add>, %reshape3A_624, %reduce_sum3A_625 [1] : vector<8x16x256xf32> to vector<8x256xf32>
    %swap3A_627 = arith.constant 136 : index
    %swap3A_628 = arith.constant 0 : index
    %swap3A_629 = vector.load %arg7[%swap3A_627, %swap3A_628] : memref<328x256xf32, #tpu.memory_space<vmem>>, vector<8x256xf32>
    tpu.vector_store %arg7[%swap3A_627, %swap3A_628], %reduce_sum3A_621 {strides = array<i32>} : memref<328x256xf32, #tpu.memory_space<vmem>>, vector<8x256xf32>,
    %swap3A_630 = arith.constant 136 : index
    %swap3A_631 = arith.constant 0 : index
    %swap3A_632 = vector.load %arg8[%swap3A_630, %swap3A_631] : memref<328x256xf32, #tpu.memory_space<vmem>>, vector<8x256xf32>
    tpu.vector_store %arg8[%swap3A_630, %swap3A_631], %reduce_sum3A_626 {strides = array<i32>} : memref<328x256xf32, #tpu.memory_space<vmem>>, vector<8x256xf32>,
    %mul3A_633 = arith.mulf %squeeze3A_14, %squeeze3A_34 : vector<16x256xf32>
    %mul3A_634 = arith.mulf %squeeze3A_14, %squeeze3A_36 : vector<16x256xf32>
    %mul3A_635 = arith.mulf %squeeze3A_14, %squeeze3A_38 : vector<16x256xf32>
    %mul3A_636 = arith.mulf %squeeze3A_14, %squeeze3A_40 : vector<16x256xf32>
    %mul3A_637 = arith.mulf %squeeze3A_14, %squeeze3A_42 : vector<16x256xf32>
    %mul3A_638 = arith.mulf %squeeze3A_14, %squeeze3A_44 : vector<16x256xf32>
    %mul3A_639 = arith.mulf %squeeze3A_14, %squeeze3A_46 : vector<16x256xf32>
    %mul3A_640 = arith.mulf %squeeze3A_14, %squeeze3A_48 : vector<16x256xf32>
    %concatenate3A_641 = tpu.concatenate %mul3A_633, %mul3A_634, %mul3A_635, %mul3A_636, %mul3A_637, %mul3A_638, %mul3A_639, %mul3A_640 in 0 : vector<16x256xf32>, vector<16x256xf32>, vector<16x256xf32>, vector<16x256xf32>, vector<16x256xf32>, vector<16x256xf32>, vector<16x256xf32>, vector<16x256xf32> -> vector<128x256xf32>
    %dot_general3A_642 = arith.constant dense<0.000000e+00> : vector<512x256xf32>
    %dot_general3A_643 = tpu.matmul %get3A_55, %concatenate3A_641, %dot_general3A_642 {dimension_numbers = #tpu.dot_dimension_numbers<[1], [0], [0], [1], [0, 0, 1, 1], [], []>, transpose_lhs_hint = false} : vector<512x128xf32>, vector<128x256xf32>, vector<512x256xf32> -> vector<512x256xf32>
    %add3A_644 = vector.broadcast %get3A_58 : vector<512x1xf32> to vector<512x256xf32>
    %add3A_645 = arith.addf %dot_general3A_643, %add3A_644 : vector<512x256xf32>
    %max3A_646 = arith.constant 0.000000e+00 : f32
    %max3A_647 = vector.broadcast %max3A_646 : f32 to vector<512x256xf32>
    %max3A_648 = arith.maximumf %add3A_645, %max3A_647 : vector<512x256xf32>
    %mul3A_649 = vector.broadcast %get3A_61 : vector<512x1xf32> to vector<512x256xf32>
    %mul3A_650 = arith.mulf %max3A_648, %mul3A_649 : vector<512x256xf32>
    %reshape3A_651 = vector.shape_cast %mul3A_650 : vector<512x256xf32> to vector<8x64x256xf32>
    %reduce_sum3A_652 = arith.constant dense<0.000000e+00> : vector<8x256xf32>
    %reduce_sum3A_653 = vector.multi_reduction <add>, %reshape3A_651, %reduce_sum3A_652 [1] : vector<8x64x256xf32> to vector<8x256xf32>
    %mul3A_654 = vector.broadcast %get3A_64 : vector<128x1xf32> to vector<128x256xf32>
    %mul3A_655 = arith.mulf %concatenate3A_641, %mul3A_654 : vector<128x256xf32>
    %reshape3A_656 = vector.shape_cast %mul3A_655 : vector<128x256xf32> to vector<8x16x256xf32>
    %reduce_sum3A_657 = arith.constant dense<0.000000e+00> : vector<8x256xf32>
    %reduce_sum3A_658 = vector.multi_reduction <add>, %reshape3A_656, %reduce_sum3A_657 [1] : vector<8x16x256xf32> to vector<8x256xf32>
    %swap3A_659 = arith.constant 144 : index
    %swap3A_660 = arith.constant 0 : index
    %swap3A_661 = vector.load %arg7[%swap3A_659, %swap3A_660] : memref<328x256xf32, #tpu.memory_space<vmem>>, vector<8x256xf32>
    tpu.vector_store %arg7[%swap3A_659, %swap3A_660], %reduce_sum3A_653 {strides = array<i32>} : memref<328x256xf32, #tpu.memory_space<vmem>>, vector<8x256xf32>,
    %swap3A_662 = arith.constant 144 : index
    %swap3A_663 = arith.constant 0 : index
    %swap3A_664 = vector.load %arg8[%swap3A_662, %swap3A_663] : memref<328x256xf32, #tpu.memory_space<vmem>>, vector<8x256xf32>
    tpu.vector_store %arg8[%swap3A_662, %swap3A_663], %reduce_sum3A_658 {strides = array<i32>} : memref<328x256xf32, #tpu.memory_space<vmem>>, vector<8x256xf32>,
    %mul3A_665 = arith.mulf %squeeze3A_14, %squeeze3A_50 : vector<16x256xf32>
    %mul3A_666 = arith.mulf %squeeze3A_14, %squeeze3A_52 : vector<16x256xf32>
    %mul3A_667 = arith.mulf %squeeze3A_16, %squeeze3A_18 : vector<16x256xf32>
    %mul3A_668 = arith.mulf %squeeze3A_16, %squeeze3A_20 : vector<16x256xf32>
    %mul3A_669 = arith.mulf %squeeze3A_16, %squeeze3A_22 : vector<16x256xf32>
    %mul3A_670 = arith.mulf %squeeze3A_16, %squeeze3A_24 : vector<16x256xf32>
    %mul3A_671 = arith.mulf %squeeze3A_16, %squeeze3A_26 : vector<16x256xf32>
    %mul3A_672 = arith.mulf %squeeze3A_16, %squeeze3A_28 : vector<16x256xf32>
    %concatenate3A_673 = tpu.concatenate %mul3A_665, %mul3A_666, %mul3A_667, %mul3A_668, %mul3A_669, %mul3A_670, %mul3A_671, %mul3A_672 in 0 : vector<16x256xf32>, vector<16x256xf32>, vector<16x256xf32>, vector<16x256xf32>, vector<16x256xf32>, vector<16x256xf32>, vector<16x256xf32>, vector<16x256xf32> -> vector<128x256xf32>
    %dot_general3A_674 = arith.constant dense<0.000000e+00> : vector<512x256xf32>
    %dot_general3A_675 = tpu.matmul %get3A_55, %concatenate3A_673, %dot_general3A_674 {dimension_numbers = #tpu.dot_dimension_numbers<[1], [0], [0], [1], [0, 0, 1, 1], [], []>, transpose_lhs_hint = false} : vector<512x128xf32>, vector<128x256xf32>, vector<512x256xf32> -> vector<512x256xf32>
    %add3A_676 = vector.broadcast %get3A_58 : vector<512x1xf32> to vector<512x256xf32>
    %add3A_677 = arith.addf %dot_general3A_675, %add3A_676 : vector<512x256xf32>
    %max3A_678 = arith.constant 0.000000e+00 : f32
    %max3A_679 = vector.broadcast %max3A_678 : f32 to vector<512x256xf32>
    %max3A_680 = arith.maximumf %add3A_677, %max3A_679 : vector<512x256xf32>
    %mul3A_681 = vector.broadcast %get3A_61 : vector<512x1xf32> to vector<512x256xf32>
    %mul3A_682 = arith.mulf %max3A_680, %mul3A_681 : vector<512x256xf32>
    %reshape3A_683 = vector.shape_cast %mul3A_682 : vector<512x256xf32> to vector<8x64x256xf32>
    %reduce_sum3A_684 = arith.constant dense<0.000000e+00> : vector<8x256xf32>
    %reduce_sum3A_685 = vector.multi_reduction <add>, %reshape3A_683, %reduce_sum3A_684 [1] : vector<8x64x256xf32> to vector<8x256xf32>
    %mul3A_686 = vector.broadcast %get3A_64 : vector<128x1xf32> to vector<128x256xf32>
    %mul3A_687 = arith.mulf %concatenate3A_673, %mul3A_686 : vector<128x256xf32>
    %reshape3A_688 = vector.shape_cast %mul3A_687 : vector<128x256xf32> to vector<8x16x256xf32>
    %reduce_sum3A_689 = arith.constant dense<0.000000e+00> : vector<8x256xf32>
    %reduce_sum3A_690 = vector.multi_reduction <add>, %reshape3A_688, %reduce_sum3A_689 [1] : vector<8x16x256xf32> to vector<8x256xf32>
    %swap3A_691 = arith.constant 152 : index
    %swap3A_692 = arith.constant 0 : index
    %swap3A_693 = vector.load %arg7[%swap3A_691, %swap3A_692] : memref<328x256xf32, #tpu.memory_space<vmem>>, vector<8x256xf32>
    tpu.vector_store %arg7[%swap3A_691, %swap3A_692], %reduce_sum3A_685 {strides = array<i32>} : memref<328x256xf32, #tpu.memory_space<vmem>>, vector<8x256xf32>,
    %swap3A_694 = arith.constant 152 : index
    %swap3A_695 = arith.constant 0 : index
    %swap3A_696 = vector.load %arg8[%swap3A_694, %swap3A_695] : memref<328x256xf32, #tpu.memory_space<vmem>>, vector<8x256xf32>
    tpu.vector_store %arg8[%swap3A_694, %swap3A_695], %reduce_sum3A_690 {strides = array<i32>} : memref<328x256xf32, #tpu.memory_space<vmem>>, vector<8x256xf32>,
    %mul3A_697 = arith.mulf %squeeze3A_16, %squeeze3A_30 : vector<16x256xf32>
    %mul3A_698 = arith.mulf %squeeze3A_16, %squeeze3A_32 : vector<16x256xf32>
    %mul3A_699 = arith.mulf %squeeze3A_16, %squeeze3A_34 : vector<16x256xf32>
    %mul3A_700 = arith.mulf %squeeze3A_16, %squeeze3A_36 : vector<16x256xf32>
    %mul3A_701 = arith.mulf %squeeze3A_16, %squeeze3A_38 : vector<16x256xf32>
    %mul3A_702 = arith.mulf %squeeze3A_16, %squeeze3A_40 : vector<16x256xf32>
    %mul3A_703 = arith.mulf %squeeze3A_16, %squeeze3A_42 : vector<16x256xf32>
    %mul3A_704 = arith.mulf %squeeze3A_16, %squeeze3A_44 : vector<16x256xf32>
    %concatenate3A_705 = tpu.concatenate %mul3A_697, %mul3A_698, %mul3A_699, %mul3A_700, %mul3A_701, %mul3A_702, %mul3A_703, %mul3A_704 in 0 : vector<16x256xf32>, vector<16x256xf32>, vector<16x256xf32>, vector<16x256xf32>, vector<16x256xf32>, vector<16x256xf32>, vector<16x256xf32>, vector<16x256xf32> -> vector<128x256xf32>
    %dot_general3A_706 = arith.constant dense<0.000000e+00> : vector<512x256xf32>
    %dot_general3A_707 = tpu.matmul %get3A_55, %concatenate3A_705, %dot_general3A_706 {dimension_numbers = #tpu.dot_dimension_numbers<[1], [0], [0], [1], [0, 0, 1, 1], [], []>, transpose_lhs_hint = false} : vector<512x128xf32>, vector<128x256xf32>, vector<512x256xf32> -> vector<512x256xf32>
    %add3A_708 = vector.broadcast %get3A_58 : vector<512x1xf32> to vector<512x256xf32>
    %add3A_709 = arith.addf %dot_general3A_707, %add3A_708 : vector<512x256xf32>
    %max3A_710 = arith.constant 0.000000e+00 : f32
    %max3A_711 = vector.broadcast %max3A_710 : f32 to vector<512x256xf32>
    %max3A_712 = arith.maximumf %add3A_709, %max3A_711 : vector<512x256xf32>
    %mul3A_713 = vector.broadcast %get3A_61 : vector<512x1xf32> to vector<512x256xf32>
    %mul3A_714 = arith.mulf %max3A_712, %mul3A_713 : vector<512x256xf32>
    %reshape3A_715 = vector.shape_cast %mul3A_714 : vector<512x256xf32> to vector<8x64x256xf32>
    %reduce_sum3A_716 = arith.constant dense<0.000000e+00> : vector<8x256xf32>
    %reduce_sum3A_717 = vector.multi_reduction <add>, %reshape3A_715, %reduce_sum3A_716 [1] : vector<8x64x256xf32> to vector<8x256xf32>
    %mul3A_718 = vector.broadcast %get3A_64 : vector<128x1xf32> to vector<128x256xf32>
    %mul3A_719 = arith.mulf %concatenate3A_705, %mul3A_718 : vector<128x256xf32>
    %reshape3A_720 = vector.shape_cast %mul3A_719 : vector<128x256xf32> to vector<8x16x256xf32>
    %reduce_sum3A_721 = arith.constant dense<0.000000e+00> : vector<8x256xf32>
    %reduce_sum3A_722 = vector.multi_reduction <add>, %reshape3A_720, %reduce_sum3A_721 [1] : vector<8x16x256xf32> to vector<8x256xf32>
    %swap3A_723 = arith.constant 160 : index
    %swap3A_724 = arith.constant 0 : index
    %swap3A_725 = vector.load %arg7[%swap3A_723, %swap3A_724] : memref<328x256xf32, #tpu.memory_space<vmem>>, vector<8x256xf32>
    tpu.vector_store %arg7[%swap3A_723, %swap3A_724], %reduce_sum3A_717 {strides = array<i32>} : memref<328x256xf32, #tpu.memory_space<vmem>>, vector<8x256xf32>,
    %swap3A_726 = arith.constant 160 : index
    %swap3A_727 = arith.constant 0 : index
    %swap3A_728 = vector.load %arg8[%swap3A_726, %swap3A_727] : memref<328x256xf32, #tpu.memory_space<vmem>>, vector<8x256xf32>
    tpu.vector_store %arg8[%swap3A_726, %swap3A_727], %reduce_sum3A_722 {strides = array<i32>} : memref<328x256xf32, #tpu.memory_space<vmem>>, vector<8x256xf32>,
    %mul3A_729 = arith.mulf %squeeze3A_16, %squeeze3A_46 : vector<16x256xf32>
    %mul3A_730 = arith.mulf %squeeze3A_16, %squeeze3A_48 : vector<16x256xf32>
    %mul3A_731 = arith.mulf %squeeze3A_16, %squeeze3A_50 : vector<16x256xf32>
    %mul3A_732 = arith.mulf %squeeze3A_16, %squeeze3A_52 : vector<16x256xf32>
    %mul3A_733 = arith.mulf %squeeze3A_18, %squeeze3A_20 : vector<16x256xf32>
    %mul3A_734 = arith.mulf %squeeze3A_18, %squeeze3A_22 : vector<16x256xf32>
    %mul3A_735 = arith.mulf %squeeze3A_18, %squeeze3A_24 : vector<16x256xf32>
    %mul3A_736 = arith.mulf %squeeze3A_18, %squeeze3A_26 : vector<16x256xf32>
    %concatenate3A_737 = tpu.concatenate %mul3A_729, %mul3A_730, %mul3A_731, %mul3A_732, %mul3A_733, %mul3A_734, %mul3A_735, %mul3A_736 in 0 : vector<16x256xf32>, vector<16x256xf32>, vector<16x256xf32>, vector<16x256xf32>, vector<16x256xf32>, vector<16x256xf32>, vector<16x256xf32>, vector<16x256xf32> -> vector<128x256xf32>
    %dot_general3A_738 = arith.constant dense<0.000000e+00> : vector<512x256xf32>
    %dot_general3A_739 = tpu.matmul %get3A_55, %concatenate3A_737, %dot_general3A_738 {dimension_numbers = #tpu.dot_dimension_numbers<[1], [0], [0], [1], [0, 0, 1, 1], [], []>, transpose_lhs_hint = false} : vector<512x128xf32>, vector<128x256xf32>, vector<512x256xf32> -> vector<512x256xf32>
    %add3A_740 = vector.broadcast %get3A_58 : vector<512x1xf32> to vector<512x256xf32>
    %add3A_741 = arith.addf %dot_general3A_739, %add3A_740 : vector<512x256xf32>
    %max3A_742 = arith.constant 0.000000e+00 : f32
    %max3A_743 = vector.broadcast %max3A_742 : f32 to vector<512x256xf32>
    %max3A_744 = arith.maximumf %add3A_741, %max3A_743 : vector<512x256xf32>
    %mul3A_745 = vector.broadcast %get3A_61 : vector<512x1xf32> to vector<512x256xf32>
    %mul3A_746 = arith.mulf %max3A_744, %mul3A_745 : vector<512x256xf32>
    %reshape3A_747 = vector.shape_cast %mul3A_746 : vector<512x256xf32> to vector<8x64x256xf32>
    %reduce_sum3A_748 = arith.constant dense<0.000000e+00> : vector<8x256xf32>
    %reduce_sum3A_749 = vector.multi_reduction <add>, %reshape3A_747, %reduce_sum3A_748 [1] : vector<8x64x256xf32> to vector<8x256xf32>
    %mul3A_750 = vector.broadcast %get3A_64 : vector<128x1xf32> to vector<128x256xf32>
    %mul3A_751 = arith.mulf %concatenate3A_737, %mul3A_750 : vector<128x256xf32>
    %reshape3A_752 = vector.shape_cast %mul3A_751 : vector<128x256xf32> to vector<8x16x256xf32>
    %reduce_sum3A_753 = arith.constant dense<0.000000e+00> : vector<8x256xf32>
    %reduce_sum3A_754 = vector.multi_reduction <add>, %reshape3A_752, %reduce_sum3A_753 [1] : vector<8x16x256xf32> to vector<8x256xf32>
    %swap3A_755 = arith.constant 168 : index
    %swap3A_756 = arith.constant 0 : index
    %swap3A_757 = vector.load %arg7[%swap3A_755, %swap3A_756] : memref<328x256xf32, #tpu.memory_space<vmem>>, vector<8x256xf32>
    tpu.vector_store %arg7[%swap3A_755, %swap3A_756], %reduce_sum3A_749 {strides = array<i32>} : memref<328x256xf32, #tpu.memory_space<vmem>>, vector<8x256xf32>,
    %swap3A_758 = arith.constant 168 : index
    %swap3A_759 = arith.constant 0 : index
    %swap3A_760 = vector.load %arg8[%swap3A_758, %swap3A_759] : memref<328x256xf32, #tpu.memory_space<vmem>>, vector<8x256xf32>
    tpu.vector_store %arg8[%swap3A_758, %swap3A_759], %reduce_sum3A_754 {strides = array<i32>} : memref<328x256xf32, #tpu.memory_space<vmem>>, vector<8x256xf32>,
    %mul3A_761 = arith.mulf %squeeze3A_18, %squeeze3A_28 : vector<16x256xf32>
    %mul3A_762 = arith.mulf %squeeze3A_18, %squeeze3A_30 : vector<16x256xf32>
    %mul3A_763 = arith.mulf %squeeze3A_18, %squeeze3A_32 : vector<16x256xf32>
    %mul3A_764 = arith.mulf %squeeze3A_18, %squeeze3A_34 : vector<16x256xf32>
    %mul3A_765 = arith.mulf %squeeze3A_18, %squeeze3A_36 : vector<16x256xf32>
    %mul3A_766 = arith.mulf %squeeze3A_18, %squeeze3A_38 : vector<16x256xf32>
    %mul3A_767 = arith.mulf %squeeze3A_18, %squeeze3A_40 : vector<16x256xf32>
    %mul3A_768 = arith.mulf %squeeze3A_18, %squeeze3A_42 : vector<16x256xf32>
    %concatenate3A_769 = tpu.concatenate %mul3A_761, %mul3A_762, %mul3A_763, %mul3A_764, %mul3A_765, %mul3A_766, %mul3A_767, %mul3A_768 in 0 : vector<16x256xf32>, vector<16x256xf32>, vector<16x256xf32>, vector<16x256xf32>, vector<16x256xf32>, vector<16x256xf32>, vector<16x256xf32>, vector<16x256xf32> -> vector<128x256xf32>
    %dot_general3A_770 = arith.constant dense<0.000000e+00> : vector<512x256xf32>
    %dot_general3A_771 = tpu.matmul %get3A_55, %concatenate3A_769, %dot_general3A_770 {dimension_numbers = #tpu.dot_dimension_numbers<[1], [0], [0], [1], [0, 0, 1, 1], [], []>, transpose_lhs_hint = false} : vector<512x128xf32>, vector<128x256xf32>, vector<512x256xf32> -> vector<512x256xf32>
    %add3A_772 = vector.broadcast %get3A_58 : vector<512x1xf32> to vector<512x256xf32>
    %add3A_773 = arith.addf %dot_general3A_771, %add3A_772 : vector<512x256xf32>
    %max3A_774 = arith.constant 0.000000e+00 : f32
    %max3A_775 = vector.broadcast %max3A_774 : f32 to vector<512x256xf32>
    %max3A_776 = arith.maximumf %add3A_773, %max3A_775 : vector<512x256xf32>
    %mul3A_777 = vector.broadcast %get3A_61 : vector<512x1xf32> to vector<512x256xf32>
    %mul3A_778 = arith.mulf %max3A_776, %mul3A_777 : vector<512x256xf32>
    %reshape3A_779 = vector.shape_cast %mul3A_778 : vector<512x256xf32> to vector<8x64x256xf32>
    %reduce_sum3A_780 = arith.constant dense<0.000000e+00> : vector<8x256xf32>
    %reduce_sum3A_781 = vector.multi_reduction <add>, %reshape3A_779, %reduce_sum3A_780 [1] : vector<8x64x256xf32> to vector<8x256xf32>
    %mul3A_782 = vector.broadcast %get3A_64 : vector<128x1xf32> to vector<128x256xf32>
    %mul3A_783 = arith.mulf %concatenate3A_769, %mul3A_782 : vector<128x256xf32>
    %reshape3A_784 = vector.shape_cast %mul3A_783 : vector<128x256xf32> to vector<8x16x256xf32>
    %reduce_sum3A_785 = arith.constant dense<0.000000e+00> : vector<8x256xf32>
    %reduce_sum3A_786 = vector.multi_reduction <add>, %reshape3A_784, %reduce_sum3A_785 [1] : vector<8x16x256xf32> to vector<8x256xf32>
    %swap3A_787 = arith.constant 176 : index
    %swap3A_788 = arith.constant 0 : index
    %swap3A_789 = vector.load %arg7[%swap3A_787, %swap3A_788] : memref<328x256xf32, #tpu.memory_space<vmem>>, vector<8x256xf32>
    tpu.vector_store %arg7[%swap3A_787, %swap3A_788], %reduce_sum3A_781 {strides = array<i32>} : memref<328x256xf32, #tpu.memory_space<vmem>>, vector<8x256xf32>,
    %swap3A_790 = arith.constant 176 : index
    %swap3A_791 = arith.constant 0 : index
    %swap3A_792 = vector.load %arg8[%swap3A_790, %swap3A_791] : memref<328x256xf32, #tpu.memory_space<vmem>>, vector<8x256xf32>
    tpu.vector_store %arg8[%swap3A_790, %swap3A_791], %reduce_sum3A_786 {strides = array<i32>} : memref<328x256xf32, #tpu.memory_space<vmem>>, vector<8x256xf32>,
    %mul3A_793 = arith.mulf %squeeze3A_18, %squeeze3A_44 : vector<16x256xf32>
    %mul3A_794 = arith.mulf %squeeze3A_18, %squeeze3A_46 : vector<16x256xf32>
    %mul3A_795 = arith.mulf %squeeze3A_18, %squeeze3A_48 : vector<16x256xf32>
    %mul3A_796 = arith.mulf %squeeze3A_18, %squeeze3A_50 : vector<16x256xf32>
    %mul3A_797 = arith.mulf %squeeze3A_18, %squeeze3A_52 : vector<16x256xf32>
    %mul3A_798 = arith.mulf %squeeze3A_20, %squeeze3A_22 : vector<16x256xf32>
    %mul3A_799 = arith.mulf %squeeze3A_20, %squeeze3A_24 : vector<16x256xf32>
    %mul3A_800 = arith.mulf %squeeze3A_20, %squeeze3A_26 : vector<16x256xf32>
    %concatenate3A_801 = tpu.concatenate %mul3A_793, %mul3A_794, %mul3A_795, %mul3A_796, %mul3A_797, %mul3A_798, %mul3A_799, %mul3A_800 in 0 : vector<16x256xf32>, vector<16x256xf32>, vector<16x256xf32>, vector<16x256xf32>, vector<16x256xf32>, vector<16x256xf32>, vector<16x256xf32>, vector<16x256xf32> -> vector<128x256xf32>
    %dot_general3A_802 = arith.constant dense<0.000000e+00> : vector<512x256xf32>
    %dot_general3A_803 = tpu.matmul %get3A_55, %concatenate3A_801, %dot_general3A_802 {dimension_numbers = #tpu.dot_dimension_numbers<[1], [0], [0], [1], [0, 0, 1, 1], [], []>, transpose_lhs_hint = false} : vector<512x128xf32>, vector<128x256xf32>, vector<512x256xf32> -> vector<512x256xf32>
    %add3A_804 = vector.broadcast %get3A_58 : vector<512x1xf32> to vector<512x256xf32>
    %add3A_805 = arith.addf %dot_general3A_803, %add3A_804 : vector<512x256xf32>
    %max3A_806 = arith.constant 0.000000e+00 : f32
    %max3A_807 = vector.broadcast %max3A_806 : f32 to vector<512x256xf32>
    %max3A_808 = arith.maximumf %add3A_805, %max3A_807 : vector<512x256xf32>
    %mul3A_809 = vector.broadcast %get3A_61 : vector<512x1xf32> to vector<512x256xf32>
    %mul3A_810 = arith.mulf %max3A_808, %mul3A_809 : vector<512x256xf32>
    %reshape3A_811 = vector.shape_cast %mul3A_810 : vector<512x256xf32> to vector<8x64x256xf32>
    %reduce_sum3A_812 = arith.constant dense<0.000000e+00> : vector<8x256xf32>
    %reduce_sum3A_813 = vector.multi_reduction <add>, %reshape3A_811, %reduce_sum3A_812 [1] : vector<8x64x256xf32> to vector<8x256xf32>
    %mul3A_814 = vector.broadcast %get3A_64 : vector<128x1xf32> to vector<128x256xf32>
    %mul3A_815 = arith.mulf %concatenate3A_801, %mul3A_814 : vector<128x256xf32>
    %reshape3A_816 = vector.shape_cast %mul3A_815 : vector<128x256xf32> to vector<8x16x256xf32>
    %reduce_sum3A_817 = arith.constant dense<0.000000e+00> : vector<8x256xf32>
    %reduce_sum3A_818 = vector.multi_reduction <add>, %reshape3A_816, %reduce_sum3A_817 [1] : vector<8x16x256xf32> to vector<8x256xf32>
    %swap3A_819 = arith.constant 184 : index
    %swap3A_820 = arith.constant 0 : index
    %swap3A_821 = vector.load %arg7[%swap3A_819, %swap3A_820] : memref<328x256xf32, #tpu.memory_space<vmem>>, vector<8x256xf32>
    tpu.vector_store %arg7[%swap3A_819, %swap3A_820], %reduce_sum3A_813 {strides = array<i32>} : memref<328x256xf32, #tpu.memory_space<vmem>>, vector<8x256xf32>,
    %swap3A_822 = arith.constant 184 : index
    %swap3A_823 = arith.constant 0 : index
    %swap3A_824 = vector.load %arg8[%swap3A_822, %swap3A_823] : memref<328x256xf32, #tpu.memory_space<vmem>>, vector<8x256xf32>
    tpu.vector_store %arg8[%swap3A_822, %swap3A_823], %reduce_sum3A_818 {strides = array<i32>} : memref<328x256xf32, #tpu.memory_space<vmem>>, vector<8x256xf32>,
    %mul3A_825 = arith.mulf %squeeze3A_20, %squeeze3A_28 : vector<16x256xf32>
    %mul3A_826 = arith.mulf %squeeze3A_20, %squeeze3A_30 : vector<16x256xf32>
    %mul3A_827 = arith.mulf %squeeze3A_20, %squeeze3A_32 : vector<16x256xf32>
    %mul3A_828 = arith.mulf %squeeze3A_20, %squeeze3A_34 : vector<16x256xf32>
    %mul3A_829 = arith.mulf %squeeze3A_20, %squeeze3A_36 : vector<16x256xf32>
    %mul3A_830 = arith.mulf %squeeze3A_20, %squeeze3A_38 : vector<16x256xf32>
    %mul3A_831 = arith.mulf %squeeze3A_20, %squeeze3A_40 : vector<16x256xf32>
    %mul3A_832 = arith.mulf %squeeze3A_20, %squeeze3A_42 : vector<16x256xf32>
    %concatenate3A_833 = tpu.concatenate %mul3A_825, %mul3A_826, %mul3A_827, %mul3A_828, %mul3A_829, %mul3A_830, %mul3A_831, %mul3A_832 in 0 : vector<16x256xf32>, vector<16x256xf32>, vector<16x256xf32>, vector<16x256xf32>, vector<16x256xf32>, vector<16x256xf32>, vector<16x256xf32>, vector<16x256xf32> -> vector<128x256xf32>
    %dot_general3A_834 = arith.constant dense<0.000000e+00> : vector<512x256xf32>
    %dot_general3A_835 = tpu.matmul %get3A_55, %concatenate3A_833, %dot_general3A_834 {dimension_numbers = #tpu.dot_dimension_numbers<[1], [0], [0], [1], [0, 0, 1, 1], [], []>, transpose_lhs_hint = false} : vector<512x128xf32>, vector<128x256xf32>, vector<512x256xf32> -> vector<512x256xf32>
    %add3A_836 = vector.broadcast %get3A_58 : vector<512x1xf32> to vector<512x256xf32>
    %add3A_837 = arith.addf %dot_general3A_835, %add3A_836 : vector<512x256xf32>
    %max3A_838 = arith.constant 0.000000e+00 : f32
    %max3A_839 = vector.broadcast %max3A_838 : f32 to vector<512x256xf32>
    %max3A_840 = arith.maximumf %add3A_837, %max3A_839 : vector<512x256xf32>
    %mul3A_841 = vector.broadcast %get3A_61 : vector<512x1xf32> to vector<512x256xf32>
    %mul3A_842 = arith.mulf %max3A_840, %mul3A_841 : vector<512x256xf32>
    %reshape3A_843 = vector.shape_cast %mul3A_842 : vector<512x256xf32> to vector<8x64x256xf32>
    %reduce_sum3A_844 = arith.constant dense<0.000000e+00> : vector<8x256xf32>
    %reduce_sum3A_845 = vector.multi_reduction <add>, %reshape3A_843, %reduce_sum3A_844 [1] : vector<8x64x256xf32> to vector<8x256xf32>
    %mul3A_846 = vector.broadcast %get3A_64 : vector<128x1xf32> to vector<128x256xf32>
    %mul3A_847 = arith.mulf %concatenate3A_833, %mul3A_846 : vector<128x256xf32>
    %reshape3A_848 = vector.shape_cast %mul3A_847 : vector<128x256xf32> to vector<8x16x256xf32>
    %reduce_sum3A_849 = arith.constant dense<0.000000e+00> : vector<8x256xf32>
    %reduce_sum3A_850 = vector.multi_reduction <add>, %reshape3A_848, %reduce_sum3A_849 [1] : vector<8x16x256xf32> to vector<8x256xf32>
    %swap3A_851 = arith.constant 192 : index
    %swap3A_852 = arith.constant 0 : index
    %swap3A_853 = vector.load %arg7[%swap3A_851, %swap3A_852] : memref<328x256xf32, #tpu.memory_space<vmem>>, vector<8x256xf32>
    tpu.vector_store %arg7[%swap3A_851, %swap3A_852], %reduce_sum3A_845 {strides = array<i32>} : memref<328x256xf32, #tpu.memory_space<vmem>>, vector<8x256xf32>,
    %swap3A_854 = arith.constant 192 : index
    %swap3A_855 = arith.constant 0 : index
    %swap3A_856 = vector.load %arg8[%swap3A_854, %swap3A_855] : memref<328x256xf32, #tpu.memory_space<vmem>>, vector<8x256xf32>
    tpu.vector_store %arg8[%swap3A_854, %swap3A_855], %reduce_sum3A_850 {strides = array<i32>} : memref<328x256xf32, #tpu.memory_space<vmem>>, vector<8x256xf32>,
    %mul3A_857 = arith.mulf %squeeze3A_20, %squeeze3A_44 : vector<16x256xf32>
    %mul3A_858 = arith.mulf %squeeze3A_20, %squeeze3A_46 : vector<16x256xf32>
    %mul3A_859 = arith.mulf %squeeze3A_20, %squeeze3A_48 : vector<16x256xf32>
    %mul3A_860 = arith.mulf %squeeze3A_20, %squeeze3A_50 : vector<16x256xf32>
    %mul3A_861 = arith.mulf %squeeze3A_20, %squeeze3A_52 : vector<16x256xf32>
    %mul3A_862 = arith.mulf %squeeze3A_22, %squeeze3A_24 : vector<16x256xf32>
    %mul3A_863 = arith.mulf %squeeze3A_22, %squeeze3A_26 : vector<16x256xf32>
    %mul3A_864 = arith.mulf %squeeze3A_22, %squeeze3A_28 : vector<16x256xf32>
    %concatenate3A_865 = tpu.concatenate %mul3A_857, %mul3A_858, %mul3A_859, %mul3A_860, %mul3A_861, %mul3A_862, %mul3A_863, %mul3A_864 in 0 : vector<16x256xf32>, vector<16x256xf32>, vector<16x256xf32>, vector<16x256xf32>, vector<16x256xf32>, vector<16x256xf32>, vector<16x256xf32>, vector<16x256xf32> -> vector<128x256xf32>
    %dot_general3A_866 = arith.constant dense<0.000000e+00> : vector<512x256xf32>
    %dot_general3A_867 = tpu.matmul %get3A_55, %concatenate3A_865, %dot_general3A_866 {dimension_numbers = #tpu.dot_dimension_numbers<[1], [0], [0], [1], [0, 0, 1, 1], [], []>, transpose_lhs_hint = false} : vector<512x128xf32>, vector<128x256xf32>, vector<512x256xf32> -> vector<512x256xf32>
    %add3A_868 = vector.broadcast %get3A_58 : vector<512x1xf32> to vector<512x256xf32>
    %add3A_869 = arith.addf %dot_general3A_867, %add3A_868 : vector<512x256xf32>
    %max3A_870 = arith.constant 0.000000e+00 : f32
    %max3A_871 = vector.broadcast %max3A_870 : f32 to vector<512x256xf32>
    %max3A_872 = arith.maximumf %add3A_869, %max3A_871 : vector<512x256xf32>
    %mul3A_873 = vector.broadcast %get3A_61 : vector<512x1xf32> to vector<512x256xf32>
    %mul3A_874 = arith.mulf %max3A_872, %mul3A_873 : vector<512x256xf32>
    %reshape3A_875 = vector.shape_cast %mul3A_874 : vector<512x256xf32> to vector<8x64x256xf32>
    %reduce_sum3A_876 = arith.constant dense<0.000000e+00> : vector<8x256xf32>
    %reduce_sum3A_877 = vector.multi_reduction <add>, %reshape3A_875, %reduce_sum3A_876 [1] : vector<8x64x256xf32> to vector<8x256xf32>
    %mul3A_878 = vector.broadcast %get3A_64 : vector<128x1xf32> to vector<128x256xf32>
    %mul3A_879 = arith.mulf %concatenate3A_865, %mul3A_878 : vector<128x256xf32>
    %reshape3A_880 = vector.shape_cast %mul3A_879 : vector<128x256xf32> to vector<8x16x256xf32>
    %reduce_sum3A_881 = arith.constant dense<0.000000e+00> : vector<8x256xf32>
    %reduce_sum3A_882 = vector.multi_reduction <add>, %reshape3A_880, %reduce_sum3A_881 [1] : vector<8x16x256xf32> to vector<8x256xf32>
    %swap3A_883 = arith.constant 200 : index
    %swap3A_884 = arith.constant 0 : index
    %swap3A_885 = vector.load %arg7[%swap3A_883, %swap3A_884] : memref<328x256xf32, #tpu.memory_space<vmem>>, vector<8x256xf32>
    tpu.vector_store %arg7[%swap3A_883, %swap3A_884], %reduce_sum3A_877 {strides = array<i32>} : memref<328x256xf32, #tpu.memory_space<vmem>>, vector<8x256xf32>,
    %swap3A_886 = arith.constant 200 : index
    %swap3A_887 = arith.constant 0 : index
    %swap3A_888 = vector.load %arg8[%swap3A_886, %swap3A_887] : memref<328x256xf32, #tpu.memory_space<vmem>>, vector<8x256xf32>
    tpu.vector_store %arg8[%swap3A_886, %swap3A_887], %reduce_sum3A_882 {strides = array<i32>} : memref<328x256xf32, #tpu.memory_space<vmem>>, vector<8x256xf32>,
    %mul3A_889 = arith.mulf %squeeze3A_22, %squeeze3A_30 : vector<16x256xf32>
    %mul3A_890 = arith.mulf %squeeze3A_22, %squeeze3A_32 : vector<16x256xf32>
    %mul3A_891 = arith.mulf %squeeze3A_22, %squeeze3A_34 : vector<16x256xf32>
    %mul3A_892 = arith.mulf %squeeze3A_22, %squeeze3A_36 : vector<16x256xf32>
    %mul3A_893 = arith.mulf %squeeze3A_22, %squeeze3A_38 : vector<16x256xf32>
    %mul3A_894 = arith.mulf %squeeze3A_22, %squeeze3A_40 : vector<16x256xf32>
    %mul3A_895 = arith.mulf %squeeze3A_22, %squeeze3A_42 : vector<16x256xf32>
    %mul3A_896 = arith.mulf %squeeze3A_22, %squeeze3A_44 : vector<16x256xf32>
    %concatenate3A_897 = tpu.concatenate %mul3A_889, %mul3A_890, %mul3A_891, %mul3A_892, %mul3A_893, %mul3A_894, %mul3A_895, %mul3A_896 in 0 : vector<16x256xf32>, vector<16x256xf32>, vector<16x256xf32>, vector<16x256xf32>, vector<16x256xf32>, vector<16x256xf32>, vector<16x256xf32>, vector<16x256xf32> -> vector<128x256xf32>
    %dot_general3A_898 = arith.constant dense<0.000000e+00> : vector<512x256xf32>
    %dot_general3A_899 = tpu.matmul %get3A_55, %concatenate3A_897, %dot_general3A_898 {dimension_numbers = #tpu.dot_dimension_numbers<[1], [0], [0], [1], [0, 0, 1, 1], [], []>, transpose_lhs_hint = false} : vector<512x128xf32>, vector<128x256xf32>, vector<512x256xf32> -> vector<512x256xf32>
    %add3A_900 = vector.broadcast %get3A_58 : vector<512x1xf32> to vector<512x256xf32>
    %add3A_901 = arith.addf %dot_general3A_899, %add3A_900 : vector<512x256xf32>
    %max3A_902 = arith.constant 0.000000e+00 : f32
    %max3A_903 = vector.broadcast %max3A_902 : f32 to vector<512x256xf32>
    %max3A_904 = arith.maximumf %add3A_901, %max3A_903 : vector<512x256xf32>
    %mul3A_905 = vector.broadcast %get3A_61 : vector<512x1xf32> to vector<512x256xf32>
    %mul3A_906 = arith.mulf %max3A_904, %mul3A_905 : vector<512x256xf32>
    %reshape3A_907 = vector.shape_cast %mul3A_906 : vector<512x256xf32> to vector<8x64x256xf32>
    %reduce_sum3A_908 = arith.constant dense<0.000000e+00> : vector<8x256xf32>
    %reduce_sum3A_909 = vector.multi_reduction <add>, %reshape3A_907, %reduce_sum3A_908 [1] : vector<8x64x256xf32> to vector<8x256xf32>
    %mul3A_910 = vector.broadcast %get3A_64 : vector<128x1xf32> to vector<128x256xf32>
    %mul3A_911 = arith.mulf %concatenate3A_897, %mul3A_910 : vector<128x256xf32>
    %reshape3A_912 = vector.shape_cast %mul3A_911 : vector<128x256xf32> to vector<8x16x256xf32>
    %reduce_sum3A_913 = arith.constant dense<0.000000e+00> : vector<8x256xf32>
    %reduce_sum3A_914 = vector.multi_reduction <add>, %reshape3A_912, %reduce_sum3A_913 [1] : vector<8x16x256xf32> to vector<8x256xf32>
    %swap3A_915 = arith.constant 208 : index
    %swap3A_916 = arith.constant 0 : index
    %swap3A_917 = vector.load %arg7[%swap3A_915, %swap3A_916] : memref<328x256xf32, #tpu.memory_space<vmem>>, vector<8x256xf32>
    tpu.vector_store %arg7[%swap3A_915, %swap3A_916], %reduce_sum3A_909 {strides = array<i32>} : memref<328x256xf32, #tpu.memory_space<vmem>>, vector<8x256xf32>,
    %swap3A_918 = arith.constant 208 : index
    %swap3A_919 = arith.constant 0 : index
    %swap3A_920 = vector.load %arg8[%swap3A_918, %swap3A_919] : memref<328x256xf32, #tpu.memory_space<vmem>>, vector<8x256xf32>
    tpu.vector_store %arg8[%swap3A_918, %swap3A_919], %reduce_sum3A_914 {strides = array<i32>} : memref<328x256xf32, #tpu.memory_space<vmem>>, vector<8x256xf32>,
    %mul3A_921 = arith.mulf %squeeze3A_22, %squeeze3A_46 : vector<16x256xf32>
    %mul3A_922 = arith.mulf %squeeze3A_22, %squeeze3A_48 : vector<16x256xf32>
    %mul3A_923 = arith.mulf %squeeze3A_22, %squeeze3A_50 : vector<16x256xf32>
    %mul3A_924 = arith.mulf %squeeze3A_22, %squeeze3A_52 : vector<16x256xf32>
    %mul3A_925 = arith.mulf %squeeze3A_24, %squeeze3A_26 : vector<16x256xf32>
    %mul3A_926 = arith.mulf %squeeze3A_24, %squeeze3A_28 : vector<16x256xf32>
    %mul3A_927 = arith.mulf %squeeze3A_24, %squeeze3A_30 : vector<16x256xf32>
    %mul3A_928 = arith.mulf %squeeze3A_24, %squeeze3A_32 : vector<16x256xf32>
    %concatenate3A_929 = tpu.concatenate %mul3A_921, %mul3A_922, %mul3A_923, %mul3A_924, %mul3A_925, %mul3A_926, %mul3A_927, %mul3A_928 in 0 : vector<16x256xf32>, vector<16x256xf32>, vector<16x256xf32>, vector<16x256xf32>, vector<16x256xf32>, vector<16x256xf32>, vector<16x256xf32>, vector<16x256xf32> -> vector<128x256xf32>
    %dot_general3A_930 = arith.constant dense<0.000000e+00> : vector<512x256xf32>
    %dot_general3A_931 = tpu.matmul %get3A_55, %concatenate3A_929, %dot_general3A_930 {dimension_numbers = #tpu.dot_dimension_numbers<[1], [0], [0], [1], [0, 0, 1, 1], [], []>, transpose_lhs_hint = false} : vector<512x128xf32>, vector<128x256xf32>, vector<512x256xf32> -> vector<512x256xf32>
    %add3A_932 = vector.broadcast %get3A_58 : vector<512x1xf32> to vector<512x256xf32>
    %add3A_933 = arith.addf %dot_general3A_931, %add3A_932 : vector<512x256xf32>
    %max3A_934 = arith.constant 0.000000e+00 : f32
    %max3A_935 = vector.broadcast %max3A_934 : f32 to vector<512x256xf32>
    %max3A_936 = arith.maximumf %add3A_933, %max3A_935 : vector<512x256xf32>
    %mul3A_937 = vector.broadcast %get3A_61 : vector<512x1xf32> to vector<512x256xf32>
    %mul3A_938 = arith.mulf %max3A_936, %mul3A_937 : vector<512x256xf32>
    %reshape3A_939 = vector.shape_cast %mul3A_938 : vector<512x256xf32> to vector<8x64x256xf32>
    %reduce_sum3A_940 = arith.constant dense<0.000000e+00> : vector<8x256xf32>
    %reduce_sum3A_941 = vector.multi_reduction <add>, %reshape3A_939, %reduce_sum3A_940 [1] : vector<8x64x256xf32> to vector<8x256xf32>
    %mul3A_942 = vector.broadcast %get3A_64 : vector<128x1xf32> to vector<128x256xf32>
    %mul3A_943 = arith.mulf %concatenate3A_929, %mul3A_942 : vector<128x256xf32>
    %reshape3A_944 = vector.shape_cast %mul3A_943 : vector<128x256xf32> to vector<8x16x256xf32>
    %reduce_sum3A_945 = arith.constant dense<0.000000e+00> : vector<8x256xf32>
    %reduce_sum3A_946 = vector.multi_reduction <add>, %reshape3A_944, %reduce_sum3A_945 [1] : vector<8x16x256xf32> to vector<8x256xf32>
    %swap3A_947 = arith.constant 216 : index
    %swap3A_948 = arith.constant 0 : index
    %swap3A_949 = vector.load %arg7[%swap3A_947, %swap3A_948] : memref<328x256xf32, #tpu.memory_space<vmem>>, vector<8x256xf32>
    tpu.vector_store %arg7[%swap3A_947, %swap3A_948], %reduce_sum3A_941 {strides = array<i32>} : memref<328x256xf32, #tpu.memory_space<vmem>>, vector<8x256xf32>,
    %swap3A_950 = arith.constant 216 : index
    %swap3A_951 = arith.constant 0 : index
    %swap3A_952 = vector.load %arg8[%swap3A_950, %swap3A_951] : memref<328x256xf32, #tpu.memory_space<vmem>>, vector<8x256xf32>
    tpu.vector_store %arg8[%swap3A_950, %swap3A_951], %reduce_sum3A_946 {strides = array<i32>} : memref<328x256xf32, #tpu.memory_space<vmem>>, vector<8x256xf32>,
    %mul3A_953 = arith.mulf %squeeze3A_24, %squeeze3A_34 : vector<16x256xf32>
    %mul3A_954 = arith.mulf %squeeze3A_24, %squeeze3A_36 : vector<16x256xf32>
    %mul3A_955 = arith.mulf %squeeze3A_24, %squeeze3A_38 : vector<16x256xf32>
    %mul3A_956 = arith.mulf %squeeze3A_24, %squeeze3A_40 : vector<16x256xf32>
    %mul3A_957 = arith.mulf %squeeze3A_24, %squeeze3A_42 : vector<16x256xf32>
    %mul3A_958 = arith.mulf %squeeze3A_24, %squeeze3A_44 : vector<16x256xf32>
    %mul3A_959 = arith.mulf %squeeze3A_24, %squeeze3A_46 : vector<16x256xf32>
    %mul3A_960 = arith.mulf %squeeze3A_24, %squeeze3A_48 : vector<16x256xf32>
    %concatenate3A_961 = tpu.concatenate %mul3A_953, %mul3A_954, %mul3A_955, %mul3A_956, %mul3A_957, %mul3A_958, %mul3A_959, %mul3A_960 in 0 : vector<16x256xf32>, vector<16x256xf32>, vector<16x256xf32>, vector<16x256xf32>, vector<16x256xf32>, vector<16x256xf32>, vector<16x256xf32>, vector<16x256xf32> -> vector<128x256xf32>
    %dot_general3A_962 = arith.constant dense<0.000000e+00> : vector<512x256xf32>
    %dot_general3A_963 = tpu.matmul %get3A_55, %concatenate3A_961, %dot_general3A_962 {dimension_numbers = #tpu.dot_dimension_numbers<[1], [0], [0], [1], [0, 0, 1, 1], [], []>, transpose_lhs_hint = false} : vector<512x128xf32>, vector<128x256xf32>, vector<512x256xf32> -> vector<512x256xf32>
    %add3A_964 = vector.broadcast %get3A_58 : vector<512x1xf32> to vector<512x256xf32>
    %add3A_965 = arith.addf %dot_general3A_963, %add3A_964 : vector<512x256xf32>
    %max3A_966 = arith.constant 0.000000e+00 : f32
    %max3A_967 = vector.broadcast %max3A_966 : f32 to vector<512x256xf32>
    %max3A_968 = arith.maximumf %add3A_965, %max3A_967 : vector<512x256xf32>
    %mul3A_969 = vector.broadcast %get3A_61 : vector<512x1xf32> to vector<512x256xf32>
    %mul3A_970 = arith.mulf %max3A_968, %mul3A_969 : vector<512x256xf32>
    %reshape3A_971 = vector.shape_cast %mul3A_970 : vector<512x256xf32> to vector<8x64x256xf32>
    %reduce_sum3A_972 = arith.constant dense<0.000000e+00> : vector<8x256xf32>
    %reduce_sum3A_973 = vector.multi_reduction <add>, %reshape3A_971, %reduce_sum3A_972 [1] : vector<8x64x256xf32> to vector<8x256xf32>
    %mul3A_974 = vector.broadcast %get3A_64 : vector<128x1xf32> to vector<128x256xf32>
    %mul3A_975 = arith.mulf %concatenate3A_961, %mul3A_974 : vector<128x256xf32>
    %reshape3A_976 = vector.shape_cast %mul3A_975 : vector<128x256xf32> to vector<8x16x256xf32>
    %reduce_sum3A_977 = arith.constant dense<0.000000e+00> : vector<8x256xf32>
    %reduce_sum3A_978 = vector.multi_reduction <add>, %reshape3A_976, %reduce_sum3A_977 [1] : vector<8x16x256xf32> to vector<8x256xf32>
    %swap3A_979 = arith.constant 224 : index
    %swap3A_980 = arith.constant 0 : index
    %swap3A_981 = vector.load %arg7[%swap3A_979, %swap3A_980] : memref<328x256xf32, #tpu.memory_space<vmem>>, vector<8x256xf32>
    tpu.vector_store %arg7[%swap3A_979, %swap3A_980], %reduce_sum3A_973 {strides = array<i32>} : memref<328x256xf32, #tpu.memory_space<vmem>>, vector<8x256xf32>,
    %swap3A_982 = arith.constant 224 : index
    %swap3A_983 = arith.constant 0 : index
    %swap3A_984 = vector.load %arg8[%swap3A_982, %swap3A_983] : memref<328x256xf32, #tpu.memory_space<vmem>>, vector<8x256xf32>
    tpu.vector_store %arg8[%swap3A_982, %swap3A_983], %reduce_sum3A_978 {strides = array<i32>} : memref<328x256xf32, #tpu.memory_space<vmem>>, vector<8x256xf32>,
    %mul3A_985 = arith.mulf %squeeze3A_24, %squeeze3A_50 : vector<16x256xf32>
    %mul3A_986 = arith.mulf %squeeze3A_24, %squeeze3A_52 : vector<16x256xf32>
    %mul3A_987 = arith.mulf %squeeze3A_26, %squeeze3A_28 : vector<16x256xf32>
    %mul3A_988 = arith.mulf %squeeze3A_26, %squeeze3A_30 : vector<16x256xf32>
    %mul3A_989 = arith.mulf %squeeze3A_26, %squeeze3A_32 : vector<16x256xf32>
    %mul3A_990 = arith.mulf %squeeze3A_26, %squeeze3A_34 : vector<16x256xf32>
    %mul3A_991 = arith.mulf %squeeze3A_26, %squeeze3A_36 : vector<16x256xf32>
    %mul3A_992 = arith.mulf %squeeze3A_26, %squeeze3A_38 : vector<16x256xf32>
    %concatenate3A_993 = tpu.concatenate %mul3A_985, %mul3A_986, %mul3A_987, %mul3A_988, %mul3A_989, %mul3A_990, %mul3A_991, %mul3A_992 in 0 : vector<16x256xf32>, vector<16x256xf32>, vector<16x256xf32>, vector<16x256xf32>, vector<16x256xf32>, vector<16x256xf32>, vector<16x256xf32>, vector<16x256xf32> -> vector<128x256xf32>
    %dot_general3A_994 = arith.constant dense<0.000000e+00> : vector<512x256xf32>
    %dot_general3A_995 = tpu.matmul %get3A_55, %concatenate3A_993, %dot_general3A_994 {dimension_numbers = #tpu.dot_dimension_numbers<[1], [0], [0], [1], [0, 0, 1, 1], [], []>, transpose_lhs_hint = false} : vector<512x128xf32>, vector<128x256xf32>, vector<512x256xf32> -> vector<512x256xf32>
    %add3A_996 = vector.broadcast %get3A_58 : vector<512x1xf32> to vector<512x256xf32>
    %add3A_997 = arith.addf %dot_general3A_995, %add3A_996 : vector<512x256xf32>
    %max3A_998 = arith.constant 0.000000e+00 : f32
    %max3A_999 = vector.broadcast %max3A_998 : f32 to vector<512x256xf32>
    %max3A_1000 = arith.maximumf %add3A_997, %max3A_999 : vector<512x256xf32>
    %mul3A_1001 = vector.broadcast %get3A_61 : vector<512x1xf32> to vector<512x256xf32>
    %mul3A_1002 = arith.mulf %max3A_1000, %mul3A_1001 : vector<512x256xf32>
    %reshape3A_1003 = vector.shape_cast %mul3A_1002 : vector<512x256xf32> to vector<8x64x256xf32>
    %reduce_sum3A_1004 = arith.constant dense<0.000000e+00> : vector<8x256xf32>
    %reduce_sum3A_1005 = vector.multi_reduction <add>, %reshape3A_1003, %reduce_sum3A_1004 [1] : vector<8x64x256xf32> to vector<8x256xf32>
    %mul3A_1006 = vector.broadcast %get3A_64 : vector<128x1xf32> to vector<128x256xf32>
    %mul3A_1007 = arith.mulf %concatenate3A_993, %mul3A_1006 : vector<128x256xf32>
    %reshape3A_1008 = vector.shape_cast %mul3A_1007 : vector<128x256xf32> to vector<8x16x256xf32>
    %reduce_sum3A_1009 = arith.constant dense<0.000000e+00> : vector<8x256xf32>
    %reduce_sum3A_1010 = vector.multi_reduction <add>, %reshape3A_1008, %reduce_sum3A_1009 [1] : vector<8x16x256xf32> to vector<8x256xf32>
    %swap3A_1011 = arith.constant 232 : index
    %swap3A_1012 = arith.constant 0 : index
    %swap3A_1013 = vector.load %arg7[%swap3A_1011, %swap3A_1012] : memref<328x256xf32, #tpu.memory_space<vmem>>, vector<8x256xf32>
    tpu.vector_store %arg7[%swap3A_1011, %swap3A_1012], %reduce_sum3A_1005 {strides = array<i32>} : memref<328x256xf32, #tpu.memory_space<vmem>>, vector<8x256xf32>,
    %swap3A_1014 = arith.constant 232 : index
    %swap3A_1015 = arith.constant 0 : index
    %swap3A_1016 = vector.load %arg8[%swap3A_1014, %swap3A_1015] : memref<328x256xf32, #tpu.memory_space<vmem>>, vector<8x256xf32>
    tpu.vector_store %arg8[%swap3A_1014, %swap3A_1015], %reduce_sum3A_1010 {strides = array<i32>} : memref<328x256xf32, #tpu.memory_space<vmem>>, vector<8x256xf32>,
    %mul3A_1017 = arith.mulf %squeeze3A_26, %squeeze3A_40 : vector<16x256xf32>
    %mul3A_1018 = arith.mulf %squeeze3A_26, %squeeze3A_42 : vector<16x256xf32>
    %mul3A_1019 = arith.mulf %squeeze3A_26, %squeeze3A_44 : vector<16x256xf32>
    %mul3A_1020 = arith.mulf %squeeze3A_26, %squeeze3A_46 : vector<16x256xf32>
    %mul3A_1021 = arith.mulf %squeeze3A_26, %squeeze3A_48 : vector<16x256xf32>
    %mul3A_1022 = arith.mulf %squeeze3A_26, %squeeze3A_50 : vector<16x256xf32>
    %mul3A_1023 = arith.mulf %squeeze3A_26, %squeeze3A_52 : vector<16x256xf32>
    %mul3A_1024 = arith.mulf %squeeze3A_28, %squeeze3A_30 : vector<16x256xf32>
    %concatenate3A_1025 = tpu.concatenate %mul3A_1017, %mul3A_1018, %mul3A_1019, %mul3A_1020, %mul3A_1021, %mul3A_1022, %mul3A_1023, %mul3A_1024 in 0 : vector<16x256xf32>, vector<16x256xf32>, vector<16x256xf32>, vector<16x256xf32>, vector<16x256xf32>, vector<16x256xf32>, vector<16x256xf32>, vector<16x256xf32> -> vector<128x256xf32>
    %dot_general3A_1026 = arith.constant dense<0.000000e+00> : vector<512x256xf32>
    %dot_general3A_1027 = tpu.matmul %get3A_55, %concatenate3A_1025, %dot_general3A_1026 {dimension_numbers = #tpu.dot_dimension_numbers<[1], [0], [0], [1], [0, 0, 1, 1], [], []>, transpose_lhs_hint = false} : vector<512x128xf32>, vector<128x256xf32>, vector<512x256xf32> -> vector<512x256xf32>
    %add3A_1028 = vector.broadcast %get3A_58 : vector<512x1xf32> to vector<512x256xf32>
    %add3A_1029 = arith.addf %dot_general3A_1027, %add3A_1028 : vector<512x256xf32>
    %max3A_1030 = arith.constant 0.000000e+00 : f32
    %max3A_1031 = vector.broadcast %max3A_1030 : f32 to vector<512x256xf32>
    %max3A_1032 = arith.maximumf %add3A_1029, %max3A_1031 : vector<512x256xf32>
    %mul3A_1033 = vector.broadcast %get3A_61 : vector<512x1xf32> to vector<512x256xf32>
    %mul3A_1034 = arith.mulf %max3A_1032, %mul3A_1033 : vector<512x256xf32>
    %reshape3A_1035 = vector.shape_cast %mul3A_1034 : vector<512x256xf32> to vector<8x64x256xf32>
    %reduce_sum3A_1036 = arith.constant dense<0.000000e+00> : vector<8x256xf32>
    %reduce_sum3A_1037 = vector.multi_reduction <add>, %reshape3A_1035, %reduce_sum3A_1036 [1] : vector<8x64x256xf32> to vector<8x256xf32>
    %mul3A_1038 = vector.broadcast %get3A_64 : vector<128x1xf32> to vector<128x256xf32>
    %mul3A_1039 = arith.mulf %concatenate3A_1025, %mul3A_1038 : vector<128x256xf32>
    %reshape3A_1040 = vector.shape_cast %mul3A_1039 : vector<128x256xf32> to vector<8x16x256xf32>
    %reduce_sum3A_1041 = arith.constant dense<0.000000e+00> : vector<8x256xf32>
    %reduce_sum3A_1042 = vector.multi_reduction <add>, %reshape3A_1040, %reduce_sum3A_1041 [1] : vector<8x16x256xf32> to vector<8x256xf32>
    %swap3A_1043 = arith.constant 240 : index
    %swap3A_1044 = arith.constant 0 : index
    %swap3A_1045 = vector.load %arg7[%swap3A_1043, %swap3A_1044] : memref<328x256xf32, #tpu.memory_space<vmem>>, vector<8x256xf32>
    tpu.vector_store %arg7[%swap3A_1043, %swap3A_1044], %reduce_sum3A_1037 {strides = array<i32>} : memref<328x256xf32, #tpu.memory_space<vmem>>, vector<8x256xf32>,
    %swap3A_1046 = arith.constant 240 : index
    %swap3A_1047 = arith.constant 0 : index
    %swap3A_1048 = vector.load %arg8[%swap3A_1046, %swap3A_1047] : memref<328x256xf32, #tpu.memory_space<vmem>>, vector<8x256xf32>
    tpu.vector_store %arg8[%swap3A_1046, %swap3A_1047], %reduce_sum3A_1042 {strides = array<i32>} : memref<328x256xf32, #tpu.memory_space<vmem>>, vector<8x256xf32>,
    %mul3A_1049 = arith.mulf %squeeze3A_28, %squeeze3A_32 : vector<16x256xf32>
    %mul3A_1050 = arith.mulf %squeeze3A_28, %squeeze3A_34 : vector<16x256xf32>
    %mul3A_1051 = arith.mulf %squeeze3A_28, %squeeze3A_36 : vector<16x256xf32>
    %mul3A_1052 = arith.mulf %squeeze3A_28, %squeeze3A_38 : vector<16x256xf32>
    %mul3A_1053 = arith.mulf %squeeze3A_28, %squeeze3A_40 : vector<16x256xf32>
    %mul3A_1054 = arith.mulf %squeeze3A_28, %squeeze3A_42 : vector<16x256xf32>
    %mul3A_1055 = arith.mulf %squeeze3A_28, %squeeze3A_44 : vector<16x256xf32>
    %mul3A_1056 = arith.mulf %squeeze3A_28, %squeeze3A_46 : vector<16x256xf32>
    %concatenate3A_1057 = tpu.concatenate %mul3A_1049, %mul3A_1050, %mul3A_1051, %mul3A_1052, %mul3A_1053, %mul3A_1054, %mul3A_1055, %mul3A_1056 in 0 : vector<16x256xf32>, vector<16x256xf32>, vector<16x256xf32>, vector<16x256xf32>, vector<16x256xf32>, vector<16x256xf32>, vector<16x256xf32>, vector<16x256xf32> -> vector<128x256xf32>
    %dot_general3A_1058 = arith.constant dense<0.000000e+00> : vector<512x256xf32>
    %dot_general3A_1059 = tpu.matmul %get3A_55, %concatenate3A_1057, %dot_general3A_1058 {dimension_numbers = #tpu.dot_dimension_numbers<[1], [0], [0], [1], [0, 0, 1, 1], [], []>, transpose_lhs_hint = false} : vector<512x128xf32>, vector<128x256xf32>, vector<512x256xf32> -> vector<512x256xf32>
    %add3A_1060 = vector.broadcast %get3A_58 : vector<512x1xf32> to vector<512x256xf32>
    %add3A_1061 = arith.addf %dot_general3A_1059, %add3A_1060 : vector<512x256xf32>
    %max3A_1062 = arith.constant 0.000000e+00 : f32
    %max3A_1063 = vector.broadcast %max3A_1062 : f32 to vector<512x256xf32>
    %max3A_1064 = arith.maximumf %add3A_1061, %max3A_1063 : vector<512x256xf32>
    %mul3A_1065 = vector.broadcast %get3A_61 : vector<512x1xf32> to vector<512x256xf32>
    %mul3A_1066 = arith.mulf %max3A_1064, %mul3A_1065 : vector<512x256xf32>
    %reshape3A_1067 = vector.shape_cast %mul3A_1066 : vector<512x256xf32> to vector<8x64x256xf32>
    %reduce_sum3A_1068 = arith.constant dense<0.000000e+00> : vector<8x256xf32>
    %reduce_sum3A_1069 = vector.multi_reduction <add>, %reshape3A_1067, %reduce_sum3A_1068 [1] : vector<8x64x256xf32> to vector<8x256xf32>
    %mul3A_1070 = vector.broadcast %get3A_64 : vector<128x1xf32> to vector<128x256xf32>
    %mul3A_1071 = arith.mulf %concatenate3A_1057, %mul3A_1070 : vector<128x256xf32>
    %reshape3A_1072 = vector.shape_cast %mul3A_1071 : vector<128x256xf32> to vector<8x16x256xf32>
    %reduce_sum3A_1073 = arith.constant dense<0.000000e+00> : vector<8x256xf32>
    %reduce_sum3A_1074 = vector.multi_reduction <add>, %reshape3A_1072, %reduce_sum3A_1073 [1] : vector<8x16x256xf32> to vector<8x256xf32>
    %swap3A_1075 = arith.constant 248 : index
    %swap3A_1076 = arith.constant 0 : index
    %swap3A_1077 = vector.load %arg7[%swap3A_1075, %swap3A_1076] : memref<328x256xf32, #tpu.memory_space<vmem>>, vector<8x256xf32>
    tpu.vector_store %arg7[%swap3A_1075, %swap3A_1076], %reduce_sum3A_1069 {strides = array<i32>} : memref<328x256xf32, #tpu.memory_space<vmem>>, vector<8x256xf32>,
    %swap3A_1078 = arith.constant 248 : index
    %swap3A_1079 = arith.constant 0 : index
    %swap3A_1080 = vector.load %arg8[%swap3A_1078, %swap3A_1079] : memref<328x256xf32, #tpu.memory_space<vmem>>, vector<8x256xf32>
    tpu.vector_store %arg8[%swap3A_1078, %swap3A_1079], %reduce_sum3A_1074 {strides = array<i32>} : memref<328x256xf32, #tpu.memory_space<vmem>>, vector<8x256xf32>,
    %mul3A_1081 = arith.mulf %squeeze3A_28, %squeeze3A_48 : vector<16x256xf32>
    %mul3A_1082 = arith.mulf %squeeze3A_28, %squeeze3A_50 : vector<16x256xf32>
    %mul3A_1083 = arith.mulf %squeeze3A_28, %squeeze3A_52 : vector<16x256xf32>
    %mul3A_1084 = arith.mulf %squeeze3A_30, %squeeze3A_32 : vector<16x256xf32>
    %mul3A_1085 = arith.mulf %squeeze3A_30, %squeeze3A_34 : vector<16x256xf32>
    %mul3A_1086 = arith.mulf %squeeze3A_30, %squeeze3A_36 : vector<16x256xf32>
    %mul3A_1087 = arith.mulf %squeeze3A_30, %squeeze3A_38 : vector<16x256xf32>
    %mul3A_1088 = arith.mulf %squeeze3A_30, %squeeze3A_40 : vector<16x256xf32>
    %concatenate3A_1089 = tpu.concatenate %mul3A_1081, %mul3A_1082, %mul3A_1083, %mul3A_1084, %mul3A_1085, %mul3A_1086, %mul3A_1087, %mul3A_1088 in 0 : vector<16x256xf32>, vector<16x256xf32>, vector<16x256xf32>, vector<16x256xf32>, vector<16x256xf32>, vector<16x256xf32>, vector<16x256xf32>, vector<16x256xf32> -> vector<128x256xf32>
    %dot_general3A_1090 = arith.constant dense<0.000000e+00> : vector<512x256xf32>
    %dot_general3A_1091 = tpu.matmul %get3A_55, %concatenate3A_1089, %dot_general3A_1090 {dimension_numbers = #tpu.dot_dimension_numbers<[1], [0], [0], [1], [0, 0, 1, 1], [], []>, transpose_lhs_hint = false} : vector<512x128xf32>, vector<128x256xf32>, vector<512x256xf32> -> vector<512x256xf32>
    %add3A_1092 = vector.broadcast %get3A_58 : vector<512x1xf32> to vector<512x256xf32>
    %add3A_1093 = arith.addf %dot_general3A_1091, %add3A_1092 : vector<512x256xf32>
    %max3A_1094 = arith.constant 0.000000e+00 : f32
    %max3A_1095 = vector.broadcast %max3A_1094 : f32 to vector<512x256xf32>
    %max3A_1096 = arith.maximumf %add3A_1093, %max3A_1095 : vector<512x256xf32>
    %mul3A_1097 = vector.broadcast %get3A_61 : vector<512x1xf32> to vector<512x256xf32>
    %mul3A_1098 = arith.mulf %max3A_1096, %mul3A_1097 : vector<512x256xf32>
    %reshape3A_1099 = vector.shape_cast %mul3A_1098 : vector<512x256xf32> to vector<8x64x256xf32>
    %reduce_sum3A_1100 = arith.constant dense<0.000000e+00> : vector<8x256xf32>
    %reduce_sum3A_1101 = vector.multi_reduction <add>, %reshape3A_1099, %reduce_sum3A_1100 [1] : vector<8x64x256xf32> to vector<8x256xf32>
    %mul3A_1102 = vector.broadcast %get3A_64 : vector<128x1xf32> to vector<128x256xf32>
    %mul3A_1103 = arith.mulf %concatenate3A_1089, %mul3A_1102 : vector<128x256xf32>
    %reshape3A_1104 = vector.shape_cast %mul3A_1103 : vector<128x256xf32> to vector<8x16x256xf32>
    %reduce_sum3A_1105 = arith.constant dense<0.000000e+00> : vector<8x256xf32>
    %reduce_sum3A_1106 = vector.multi_reduction <add>, %reshape3A_1104, %reduce_sum3A_1105 [1] : vector<8x16x256xf32> to vector<8x256xf32>
    %swap3A_1107 = arith.constant 256 : index
    %swap3A_1108 = arith.constant 0 : index
    %swap3A_1109 = vector.load %arg7[%swap3A_1107, %swap3A_1108] : memref<328x256xf32, #tpu.memory_space<vmem>>, vector<8x256xf32>
    tpu.vector_store %arg7[%swap3A_1107, %swap3A_1108], %reduce_sum3A_1101 {strides = array<i32>} : memref<328x256xf32, #tpu.memory_space<vmem>>, vector<8x256xf32>,
    %swap3A_1110 = arith.constant 256 : index
    %swap3A_1111 = arith.constant 0 : index
    %swap3A_1112 = vector.load %arg8[%swap3A_1110, %swap3A_1111] : memref<328x256xf32, #tpu.memory_space<vmem>>, vector<8x256xf32>
    tpu.vector_store %arg8[%swap3A_1110, %swap3A_1111], %reduce_sum3A_1106 {strides = array<i32>} : memref<328x256xf32, #tpu.memory_space<vmem>>, vector<8x256xf32>,
    %mul3A_1113 = arith.mulf %squeeze3A_30, %squeeze3A_42 : vector<16x256xf32>
    %mul3A_1114 = arith.mulf %squeeze3A_30, %squeeze3A_44 : vector<16x256xf32>
    %mul3A_1115 = arith.mulf %squeeze3A_30, %squeeze3A_46 : vector<16x256xf32>
    %mul3A_1116 = arith.mulf %squeeze3A_30, %squeeze3A_48 : vector<16x256xf32>
    %mul3A_1117 = arith.mulf %squeeze3A_30, %squeeze3A_50 : vector<16x256xf32>
    %mul3A_1118 = arith.mulf %squeeze3A_30, %squeeze3A_52 : vector<16x256xf32>
    %mul3A_1119 = arith.mulf %squeeze3A_32, %squeeze3A_34 : vector<16x256xf32>
    %mul3A_1120 = arith.mulf %squeeze3A_32, %squeeze3A_36 : vector<16x256xf32>
    %concatenate3A_1121 = tpu.concatenate %mul3A_1113, %mul3A_1114, %mul3A_1115, %mul3A_1116, %mul3A_1117, %mul3A_1118, %mul3A_1119, %mul3A_1120 in 0 : vector<16x256xf32>, vector<16x256xf32>, vector<16x256xf32>, vector<16x256xf32>, vector<16x256xf32>, vector<16x256xf32>, vector<16x256xf32>, vector<16x256xf32> -> vector<128x256xf32>
    %dot_general3A_1122 = arith.constant dense<0.000000e+00> : vector<512x256xf32>
    %dot_general3A_1123 = tpu.matmul %get3A_55, %concatenate3A_1121, %dot_general3A_1122 {dimension_numbers = #tpu.dot_dimension_numbers<[1], [0], [0], [1], [0, 0, 1, 1], [], []>, transpose_lhs_hint = false} : vector<512x128xf32>, vector<128x256xf32>, vector<512x256xf32> -> vector<512x256xf32>
    %add3A_1124 = vector.broadcast %get3A_58 : vector<512x1xf32> to vector<512x256xf32>
    %add3A_1125 = arith.addf %dot_general3A_1123, %add3A_1124 : vector<512x256xf32>
    %max3A_1126 = arith.constant 0.000000e+00 : f32
    %max3A_1127 = vector.broadcast %max3A_1126 : f32 to vector<512x256xf32>
    %max3A_1128 = arith.maximumf %add3A_1125, %max3A_1127 : vector<512x256xf32>
    %mul3A_1129 = vector.broadcast %get3A_61 : vector<512x1xf32> to vector<512x256xf32>
    %mul3A_1130 = arith.mulf %max3A_1128, %mul3A_1129 : vector<512x256xf32>
    %reshape3A_1131 = vector.shape_cast %mul3A_1130 : vector<512x256xf32> to vector<8x64x256xf32>
    %reduce_sum3A_1132 = arith.constant dense<0.000000e+00> : vector<8x256xf32>
    %reduce_sum3A_1133 = vector.multi_reduction <add>, %reshape3A_1131, %reduce_sum3A_1132 [1] : vector<8x64x256xf32> to vector<8x256xf32>
    %mul3A_1134 = vector.broadcast %get3A_64 : vector<128x1xf32> to vector<128x256xf32>
    %mul3A_1135 = arith.mulf %concatenate3A_1121, %mul3A_1134 : vector<128x256xf32>
    %reshape3A_1136 = vector.shape_cast %mul3A_1135 : vector<128x256xf32> to vector<8x16x256xf32>
    %reduce_sum3A_1137 = arith.constant dense<0.000000e+00> : vector<8x256xf32>
    %reduce_sum3A_1138 = vector.multi_reduction <add>, %reshape3A_1136, %reduce_sum3A_1137 [1] : vector<8x16x256xf32> to vector<8x256xf32>
    %swap3A_1139 = arith.constant 264 : index
    %swap3A_1140 = arith.constant 0 : index
    %swap3A_1141 = vector.load %arg7[%swap3A_1139, %swap3A_1140] : memref<328x256xf32, #tpu.memory_space<vmem>>, vector<8x256xf32>
    tpu.vector_store %arg7[%swap3A_1139, %swap3A_1140], %reduce_sum3A_1133 {strides = array<i32>} : memref<328x256xf32, #tpu.memory_space<vmem>>, vector<8x256xf32>,
    %swap3A_1142 = arith.constant 264 : index
    %swap3A_1143 = arith.constant 0 : index
    %swap3A_1144 = vector.load %arg8[%swap3A_1142, %swap3A_1143] : memref<328x256xf32, #tpu.memory_space<vmem>>, vector<8x256xf32>
    tpu.vector_store %arg8[%swap3A_1142, %swap3A_1143], %reduce_sum3A_1138 {strides = array<i32>} : memref<328x256xf32, #tpu.memory_space<vmem>>, vector<8x256xf32>,
    %mul3A_1145 = arith.mulf %squeeze3A_32, %squeeze3A_38 : vector<16x256xf32>
    %mul3A_1146 = arith.mulf %squeeze3A_32, %squeeze3A_40 : vector<16x256xf32>
    %mul3A_1147 = arith.mulf %squeeze3A_32, %squeeze3A_42 : vector<16x256xf32>
    %mul3A_1148 = arith.mulf %squeeze3A_32, %squeeze3A_44 : vector<16x256xf32>
    %mul3A_1149 = arith.mulf %squeeze3A_32, %squeeze3A_46 : vector<16x256xf32>
    %mul3A_1150 = arith.mulf %squeeze3A_32, %squeeze3A_48 : vector<16x256xf32>
    %mul3A_1151 = arith.mulf %squeeze3A_32, %squeeze3A_50 : vector<16x256xf32>
    %mul3A_1152 = arith.mulf %squeeze3A_32, %squeeze3A_52 : vector<16x256xf32>
    %concatenate3A_1153 = tpu.concatenate %mul3A_1145, %mul3A_1146, %mul3A_1147, %mul3A_1148, %mul3A_1149, %mul3A_1150, %mul3A_1151, %mul3A_1152 in 0 : vector<16x256xf32>, vector<16x256xf32>, vector<16x256xf32>, vector<16x256xf32>, vector<16x256xf32>, vector<16x256xf32>, vector<16x256xf32>, vector<16x256xf32> -> vector<128x256xf32>
    %dot_general3A_1154 = arith.constant dense<0.000000e+00> : vector<512x256xf32>
    %dot_general3A_1155 = tpu.matmul %get3A_55, %concatenate3A_1153, %dot_general3A_1154 {dimension_numbers = #tpu.dot_dimension_numbers<[1], [0], [0], [1], [0, 0, 1, 1], [], []>, transpose_lhs_hint = false} : vector<512x128xf32>, vector<128x256xf32>, vector<512x256xf32> -> vector<512x256xf32>
    %add3A_1156 = vector.broadcast %get3A_58 : vector<512x1xf32> to vector<512x256xf32>
    %add3A_1157 = arith.addf %dot_general3A_1155, %add3A_1156 : vector<512x256xf32>
    %max3A_1158 = arith.constant 0.000000e+00 : f32
    %max3A_1159 = vector.broadcast %max3A_1158 : f32 to vector<512x256xf32>
    %max3A_1160 = arith.maximumf %add3A_1157, %max3A_1159 : vector<512x256xf32>
    %mul3A_1161 = vector.broadcast %get3A_61 : vector<512x1xf32> to vector<512x256xf32>
    %mul3A_1162 = arith.mulf %max3A_1160, %mul3A_1161 : vector<512x256xf32>
    %reshape3A_1163 = vector.shape_cast %mul3A_1162 : vector<512x256xf32> to vector<8x64x256xf32>
    %reduce_sum3A_1164 = arith.constant dense<0.000000e+00> : vector<8x256xf32>
    %reduce_sum3A_1165 = vector.multi_reduction <add>, %reshape3A_1163, %reduce_sum3A_1164 [1] : vector<8x64x256xf32> to vector<8x256xf32>
    %mul3A_1166 = vector.broadcast %get3A_64 : vector<128x1xf32> to vector<128x256xf32>
    %mul3A_1167 = arith.mulf %concatenate3A_1153, %mul3A_1166 : vector<128x256xf32>
    %reshape3A_1168 = vector.shape_cast %mul3A_1167 : vector<128x256xf32> to vector<8x16x256xf32>
    %reduce_sum3A_1169 = arith.constant dense<0.000000e+00> : vector<8x256xf32>
    %reduce_sum3A_1170 = vector.multi_reduction <add>, %reshape3A_1168, %reduce_sum3A_1169 [1] : vector<8x16x256xf32> to vector<8x256xf32>
    %swap3A_1171 = arith.constant 272 : index
    %swap3A_1172 = arith.constant 0 : index
    %swap3A_1173 = vector.load %arg7[%swap3A_1171, %swap3A_1172] : memref<328x256xf32, #tpu.memory_space<vmem>>, vector<8x256xf32>
    tpu.vector_store %arg7[%swap3A_1171, %swap3A_1172], %reduce_sum3A_1165 {strides = array<i32>} : memref<328x256xf32, #tpu.memory_space<vmem>>, vector<8x256xf32>,
    %swap3A_1174 = arith.constant 272 : index
    %swap3A_1175 = arith.constant 0 : index
    %swap3A_1176 = vector.load %arg8[%swap3A_1174, %swap3A_1175] : memref<328x256xf32, #tpu.memory_space<vmem>>, vector<8x256xf32>
    tpu.vector_store %arg8[%swap3A_1174, %swap3A_1175], %reduce_sum3A_1170 {strides = array<i32>} : memref<328x256xf32, #tpu.memory_space<vmem>>, vector<8x256xf32>,
    %mul3A_1177 = arith.mulf %squeeze3A_34, %squeeze3A_36 : vector<16x256xf32>
    %mul3A_1178 = arith.mulf %squeeze3A_34, %squeeze3A_38 : vector<16x256xf32>
    %mul3A_1179 = arith.mulf %squeeze3A_34, %squeeze3A_40 : vector<16x256xf32>
    %mul3A_1180 = arith.mulf %squeeze3A_34, %squeeze3A_42 : vector<16x256xf32>
    %mul3A_1181 = arith.mulf %squeeze3A_34, %squeeze3A_44 : vector<16x256xf32>
    %mul3A_1182 = arith.mulf %squeeze3A_34, %squeeze3A_46 : vector<16x256xf32>
    %mul3A_1183 = arith.mulf %squeeze3A_34, %squeeze3A_48 : vector<16x256xf32>
    %mul3A_1184 = arith.mulf %squeeze3A_34, %squeeze3A_50 : vector<16x256xf32>
    %concatenate3A_1185 = tpu.concatenate %mul3A_1177, %mul3A_1178, %mul3A_1179, %mul3A_1180, %mul3A_1181, %mul3A_1182, %mul3A_1183, %mul3A_1184 in 0 : vector<16x256xf32>, vector<16x256xf32>, vector<16x256xf32>, vector<16x256xf32>, vector<16x256xf32>, vector<16x256xf32>, vector<16x256xf32>, vector<16x256xf32> -> vector<128x256xf32>
    %dot_general3A_1186 = arith.constant dense<0.000000e+00> : vector<512x256xf32>
    %dot_general3A_1187 = tpu.matmul %get3A_55, %concatenate3A_1185, %dot_general3A_1186 {dimension_numbers = #tpu.dot_dimension_numbers<[1], [0], [0], [1], [0, 0, 1, 1], [], []>, transpose_lhs_hint = false} : vector<512x128xf32>, vector<128x256xf32>, vector<512x256xf32> -> vector<512x256xf32>
    %add3A_1188 = vector.broadcast %get3A_58 : vector<512x1xf32> to vector<512x256xf32>
    %add3A_1189 = arith.addf %dot_general3A_1187, %add3A_1188 : vector<512x256xf32>
    %max3A_1190 = arith.constant 0.000000e+00 : f32
    %max3A_1191 = vector.broadcast %max3A_1190 : f32 to vector<512x256xf32>
    %max3A_1192 = arith.maximumf %add3A_1189, %max3A_1191 : vector<512x256xf32>
    %mul3A_1193 = vector.broadcast %get3A_61 : vector<512x1xf32> to vector<512x256xf32>
    %mul3A_1194 = arith.mulf %max3A_1192, %mul3A_1193 : vector<512x256xf32>
    %reshape3A_1195 = vector.shape_cast %mul3A_1194 : vector<512x256xf32> to vector<8x64x256xf32>
    %reduce_sum3A_1196 = arith.constant dense<0.000000e+00> : vector<8x256xf32>
    %reduce_sum3A_1197 = vector.multi_reduction <add>, %reshape3A_1195, %reduce_sum3A_1196 [1] : vector<8x64x256xf32> to vector<8x256xf32>
    %mul3A_1198 = vector.broadcast %get3A_64 : vector<128x1xf32> to vector<128x256xf32>
    %mul3A_1199 = arith.mulf %concatenate3A_1185, %mul3A_1198 : vector<128x256xf32>
    %reshape3A_1200 = vector.shape_cast %mul3A_1199 : vector<128x256xf32> to vector<8x16x256xf32>
    %reduce_sum3A_1201 = arith.constant dense<0.000000e+00> : vector<8x256xf32>
    %reduce_sum3A_1202 = vector.multi_reduction <add>, %reshape3A_1200, %reduce_sum3A_1201 [1] : vector<8x16x256xf32> to vector<8x256xf32>
    %swap3A_1203 = arith.constant 280 : index
    %swap3A_1204 = arith.constant 0 : index
    %swap3A_1205 = vector.load %arg7[%swap3A_1203, %swap3A_1204] : memref<328x256xf32, #tpu.memory_space<vmem>>, vector<8x256xf32>
    tpu.vector_store %arg7[%swap3A_1203, %swap3A_1204], %reduce_sum3A_1197 {strides = array<i32>} : memref<328x256xf32, #tpu.memory_space<vmem>>, vector<8x256xf32>,
    %swap3A_1206 = arith.constant 280 : index
    %swap3A_1207 = arith.constant 0 : index
    %swap3A_1208 = vector.load %arg8[%swap3A_1206, %swap3A_1207] : memref<328x256xf32, #tpu.memory_space<vmem>>, vector<8x256xf32>
    tpu.vector_store %arg8[%swap3A_1206, %swap3A_1207], %reduce_sum3A_1202 {strides = array<i32>} : memref<328x256xf32, #tpu.memory_space<vmem>>, vector<8x256xf32>,
    %mul3A_1209 = arith.mulf %squeeze3A_34, %squeeze3A_52 : vector<16x256xf32>
    %mul3A_1210 = arith.mulf %squeeze3A_36, %squeeze3A_38 : vector<16x256xf32>
    %mul3A_1211 = arith.mulf %squeeze3A_36, %squeeze3A_40 : vector<16x256xf32>
    %mul3A_1212 = arith.mulf %squeeze3A_36, %squeeze3A_42 : vector<16x256xf32>
    %mul3A_1213 = arith.mulf %squeeze3A_36, %squeeze3A_44 : vector<16x256xf32>
    %mul3A_1214 = arith.mulf %squeeze3A_36, %squeeze3A_46 : vector<16x256xf32>
    %mul3A_1215 = arith.mulf %squeeze3A_36, %squeeze3A_48 : vector<16x256xf32>
    %mul3A_1216 = arith.mulf %squeeze3A_36, %squeeze3A_50 : vector<16x256xf32>
    %concatenate3A_1217 = tpu.concatenate %mul3A_1209, %mul3A_1210, %mul3A_1211, %mul3A_1212, %mul3A_1213, %mul3A_1214, %mul3A_1215, %mul3A_1216 in 0 : vector<16x256xf32>, vector<16x256xf32>, vector<16x256xf32>, vector<16x256xf32>, vector<16x256xf32>, vector<16x256xf32>, vector<16x256xf32>, vector<16x256xf32> -> vector<128x256xf32>
    %dot_general3A_1218 = arith.constant dense<0.000000e+00> : vector<512x256xf32>
    %dot_general3A_1219 = tpu.matmul %get3A_55, %concatenate3A_1217, %dot_general3A_1218 {dimension_numbers = #tpu.dot_dimension_numbers<[1], [0], [0], [1], [0, 0, 1, 1], [], []>, transpose_lhs_hint = false} : vector<512x128xf32>, vector<128x256xf32>, vector<512x256xf32> -> vector<512x256xf32>
    %add3A_1220 = vector.broadcast %get3A_58 : vector<512x1xf32> to vector<512x256xf32>
    %add3A_1221 = arith.addf %dot_general3A_1219, %add3A_1220 : vector<512x256xf32>
    %max3A_1222 = arith.constant 0.000000e+00 : f32
    %max3A_1223 = vector.broadcast %max3A_1222 : f32 to vector<512x256xf32>
    %max3A_1224 = arith.maximumf %add3A_1221, %max3A_1223 : vector<512x256xf32>
    %mul3A_1225 = vector.broadcast %get3A_61 : vector<512x1xf32> to vector<512x256xf32>
    %mul3A_1226 = arith.mulf %max3A_1224, %mul3A_1225 : vector<512x256xf32>
    %reshape3A_1227 = vector.shape_cast %mul3A_1226 : vector<512x256xf32> to vector<8x64x256xf32>
    %reduce_sum3A_1228 = arith.constant dense<0.000000e+00> : vector<8x256xf32>
    %reduce_sum3A_1229 = vector.multi_reduction <add>, %reshape3A_1227, %reduce_sum3A_1228 [1] : vector<8x64x256xf32> to vector<8x256xf32>
    %mul3A_1230 = vector.broadcast %get3A_64 : vector<128x1xf32> to vector<128x256xf32>
    %mul3A_1231 = arith.mulf %concatenate3A_1217, %mul3A_1230 : vector<128x256xf32>
    %reshape3A_1232 = vector.shape_cast %mul3A_1231 : vector<128x256xf32> to vector<8x16x256xf32>
    %reduce_sum3A_1233 = arith.constant dense<0.000000e+00> : vector<8x256xf32>
    %reduce_sum3A_1234 = vector.multi_reduction <add>, %reshape3A_1232, %reduce_sum3A_1233 [1] : vector<8x16x256xf32> to vector<8x256xf32>
    %swap3A_1235 = arith.constant 288 : index
    %swap3A_1236 = arith.constant 0 : index
    %swap3A_1237 = vector.load %arg7[%swap3A_1235, %swap3A_1236] : memref<328x256xf32, #tpu.memory_space<vmem>>, vector<8x256xf32>
    tpu.vector_store %arg7[%swap3A_1235, %swap3A_1236], %reduce_sum3A_1229 {strides = array<i32>} : memref<328x256xf32, #tpu.memory_space<vmem>>, vector<8x256xf32>,
    %swap3A_1238 = arith.constant 288 : index
    %swap3A_1239 = arith.constant 0 : index
    %swap3A_1240 = vector.load %arg8[%swap3A_1238, %swap3A_1239] : memref<328x256xf32, #tpu.memory_space<vmem>>, vector<8x256xf32>
    tpu.vector_store %arg8[%swap3A_1238, %swap3A_1239], %reduce_sum3A_1234 {strides = array<i32>} : memref<328x256xf32, #tpu.memory_space<vmem>>, vector<8x256xf32>,
    %mul3A_1241 = arith.mulf %squeeze3A_36, %squeeze3A_52 : vector<16x256xf32>
    %mul3A_1242 = arith.mulf %squeeze3A_38, %squeeze3A_40 : vector<16x256xf32>
    %mul3A_1243 = arith.mulf %squeeze3A_38, %squeeze3A_42 : vector<16x256xf32>
    %mul3A_1244 = arith.mulf %squeeze3A_38, %squeeze3A_44 : vector<16x256xf32>
    %mul3A_1245 = arith.mulf %squeeze3A_38, %squeeze3A_46 : vector<16x256xf32>
    %mul3A_1246 = arith.mulf %squeeze3A_38, %squeeze3A_48 : vector<16x256xf32>
    %mul3A_1247 = arith.mulf %squeeze3A_38, %squeeze3A_50 : vector<16x256xf32>
    %mul3A_1248 = arith.mulf %squeeze3A_38, %squeeze3A_52 : vector<16x256xf32>
    %concatenate3A_1249 = tpu.concatenate %mul3A_1241, %mul3A_1242, %mul3A_1243, %mul3A_1244, %mul3A_1245, %mul3A_1246, %mul3A_1247, %mul3A_1248 in 0 : vector<16x256xf32>, vector<16x256xf32>, vector<16x256xf32>, vector<16x256xf32>, vector<16x256xf32>, vector<16x256xf32>, vector<16x256xf32>, vector<16x256xf32> -> vector<128x256xf32>
    %dot_general3A_1250 = arith.constant dense<0.000000e+00> : vector<512x256xf32>
    %dot_general3A_1251 = tpu.matmul %get3A_55, %concatenate3A_1249, %dot_general3A_1250 {dimension_numbers = #tpu.dot_dimension_numbers<[1], [0], [0], [1], [0, 0, 1, 1], [], []>, transpose_lhs_hint = false} : vector<512x128xf32>, vector<128x256xf32>, vector<512x256xf32> -> vector<512x256xf32>
    %add3A_1252 = vector.broadcast %get3A_58 : vector<512x1xf32> to vector<512x256xf32>
    %add3A_1253 = arith.addf %dot_general3A_1251, %add3A_1252 : vector<512x256xf32>
    %max3A_1254 = arith.constant 0.000000e+00 : f32
    %max3A_1255 = vector.broadcast %max3A_1254 : f32 to vector<512x256xf32>
    %max3A_1256 = arith.maximumf %add3A_1253, %max3A_1255 : vector<512x256xf32>
    %mul3A_1257 = vector.broadcast %get3A_61 : vector<512x1xf32> to vector<512x256xf32>
    %mul3A_1258 = arith.mulf %max3A_1256, %mul3A_1257 : vector<512x256xf32>
    %reshape3A_1259 = vector.shape_cast %mul3A_1258 : vector<512x256xf32> to vector<8x64x256xf32>
    %reduce_sum3A_1260 = arith.constant dense<0.000000e+00> : vector<8x256xf32>
    %reduce_sum3A_1261 = vector.multi_reduction <add>, %reshape3A_1259, %reduce_sum3A_1260 [1] : vector<8x64x256xf32> to vector<8x256xf32>
    %mul3A_1262 = vector.broadcast %get3A_64 : vector<128x1xf32> to vector<128x256xf32>
    %mul3A_1263 = arith.mulf %concatenate3A_1249, %mul3A_1262 : vector<128x256xf32>
    %reshape3A_1264 = vector.shape_cast %mul3A_1263 : vector<128x256xf32> to vector<8x16x256xf32>
    %reduce_sum3A_1265 = arith.constant dense<0.000000e+00> : vector<8x256xf32>
    %reduce_sum3A_1266 = vector.multi_reduction <add>, %reshape3A_1264, %reduce_sum3A_1265 [1] : vector<8x16x256xf32> to vector<8x256xf32>
    %swap3A_1267 = arith.constant 296 : index
    %swap3A_1268 = arith.constant 0 : index
    %swap3A_1269 = vector.load %arg7[%swap3A_1267, %swap3A_1268] : memref<328x256xf32, #tpu.memory_space<vmem>>, vector<8x256xf32>
    tpu.vector_store %arg7[%swap3A_1267, %swap3A_1268], %reduce_sum3A_1261 {strides = array<i32>} : memref<328x256xf32, #tpu.memory_space<vmem>>, vector<8x256xf32>,
    %swap3A_1270 = arith.constant 296 : index
    %swap3A_1271 = arith.constant 0 : index
    %swap3A_1272 = vector.load %arg8[%swap3A_1270, %swap3A_1271] : memref<328x256xf32, #tpu.memory_space<vmem>>, vector<8x256xf32>
    tpu.vector_store %arg8[%swap3A_1270, %swap3A_1271], %reduce_sum3A_1266 {strides = array<i32>} : memref<328x256xf32, #tpu.memory_space<vmem>>, vector<8x256xf32>,
    %mul3A_1273 = arith.mulf %squeeze3A_40, %squeeze3A_42 : vector<16x256xf32>
    %mul3A_1274 = arith.mulf %squeeze3A_40, %squeeze3A_44 : vector<16x256xf32>
    %mul3A_1275 = arith.mulf %squeeze3A_40, %squeeze3A_46 : vector<16x256xf32>
    %mul3A_1276 = arith.mulf %squeeze3A_40, %squeeze3A_48 : vector<16x256xf32>
    %mul3A_1277 = arith.mulf %squeeze3A_40, %squeeze3A_50 : vector<16x256xf32>
    %mul3A_1278 = arith.mulf %squeeze3A_40, %squeeze3A_52 : vector<16x256xf32>
    %mul3A_1279 = arith.mulf %squeeze3A_42, %squeeze3A_44 : vector<16x256xf32>
    %mul3A_1280 = arith.mulf %squeeze3A_42, %squeeze3A_46 : vector<16x256xf32>
    %concatenate3A_1281 = tpu.concatenate %mul3A_1273, %mul3A_1274, %mul3A_1275, %mul3A_1276, %mul3A_1277, %mul3A_1278, %mul3A_1279, %mul3A_1280 in 0 : vector<16x256xf32>, vector<16x256xf32>, vector<16x256xf32>, vector<16x256xf32>, vector<16x256xf32>, vector<16x256xf32>, vector<16x256xf32>, vector<16x256xf32> -> vector<128x256xf32>
    %dot_general3A_1282 = arith.constant dense<0.000000e+00> : vector<512x256xf32>
    %dot_general3A_1283 = tpu.matmul %get3A_55, %concatenate3A_1281, %dot_general3A_1282 {dimension_numbers = #tpu.dot_dimension_numbers<[1], [0], [0], [1], [0, 0, 1, 1], [], []>, transpose_lhs_hint = false} : vector<512x128xf32>, vector<128x256xf32>, vector<512x256xf32> -> vector<512x256xf32>
    %add3A_1284 = vector.broadcast %get3A_58 : vector<512x1xf32> to vector<512x256xf32>
    %add3A_1285 = arith.addf %dot_general3A_1283, %add3A_1284 : vector<512x256xf32>
    %max3A_1286 = arith.constant 0.000000e+00 : f32
    %max3A_1287 = vector.broadcast %max3A_1286 : f32 to vector<512x256xf32>
    %max3A_1288 = arith.maximumf %add3A_1285, %max3A_1287 : vector<512x256xf32>
    %mul3A_1289 = vector.broadcast %get3A_61 : vector<512x1xf32> to vector<512x256xf32>
    %mul3A_1290 = arith.mulf %max3A_1288, %mul3A_1289 : vector<512x256xf32>
    %reshape3A_1291 = vector.shape_cast %mul3A_1290 : vector<512x256xf32> to vector<8x64x256xf32>
    %reduce_sum3A_1292 = arith.constant dense<0.000000e+00> : vector<8x256xf32>
    %reduce_sum3A_1293 = vector.multi_reduction <add>, %reshape3A_1291, %reduce_sum3A_1292 [1] : vector<8x64x256xf32> to vector<8x256xf32>
    %mul3A_1294 = vector.broadcast %get3A_64 : vector<128x1xf32> to vector<128x256xf32>
    %mul3A_1295 = arith.mulf %concatenate3A_1281, %mul3A_1294 : vector<128x256xf32>
    %reshape3A_1296 = vector.shape_cast %mul3A_1295 : vector<128x256xf32> to vector<8x16x256xf32>
    %reduce_sum3A_1297 = arith.constant dense<0.000000e+00> : vector<8x256xf32>
    %reduce_sum3A_1298 = vector.multi_reduction <add>, %reshape3A_1296, %reduce_sum3A_1297 [1] : vector<8x16x256xf32> to vector<8x256xf32>
    %swap3A_1299 = arith.constant 304 : index
    %swap3A_1300 = arith.constant 0 : index
    %swap3A_1301 = vector.load %arg7[%swap3A_1299, %swap3A_1300] : memref<328x256xf32, #tpu.memory_space<vmem>>, vector<8x256xf32>
    tpu.vector_store %arg7[%swap3A_1299, %swap3A_1300], %reduce_sum3A_1293 {strides = array<i32>} : memref<328x256xf32, #tpu.memory_space<vmem>>, vector<8x256xf32>,
    %swap3A_1302 = arith.constant 304 : index
    %swap3A_1303 = arith.constant 0 : index
    %swap3A_1304 = vector.load %arg8[%swap3A_1302, %swap3A_1303] : memref<328x256xf32, #tpu.memory_space<vmem>>, vector<8x256xf32>
    tpu.vector_store %arg8[%swap3A_1302, %swap3A_1303], %reduce_sum3A_1298 {strides = array<i32>} : memref<328x256xf32, #tpu.memory_space<vmem>>, vector<8x256xf32>,
    %mul3A_1305 = arith.mulf %squeeze3A_42, %squeeze3A_48 : vector<16x256xf32>
    %mul3A_1306 = arith.mulf %squeeze3A_42, %squeeze3A_50 : vector<16x256xf32>
    %mul3A_1307 = arith.mulf %squeeze3A_42, %squeeze3A_52 : vector<16x256xf32>
    %mul3A_1308 = arith.mulf %squeeze3A_44, %squeeze3A_46 : vector<16x256xf32>
    %mul3A_1309 = arith.mulf %squeeze3A_44, %squeeze3A_48 : vector<16x256xf32>
    %mul3A_1310 = arith.mulf %squeeze3A_44, %squeeze3A_50 : vector<16x256xf32>
    %mul3A_1311 = arith.mulf %squeeze3A_44, %squeeze3A_52 : vector<16x256xf32>
    %mul3A_1312 = arith.mulf %squeeze3A_46, %squeeze3A_48 : vector<16x256xf32>
    %concatenate3A_1313 = tpu.concatenate %mul3A_1305, %mul3A_1306, %mul3A_1307, %mul3A_1308, %mul3A_1309, %mul3A_1310, %mul3A_1311, %mul3A_1312 in 0 : vector<16x256xf32>, vector<16x256xf32>, vector<16x256xf32>, vector<16x256xf32>, vector<16x256xf32>, vector<16x256xf32>, vector<16x256xf32>, vector<16x256xf32> -> vector<128x256xf32>
    %dot_general3A_1314 = arith.constant dense<0.000000e+00> : vector<512x256xf32>
    %dot_general3A_1315 = tpu.matmul %get3A_55, %concatenate3A_1313, %dot_general3A_1314 {dimension_numbers = #tpu.dot_dimension_numbers<[1], [0], [0], [1], [0, 0, 1, 1], [], []>, transpose_lhs_hint = false} : vector<512x128xf32>, vector<128x256xf32>, vector<512x256xf32> -> vector<512x256xf32>
    %add3A_1316 = vector.broadcast %get3A_58 : vector<512x1xf32> to vector<512x256xf32>
    %add3A_1317 = arith.addf %dot_general3A_1315, %add3A_1316 : vector<512x256xf32>
    %max3A_1318 = arith.constant 0.000000e+00 : f32
    %max3A_1319 = vector.broadcast %max3A_1318 : f32 to vector<512x256xf32>
    %max3A_1320 = arith.maximumf %add3A_1317, %max3A_1319 : vector<512x256xf32>
    %mul3A_1321 = vector.broadcast %get3A_61 : vector<512x1xf32> to vector<512x256xf32>
    %mul3A_1322 = arith.mulf %max3A_1320, %mul3A_1321 : vector<512x256xf32>
    %reshape3A_1323 = vector.shape_cast %mul3A_1322 : vector<512x256xf32> to vector<8x64x256xf32>
    %reduce_sum3A_1324 = arith.constant dense<0.000000e+00> : vector<8x256xf32>
    %reduce_sum3A_1325 = vector.multi_reduction <add>, %reshape3A_1323, %reduce_sum3A_1324 [1] : vector<8x64x256xf32> to vector<8x256xf32>
    %mul3A_1326 = vector.broadcast %get3A_64 : vector<128x1xf32> to vector<128x256xf32>
    %mul3A_1327 = arith.mulf %concatenate3A_1313, %mul3A_1326 : vector<128x256xf32>
    %reshape3A_1328 = vector.shape_cast %mul3A_1327 : vector<128x256xf32> to vector<8x16x256xf32>
    %reduce_sum3A_1329 = arith.constant dense<0.000000e+00> : vector<8x256xf32>
    %reduce_sum3A_1330 = vector.multi_reduction <add>, %reshape3A_1328, %reduce_sum3A_1329 [1] : vector<8x16x256xf32> to vector<8x256xf32>
    %swap3A_1331 = arith.constant 312 : index
    %swap3A_1332 = arith.constant 0 : index
    %swap3A_1333 = vector.load %arg7[%swap3A_1331, %swap3A_1332] : memref<328x256xf32, #tpu.memory_space<vmem>>, vector<8x256xf32>
    tpu.vector_store %arg7[%swap3A_1331, %swap3A_1332], %reduce_sum3A_1325 {strides = array<i32>} : memref<328x256xf32, #tpu.memory_space<vmem>>, vector<8x256xf32>,
    %swap3A_1334 = arith.constant 312 : index
    %swap3A_1335 = arith.constant 0 : index
    %swap3A_1336 = vector.load %arg8[%swap3A_1334, %swap3A_1335] : memref<328x256xf32, #tpu.memory_space<vmem>>, vector<8x256xf32>
    tpu.vector_store %arg8[%swap3A_1334, %swap3A_1335], %reduce_sum3A_1330 {strides = array<i32>} : memref<328x256xf32, #tpu.memory_space<vmem>>, vector<8x256xf32>,
    %mul3A_1337 = arith.mulf %squeeze3A_46, %squeeze3A_50 : vector<16x256xf32>
    %mul3A_1338 = arith.mulf %squeeze3A_46, %squeeze3A_52 : vector<16x256xf32>
    %mul3A_1339 = arith.mulf %squeeze3A_48, %squeeze3A_50 : vector<16x256xf32>
    %mul3A_1340 = arith.mulf %squeeze3A_48, %squeeze3A_52 : vector<16x256xf32>
    %mul3A_1341 = arith.mulf %squeeze3A_50, %squeeze3A_52 : vector<16x256xf32>
    %mul3A_1342 = arith.mulf %squeeze3A, %squeeze3A : vector<16x256xf32>
    %mul3A_1343 = arith.mulf %squeeze3A, %squeeze3A : vector<16x256xf32>
    %mul3A_1344 = arith.mulf %squeeze3A, %squeeze3A : vector<16x256xf32>
    %concatenate3A_1345 = tpu.concatenate %mul3A_1337, %mul3A_1338, %mul3A_1339, %mul3A_1340, %mul3A_1341, %mul3A_1342, %mul3A_1343, %mul3A_1344 in 0 : vector<16x256xf32>, vector<16x256xf32>, vector<16x256xf32>, vector<16x256xf32>, vector<16x256xf32>, vector<16x256xf32>, vector<16x256xf32>, vector<16x256xf32> -> vector<128x256xf32>
    %dot_general3A_1346 = arith.constant dense<0.000000e+00> : vector<512x256xf32>
    %dot_general3A_1347 = tpu.matmul %get3A_55, %concatenate3A_1345, %dot_general3A_1346 {dimension_numbers = #tpu.dot_dimension_numbers<[1], [0], [0], [1], [0, 0, 1, 1], [], []>, transpose_lhs_hint = false} : vector<512x128xf32>, vector<128x256xf32>, vector<512x256xf32> -> vector<512x256xf32>
    %add3A_1348 = vector.broadcast %get3A_58 : vector<512x1xf32> to vector<512x256xf32>
    %add3A_1349 = arith.addf %dot_general3A_1347, %add3A_1348 : vector<512x256xf32>
    %max3A_1350 = arith.constant 0.000000e+00 : f32
    %max3A_1351 = vector.broadcast %max3A_1350 : f32 to vector<512x256xf32>
    %max3A_1352 = arith.maximumf %add3A_1349, %max3A_1351 : vector<512x256xf32>
    %mul3A_1353 = vector.broadcast %get3A_61 : vector<512x1xf32> to vector<512x256xf32>
    %mul3A_1354 = arith.mulf %max3A_1352, %mul3A_1353 : vector<512x256xf32>
    %reshape3A_1355 = vector.shape_cast %mul3A_1354 : vector<512x256xf32> to vector<8x64x256xf32>
    %reduce_sum3A_1356 = arith.constant dense<0.000000e+00> : vector<8x256xf32>
    %reduce_sum3A_1357 = vector.multi_reduction <add>, %reshape3A_1355, %reduce_sum3A_1356 [1] : vector<8x64x256xf32> to vector<8x256xf32>
    %mul3A_1358 = vector.broadcast %get3A_64 : vector<128x1xf32> to vector<128x256xf32>
    %mul3A_1359 = arith.mulf %concatenate3A_1345, %mul3A_1358 : vector<128x256xf32>
    %reshape3A_1360 = vector.shape_cast %mul3A_1359 : vector<128x256xf32> to vector<8x16x256xf32>
    %reduce_sum3A_1361 = arith.constant dense<0.000000e+00> : vector<8x256xf32>
    %reduce_sum3A_1362 = vector.multi_reduction <add>, %reshape3A_1360, %reduce_sum3A_1361 [1] : vector<8x16x256xf32> to vector<8x256xf32>
    %swap3A_1363 = arith.constant 320 : index
    %swap3A_1364 = arith.constant 0 : index
    %swap3A_1365 = vector.load %arg7[%swap3A_1363, %swap3A_1364] : memref<328x256xf32, #tpu.memory_space<vmem>>, vector<8x256xf32>
    tpu.vector_store %arg7[%swap3A_1363, %swap3A_1364], %reduce_sum3A_1357 {strides = array<i32>} : memref<328x256xf32, #tpu.memory_space<vmem>>, vector<8x256xf32>,
    %swap3A_1366 = arith.constant 320 : index
    %swap3A_1367 = arith.constant 0 : index
    %swap3A_1368 = vector.load %arg8[%swap3A_1366, %swap3A_1367] : memref<328x256xf32, #tpu.memory_space<vmem>>, vector<8x256xf32>
    tpu.vector_store %arg8[%swap3A_1366, %swap3A_1367], %reduce_sum3A_1362 {strides = array<i32>} : memref<328x256xf32, #tpu.memory_space<vmem>>, vector<8x256xf32>,
    %iota3A = tpu.iota {dimensions = array<i32: 0>} : vector<328x256xi32>
    %lt3A = arith.constant 325 : i32
    %lt3A_1369 = vector.broadcast %lt3A : i32 to vector<328x256xi32>
    %lt3A_1370 = arith.cmpi slt, %iota3A, %lt3A_1369 : vector<328x256xi32>
    %get3A_1371 = arith.constant 0 : index
    %get3A_1372 = arith.constant 0 : index
    %get3A_1373 = vector.load %arg7[%get3A_1371, %get3A_1372] : memref<328x256xf32, #tpu.memory_space<vmem>>, vector<328x256xf32>
    %jit3A = arith.constant 0xFF800000 : f32
    %broadcast_in_dim3A = vector.broadcast %jit3A : f32 to vector<328x256xf32>
    %select_n3A = arith.select %lt3A_1370, %get3A_1373, %broadcast_in_dim3A : vector<328x256xi1>, vector<328x256xf32>
    %get3A_1374 = arith.constant 0 : index
    %get3A_1375 = arith.constant 0 : index
    %get3A_1376 = vector.load %arg8[%get3A_1374, %get3A_1375] : memref<328x256xf32, #tpu.memory_space<vmem>>, vector<328x256xf32>
    %jit3A_1377 = arith.constant 0.000000e+00 : f32
    %broadcast_in_dim3A_1378 = vector.broadcast %jit3A_1377 : f32 to vector<328x256xf32>
    %select_n3A_1379 = arith.select %lt3A_1370, %get3A_1376, %broadcast_in_dim3A_1378 : vector<328x256xi1>, vector<328x256xf32>
    %reduce_max3A = arith.constant dense<0xFF800000> : vector<256xf32>
    %reduce_max3A_1380 = vector.multi_reduction <maximumf>, %select_n3A, %reduce_max3A [0] : vector<328x256xf32> to vector<256xf32>
    %broadcast_in_dim3A_1381 = vector.shape_cast %reduce_max3A_1380 : vector<256xf32> to vector<1x256xf32>
    %sub3A = vector.broadcast %broadcast_in_dim3A_1381 : vector<1x256xf32> to vector<328x256xf32>
    %sub3A_1382 = arith.subf %select_n3A, %sub3A : vector<328x256xf32>
    %exp3A = math.exp %sub3A_1382 : vector<328x256xf32>
    %jit3A_1383 = arith.constant 0.000000e+00 : f32
    %broadcast_in_dim3A_1384 = vector.broadcast %jit3A_1383 : f32 to vector<328x256xf32>
    %select_n3A_1385 = arith.select %lt3A_1370, %exp3A, %broadcast_in_dim3A_1384 : vector<328x256xi1>, vector<328x256xf32>
    %mul3A_1386 = arith.mulf %select_n3A_1385, %select_n3A_1379 : vector<328x256xf32>
    %reduce_sum3A_1387 = arith.constant dense<0.000000e+00> : vector<256xf32>
    %reduce_sum3A_1388 = vector.multi_reduction <add>, %mul3A_1386, %reduce_sum3A_1387 [0] : vector<328x256xf32> to vector<256xf32>
    %broadcast_in_dim3A_1389 = vector.shape_cast %reduce_sum3A_1388 : vector<256xf32> to vector<1x256xf32>
    %reduce_sum3A_1390 = arith.constant dense<0.000000e+00> : vector<256xf32>
    %reduce_sum3A_1391 = vector.multi_reduction <add>, %select_n3A_1385, %reduce_sum3A_1390 [0] : vector<328x256xf32> to vector<256xf32>
    %broadcast_in_dim3A_1392 = vector.shape_cast %reduce_sum3A_1391 : vector<256xf32> to vector<1x256xf32>
    %div3A = arith.divf %broadcast_in_dim3A_1389, %broadcast_in_dim3A_1392 : vector<1x256xf32>
    %broadcast_in_dim3A_1393 = vector.shape_cast %div3A : vector<1x256xf32> to vector<1x256xf32>
    %broadcast_in_dim3A_1394 = vector.broadcast %broadcast_in_dim3A_1393 : vector<1x256xf32> to vector<8x256xf32>
    %broadcast_in_dim3A_1395 = vector.shape_cast %broadcast_in_dim3A_1394 : vector<8x256xf32> to vector<1x8x256xf32>
    %swap3A_1396 = arith.constant 0 : index
    %swap3A_1397 = arith.constant 0 : index
    %swap3A_1398 = arith.constant 0 : index
    %swap3A_1399 = vector.load %arg6[%swap3A_1396, %swap3A_1397, %swap3A_1398] : memref<1x8x256xf32, #tpu.memory_space<vmem>>, vector<1x8x256xf32>
    tpu.vector_store %arg6[%swap3A_1396, %swap3A_1397, %swap3A_1398], %broadcast_in_dim3A_1395 {strides = array<i32>} : memref<1x8x256xf32, #tpu.memory_space<vmem>>, vector<1x8x256xf32>,
    return
  }
  func.func @transform_0(%arg0: i32) -> (i32, i32, i32) {
    %c0_i32 = arith.constant 0 : i32
    %c0_i32_0 = arith.constant 0 : i32
    %c0_i32_1 = arith.constant 0 : i32
    return %c0_i32, %arg0, %c0_i32_0 : i32, i32, i32
  }
  func.func @transform_1(%arg0: i32) -> (i32, i32) {
    %c0_i32 = arith.constant 0 : i32
    %c0_i32_0 = arith.constant 0 : i32
    %c0_i32_1 = arith.constant 0 : i32
    return %c0_i32, %c0_i32_0 : i32, i32
  }
  func.func @transform_2(%arg0: i32) -> (i32, i32) {
    %c0_i32 = arith.constant 0 : i32
    %c0_i32_0 = arith.constant 0 : i32
    %c0_i32_1 = arith.constant 0 : i32
    return %c0_i32, %c0_i32_0 : i32, i32
  }
  func.func @transform_3(%arg0: i32) -> (i32, i32) {
    %c0_i32 = arith.constant 0 : i32
    %c0_i32_0 = arith.constant 0 : i32
    %c0_i32_1 = arith.constant 0 : i32
    return %c0_i32, %c0_i32_0 : i32, i32
  }
  func.func @transform_4(%arg0: i32) -> (i32, i32) {
    %c0_i32 = arith.constant 0 : i32
    %c0_i32_0 = arith.constant 0 : i32
    %c0_i32_1 = arith.constant 0 : i32
    return %c0_i32, %c0_i32_0 : i32, i32
  }
  func.func @transform_5(%arg0: i32) -> (i32, i32, i32) {
    %c0_i32 = arith.constant 0 : i32
    %c0_i32_0 = arith.constant 0 : i32
    %c0_i32_1 = arith.constant 0 : i32
    return %arg0, %c0_i32, %c0_i32_0 : i32, i32, i32
  }
}

</mosaic_0001>

<sc_bundles>
// kernel: kernel.5.cloned.1.call-start
scs
__scs_entry_jumppad:
0x0: {  	(pc) =	sbr.rel $0x88, $3  }
0x1: {  	(tag) =	ssettag $0x0;
	lr =	simm.s32 $0x1  }
0x2: {  	[smem:$0x3F9B] =	sst lr;
	_ =	strace $0xD0000000  }
0x3: {  	_ = 	snop  }
0x4: {  	_ = 	snop  }
0x5: {  	_ = 	snop  }
0x6: {  	_ = 	snop  }
0x7: {  	_ = 	snop  }
__scs_overlays_trampoline_lowered:
0x8: {  	[smem:$0x3FAA] =	sst s0  }
0x9: {  	[smem:$0x3FAB] =	sst s1  }
0xa: {  	[smem:$0x3FAC] =	sst s2  }
0xb: {  	[smem:$0x3FAD] =	sst s3  }
0xc: {  	[smem:$0x3FAE] =	sst s4  }
0xd: {  	[smem:$0x3FAF] =	sst s5  }
0xe: {  	[smem:$0x3FB0] =	sst s6  }
0xf: {  	[smem:$0x3FB1] =	sst s7  }
0x10: {  	[smem:$0x3FB2] =	sst s8  }
0x11: {  	[smem:$0x3FB3] =	sst s9;
	s0 =	simm.s32 @!p0 $0x0  }
0x12: {  	s1 =	sld [smem:$0x3F99];
	s0 =	simm.s32 @p0 $0x1  }
0x13: {  	[smem:$0x3FB4] =	sst s0;
	s0 =	simm.s32 @!p1 $0x0  }
0x14: {  	s2 =	sld [smem:$0x3F98];
	s0 =	simm.s32 @p1 $0x1  }
0x15: {  	[smem:$0x3FB5] =	sst s0;
	s0 =	simm.s32 @!p2 $0x0  }
0x16: {  	s3 =	sld [smem:$0x3FDB];
	s0 =	simm.s32 @p2 $0x1  }
0x17: {  	s4 =	simm.s32 $0x1BF5;
	[smem:$0x3FB7] =	sst s0  }
0x18: {  	s0 =	sld [smem:$0x3F9A];
	_ =	swait.ge [sflag:s4], $0x0  }
0x19: {  	s7 =	sld [smem:$0x3F9B]  }
0x1a: {  	s8 =	sadd.s32 $0xFFFFE003, lr  }
0x1b: {  	s9 =	sadd.s32 $0xFFFFFEF7, lr;
	s5 =	simm.s32 $0xFFFFFFFF;
	p2 =	slt.u32 s8, $0xFFFFF086  }
0x1c: {  	p1 =	slt.u32 s9, $0xF7A;
	s5 =	simm.s32 @!p2 $0x0  }
0x1d: {  	s5 =	simm.s32 @p1 $0x1;
	p0 =	seq.s32 s7, s2  }
0x1e: {  	s7 =	smul.u32 @!p0 $0xF7A, s2;
	p2 =	seq.s32 @!p0 s5, $0x0  }
0x1f: {  	s9 =	smul.u32 $0xF7A, s1;
	s8 =	simm.s32 @!p0 $0x1BF5;
	p2 =	por !p2, p0  }
0x20: {  	[sflag:s8] =	ssyncset.s32 @!p0 $0xFFFFF086;
	s6 =	sadd.s32 @!p0 s3, s7;
	s7 =	simm.s32 @!p0 $0x108  }
0x21: {  	s3 =	sadd.s32 s3, s9;
	s6 =	sadd.s32 @!p0 $0x88, s6;
	s7 =	simm.s32 @p2 $0x1082  }
0x22: {  	[simem:s7], [sflag:s8] =	dma.local @!p0 [hbm:s6], $0xF7A  }
0x23: {  	s9 =	sor.u32 $0xD0000000, s2;
	s6 =	simm.s32 $0x108;
	_ =	swait.ge @!p0 [sflag:s8], $0x0  }
0x24: {  	s3 =	sadd.s32 $0x88, s3;
	s6 =	simm.s32 @!p1 $0x1082;
	[sflag:s4] =	ssyncset.s32 $0xFFFFF086  }
0x25: {  	[simem:s6], [sflag:s4] =	dma.local [hbm:s3], $0xF7A  }
0x26: {  	[smem:$0x3F9B] =	sst s1;
	(tag) =	ssettag s2;
	_ =	strace s9  }
0x27: {  	s1 =	sld [smem:$0x3FAB]  }
0x28: {  	s2 =	sld [smem:$0x3FAC]  }
0x29: {  	s4 =	sld [smem:$0x3FAE]  }
0x2a: {  	p0 =	seq.s32 s5, $0x0;
	s5 =	sld [smem:$0x3FAF]  }
0x2b: {  	s6 =	sld [smem:$0x3FB0]  }
0x2c: {  	s7 =	sld [smem:$0x3FB1]  }
0x2d: {  	s3 =	simm.s32 $0x108;
	s8 =	sld [smem:$0x3FB2]  }
0x2e: {  	s3 =	simm.s32 @!p0 $0x1082;
	s9 =	sld [smem:$0x3FB3]  }
0x2f: {  	lr =	sadd.s32 s0, s3;
	s0 =	sld [smem:$0x3FAA]  }
0x30: {  	s3 =	sld [smem:$0x3FAD]  }
0x31: {  	[smem:$0x3FB6] =	sst s10  }
0x32: {  	s10 =	sld [smem:$0x3FB4];
	_ =	sdelay $0x3  }
0x33: {  	p0 =	seq.s32 s10, $0x1;
	s10 =	sld [smem:$0x3FB6];
	_ =	sdelay $0x3  }
0x34: {  	[smem:$0x3FB6] =	sst s10  }
0x35: {  	s10 =	sld [smem:$0x3FB5];
	_ =	sdelay $0x3  }
0x36: {  	p1 =	seq.s32 s10, $0x1;
	s10 =	sld [smem:$0x3FB6];
	_ =	sdelay $0x3  }
0x37: {  	[smem:$0x3FB6] =	sst s10  }
0x38: {  	s10 =	sld [smem:$0x3FB7]  }
0x39: {  	_ = 	snop;
	(pc) =	sbr.ind lr, $3  }
0x3a: {  	_ = 	snop  }
0x3b: {  	_ = 	snop  }
0x3c: {  	p2 =	seq.s32 s10, $0x1;
	s10 =	sld [smem:$0x3FB6]  }
0x3d: {  	_ =	shalt  }
0x3e: {  	_ =	shalt  }
0x3f: {  	_ =	shalt  }
0x40: {  	_ =	shalt  }
0x41: {  	_ =	shalt  }
0x42: {  	_ =	shalt  }
0x43: {  	_ =	shalt  }
0x44: {  	_ =	shalt  }
0x45: {  	_ =	shalt  }
0x46: {  	_ =	shalt  }
0x47: {  	_ =	shalt  }
0x48: {  	_ =	shalt  }
0x49: {  	_ =	shalt  }
0x4a: {  	_ =	shalt  }
0x4b: {  	_ =	shalt  }
0x4c: {  	_ =	shalt  }
0x4d: {  	_ =	shalt  }
0x4e: {  	_ =	shalt  }
0x4f: {  	_ =	shalt  }
0x50: {  	_ =	shalt  }
0x51: {  	_ =	shalt  }
0x52: {  	_ =	shalt  }
0x53: {  	_ =	shalt  }
0x54: {  	_ =	shalt  }
0x55: {  	_ =	shalt  }
0x56: {  	_ =	shalt  }
0x57: {  	_ =	shalt  }
0x58: {  	_ =	shalt  }
0x59: {  	_ =	shalt  }
0x5a: {  	_ =	shalt  }
0x5b: {  	_ =	shalt  }
0x5c: {  	_ =	shalt  }
0x5d: {  	_ =	shalt  }
0x5e: {  	_ =	shalt  }
0x5f: {  	_ =	shalt  }
0x60: {  	_ =	shalt  }
0x61: {  	_ =	shalt  }
0x62: {  	_ =	shalt  }
0x63: {  	_ =	shalt  }
0x64: {  	_ =	shalt  }
0x65: {  	_ =	shalt  }
0x66: {  	_ =	shalt  }
0x67: {  	_ =	shalt  }
0x68: {  	_ =	shalt  }
0x69: {  	_ =	shalt  }
0x6a: {  	_ =	shalt  }
0x6b: {  	_ =	shalt  }
0x6c: {  	_ =	shalt  }
0x6d: {  	_ =	shalt  }
0x6e: {  	_ =	shalt  }
0x6f: {  	_ =	shalt  }
0x70: {  	_ =	shalt  }
0x71: {  	_ =	shalt  }
0x72: {  	_ =	shalt  }
0x73: {  	_ =	shalt  }
0x74: {  	_ =	shalt  }
0x75: {  	_ =	shalt  }
0x76: {  	_ =	shalt  }
0x77: {  	_ =	shalt  }
0x78: {  	_ =	shalt  }
0x79: {  	_ =	shalt  }
0x7a: {  	_ =	shalt  }
0x7b: {  	_ =	shalt  }
0x7c: {  	_ =	shalt  }
0x7d: {  	_ =	shalt  }
0x7e: {  	_ =	shalt  }
0x7f: {  	_ =	shalt  }
0x80: {  	_ =	shalt  }
0x81: {  	_ =	shalt  }
0x82: {  	_ =	shalt  }
0x83: {  	_ =	shalt  }
0x84: {  	_ =	shalt  }
0x85: {  	_ =	shalt  }
0x86: {  	_ =	shalt  }
0x87: {  	_ =	shalt  }
.Lfunc_end0:
.L_simem_size_0:
called_computation_lowered:
.L_overlay_start_0:
0x88: {  	s2 =	sld [smem:$0x3FD9]  }
0x89: {  	s3 =	sld [smem:$0x3FFE];
	_ =	sdelay $0x1  }
0x8a: {  	s1 =	srdreg.scid  }
0x8b: {  	s0 =	sand.u32 $0x1, s1  }
0x8c: {  	s16 =	sshll.u32 s0, $0xA;
	s2 =	sadd.s32 s3, s2  }
0x8d: {  	s2 =	sadd.s32 s2, s16  }
0x8e: {  	[smem:$0x3FC2] =	sst s2  }
0x8f: {  	_ = 	snop  }
0x90: {  	(tm) =	ssettm $0x1  }
0x91: {  	s17 =	sld [smem:$0x3FFB];
	_ =	sdelay $0x3  }
0x92: {  	_ =	strace s17  }
0x93: {  	s2 =	sld [smem:$0x3FFC];
	_ =	sdelay $0x3  }
0x94: {  	_ =	strace s2  }
0x95: {  	s2 =	sld [smem:$0x3FFD];
	_ =	sdelay $0x3  }
0x96: {  	_ =	strace s2  }
0x97: {  	_ =	strace $0x8FFFFFFF  }
0x98: {  	s18 =	sld [smem:$0x3FDB];
	_ =	sdelay $0x1  }
0x99: {  	s19 =	simm.s32 $_scs_section_size  }
0x9a: {  	s4 =	simm.s32 $_size__tile_overlayer_lowered;
	s5 =	simm.s32 $_tile_overlayer_lowered  }
0x9b: {  	s22 =	simm.s32 $0x1BFF;
	s21 =	sshll.u32 s5, $0x1;
	s2 =	sadd.s32 s19, s18  }
0x9c: {  	s6 =	simm.s32 $0x0;
	s20 =	sshll.u32 s4, $0x1;
	s4 =	sadd.s32 s21, s2  }
0x9d: {  	[timem:s6], [sflag:s22] =	dma.local [hbm:s4], s20  }
0x9e: {  	_ =	swait.ge [sflag:s22], s20  }
0x9f: {  	s3 =	ssub.s32 $0x0, s20;
	[sflag:s22] =	ssyncset.done $0x0  }
0xa0: {  	[sflag:s22] =	ssyncadd.s32 s3;
	_ =	sdelay $0x1  }
0xa1: {  	s23 =	simm.s32 $0x1B8B  }
0xa2: {  	_ =	swait.ge [sflag:s23], $0x1  }
0xa3: {  	[sflag:s23] =	ssyncset.done $0x0  }
0xa4: {  	s25 =	simm.s32 $0x1B8E;
	s24 =	sld [smem:$0x3FFE];
	[sflag:s23] =	ssyncadd.s32 $0xFFFFFFFF  }
0xa5: {  	s26 =	simm.s32 $execute0_lowered;
	[smem:$0x3FD2] =	sst s25  }
0xa6: {  	s4 =	sshll.u32 s26, $0x1;
	_ =	strace $0x80000046;
	[dreg:$0x1] =	wrdreg $0xFFFFFFFF  }
0xa7: {  	s28 =	simm.s32 $_size_execute0_lowered;
	s2 =	sadd.s32 s2, s4;
	[dreg:$0x0] =	wrdreg $0x0  }
0xa8: {  	s4 =	sshll.u32 s28, $0x1;
	[dreg:$0x2] =	wrdreg s2  }
0xa9: {  	[dreg:$0x3] =	wrdreg s4  }
0xaa: {  	[dreg:$0x4] =	wrdreg $0xC0  }
0xab: {  	_ =	task [dreg:s6], $0x5FFFF  }
0xac: {  	[dreg:$0x1] =	wrdreg $0xFFFFFFFF  }
0xad: {  	[dreg:$0x0] =	wrdreg $0x60  }
0xae: {  	[dreg:$0x2] =	wrdreg s24  }
0xaf: {  	[dreg:$0x3] =	wrdreg $0x9  }
0xb0: {  	_ =	task.clear_ibuf [dreg:s6], $0x4FFFF;
	_ =	strace $0x90000046  }
0xb1: {  	s29 =	simm.s32 $0x9;
	_ =	strace $0x80000048  }
0xb2: {  	_ =	swait.ge [sflag:s29], $0x1  }
0xb3: {  	[sflag:s29] =	ssyncadd.s32 $0xFFFFFFFF  }
0xb4: {  	_ =	strace $0x90000048  }
0xb5: {  	_ =	sfence  }
0xb6: {  	s30 =	sld [smem:$0x0];
	_ =	sdelay $0x2  }
0xb7: {  	s31 =	sshll.u32 s1, $0xD;
	s1 =	sshrl.u32 s1, $0x2  }
0xb8: {  	s3 =	sand.u32 $0x4000, s31;
	s1 =	sadd.s32 s1, s30  }
0xb9: {  	s0 =	sor.u32 s3, s0;
	s1 =	sshll.u32 s1, $0x11  }
0xba: {  	s0 =	sor.u32 s1, s0  }
0xbb: {  	s0 =	sadd.s32 $0x8F2B, s0  }
0xbc: {  	[sflag:s0] =	ssyncadd.remote.s32 $0x1  }
0xbd: {  	_ =	sfence.sel $0xFFFF  }
0xbe: {  	[dreg:$0x0] =	wrdreg $0xFFFFFFFF;
	(pc) =	sbr.abs _section_cstart, $3  }
0xbf: {  	[dreg:$0x1] =	wrdreg $0xFFFFFFFF  }
0xc0: {  	_ =	task.clear_ibuf [dreg:s6], $0x2FFFF;
	_ =	strace $0x9FFFFFFF  }
0xc1: {  	(tm) =	ssettm $0x7FFFFFFF  }
tec
execute0_lowered:
.L_overlay_start_1:
0x0: {  	(tag) =	ssettag $0x1  }
0x1: {  	s1 =	srdreg.scid  }
0x2: {  	s0 =	stileid.u32;
	s4 =	rddreg [dreg:$0x0]  }
0x3: {  	s2 =	simm.s32 $0x0;
	s10 =	simm.s32 $0x80;
	s11 =	simm.s32 $0x5A00  }
0x4: {  	s12 =	simm.s32 $0x1;
	s13 =	simm.s32 $0x9A00;
	s14 =	simm.s32 $0x2  }
0x5: {  	s3 =	sand.u32 $0x1, s1;
	s31 =	sshll.u32 s0, $0x1;
	s1 =	rddreg [dreg:$0x1]  }
0x6: {  	s15 =	simm.s32 $0x0;
	[smem:$0x7FF] =	sst s2;
	s5 =	sor.u32 s3, s31  }
0x7: {  	s7 =	ssub.s32 $0x2, s3;
	_ =	strace $0x80000047;
	s6 =	smul.u32 $0x1A0, s5  }
0x8: {  	s3 =	sadd.s32 $0x7600, s4;
	s5 =	smul.u32 $0x1A00, s5;
	s8 =	sshrl.u32 s7, $0x1  }
0x9: {  	s7 =	ssub.s32 s7, s8;
	s8 =	simm.s32 $0x3;
	s6 =	sadd.s32 s6, s4  }
0xa: {  	v1 =	vlaneseq.u32;
	s9 =	sadd.s32 s5, s4;
	s7 =	smax.u32 s7, $0x1;
	s4 =	sadd.s32 $0x4200, s6  }
0xb: {  	v0 =	vmul.u32 $0x80, v1;
	v1 =	vmul.u32 $0x10, v1;
	s5 =	sadd.s32 $0xE00, s6;
	s6 =	sadd.s32 $0x207600, s9;
	s9 =	simm.s32 $0x1A00  }
.LBB2_1:
0xc: {  	[tilespmem:s2], [sflag:$0x3] =	stream.linear.gather [hbm4b:s4+s2], $0xD00, $0x38;
	[tilespmem:$0x16A00] =	vst v63  }
0xd: {  	_ =	swait.ge [sflag:s8], $0xD00  }
0xe: {  	[sflag:s8] =	ssyncset.done $0x0  }
0xf: {  	s16 =	simm.s32 $0xD00;
	[sflag:s8] =	ssyncadd.s32 $0xFFFFF300  }
0x10: {  	[tilespmem:s16], [sflag:$0x3] =	stream.linear.gather [hbm4b:s5+s2], $0xD00, $0x38;
	[tilespmem:$0x16A00] =	vst v63  }
0x11: {  	_ =	swait.ge [sflag:s8], $0xD00  }
0x12: {  	s17 =	simm.s32 $0xD80;
	s18 =	simm.s32 $0x80;
	[sflag:s8] =	ssyncset.done $0x0  }
0x13: {  	s19 =	simm.s32 $0x0;
	s20 =	simm.s32 $0x0;
	[sflag:s8] =	ssyncadd.s32 $0xFFFFF300  }
0x14: {  	[tilespmem:s9], [sflag:$0x1] =	stream.indirect.gather [hbm4b:s3+s10], $0x80, s2, s10, $0xb8;
	[tilespmem:$0x16A00] =	vst v63  }
.LBB2_2:
0x15: {  	s21 =	sshll.u32 s20, $0x8  }
0x16: {  	s21 =	sor.u32 $0x80, s21  }
0x17: {  	s21 =	sand.u32 $0x3FFFFF80, s21  }
0x18: {  	[tilespmem:s11], [sflag:$0x2] =	stream.indirect.gather [hbm4b:s3+s10], $0x80, s21, s10, $0xb8;
	[tilespmem:$0x16A00] =	vst v63  }
0x19: {  	_ =	swait.ge [sflag:s12], $0x4000  }
0x1a: {  	[sflag:s12] =	ssyncset.done $0x0  }
0x1b: {  	[sflag:s12] =	ssyncadd.s32 $0xFFFFC000  }
0x1c: {  	v2 =	vld [tilespmem:s16+$0x0];
	_ =	sdelay $0x1  }
0x1d: {  	s30 =	simm.s32 $0x0  }
0x1e: {  	v3 =	vmov s30  }
0x1f: {  	v3 =	vshll.u32 v3, $0x7  }
0x20: {  	v3 =	vor.u32 v0, v3;
	v4 =	vand.u32 $0xFFFFFFF8, v2  }
0x21: {  	v5 =	vand.u32 $0x7, v2;
	v4 =	vadd.s32 v3, v4  }
0x22: {  	v4 =	vor.u32 v5, v4;
	_ =	sdelay $0x1  }
0x23: {  	s31 =	sadd.s32 $0x0, s19  }
0x24: {  	v6 =	vmov s31;
	v5 =	vadd.s32 $0x1, v2  }
0x25: {  	v6 =	vshll.u32 v6, $0x4;
	v7 =	vand.u32 $0xFFFFFFF8, v5  }
0x26: {  	v6 =	vor.u32 v1, v6;
	v5 =	vand.u32 $0x7, v5;
	v7 =	vadd.s32 v3, v7;
	v8 =	vld.idx.msk [tilespmem:v4+s9+$0x0], $0xffff  }
0x27: {  	v5 =	vor.u32 v5, v7;
	_ =	sdelay $0x2  }
0x28: {  	v25 =	vadd.s32 $0x2, v2  }
0x29: {  	v9 =	vand.u32 $0xFFFFFFF8, v25;
	[tilespmem:v6+s13+$0x0] =	vst.idx.msk $0xffff, v8  }
0x2a: {  	v27 =	vor.u32 $0x1, v6;
	v26 =	vadd.s32 v3, v9;
	v7 =	vand.u32 $0x7, v25;
	v5 =	vld.idx.msk [tilespmem:v5+s9+$0x0], $0xffff  }
0x2b: {  	v7 =	vor.u32 v7, v26;
	_ =	sdelay $0x2  }
0x2c: {  	v28 =	vadd.s32 $0x3, v2  }
0x2d: {  	v10 =	vand.u32 $0xFFFFFFF8, v28;
	[tilespmem:v27+s13+$0x0] =	vst.idx.msk $0xffff, v5  }
0x2e: {  	v29 =	vor.u32 $0x2, v6;
	v8 =	vand.u32 $0x7, v28;
	v5 =	vadd.s32 v3, v10;
	v7 =	vld.idx.msk [tilespmem:v7+s9+$0x0], $0xffff  }
0x2f: {  	v5 =	vor.u32 v8, v5;
	_ =	sdelay $0x2  }
0x30: {  	v30 =	vadd.s32 $0x4, v2  }
0x31: {  	v31 =	vand.u32 $0xFFFFFFF8, v30;
	[tilespmem:v29+s13+$0x0] =	vst.idx.msk $0xffff, v7  }
0x32: {  	v33 =	vor.u32 $0x3, v6;
	v32 =	vadd.s32 v3, v31;
	v8 =	vand.u32 $0x7, v30;
	v5 =	vld.idx.msk [tilespmem:v5+s9+$0x0], $0xffff  }
0x33: {  	v7 =	vor.u32 v8, v32;
	_ =	sdelay $0x2  }
0x34: {  	v34 =	vadd.s32 $0x5, v2  }
0x35: {  	v35 =	vand.u32 $0xFFFFFFF8, v34;
	[tilespmem:v33+s13+$0x0] =	vst.idx.msk $0xffff, v5  }
0x36: {  	v36 =	vor.u32 $0x4, v6;
	v8 =	vand.u32 $0x7, v34;
	v5 =	vadd.s32 v3, v35;
	v7 =	vld.idx.msk [tilespmem:v7+s9+$0x0], $0xffff  }
0x37: {  	v5 =	vor.u32 v8, v5;
	_ =	sdelay $0x2  }
0x38: {  	v37 =	vadd.s32 $0x6, v2  }
0x39: {  	v38 =	vand.u32 $0xFFFFFFF8, v37;
	[tilespmem:v36+s13+$0x0] =	vst.idx.msk $0xffff, v7  }
0x3a: {  	v40 =	vor.u32 $0x5, v6;
	v39 =	vadd.s32 v3, v38;
	v8 =	vand.u32 $0x7, v37;
	v5 =	vld.idx.msk [tilespmem:v5+s9+$0x0], $0xffff  }
0x3b: {  	v7 =	vor.u32 v8, v39;
	_ =	sdelay $0x2  }
0x3c: {  	v41 =	vadd.s32 $0x7, v2  }
0x3d: {  	v42 =	vand.u32 $0xFFFFFFF8, v41;
	[tilespmem:v40+s13+$0x0] =	vst.idx.msk $0xffff, v5  }
0x3e: {  	v43 =	vor.u32 $0x6, v6;
	v8 =	vand.u32 $0x7, v41;
	v5 =	vadd.s32 v3, v42;
	v7 =	vld.idx.msk [tilespmem:v7+s9+$0x0], $0xffff  }
0x3f: {  	v5 =	vor.u32 v8, v5;
	_ =	sdelay $0x3  }
0x40: {  	[tilespmem:v43+s13+$0x0] =	vst.idx.msk $0xffff, v7  }
0x41: {  	v44 =	vor.u32 $0x7, v6;
	v5 =	vld.idx.msk [tilespmem:v5+s9+$0x0], $0xffff  }
0x42: {  	v4 =	vadd.s32 $0x8, v4;
	_ =	sdelay $0x2  }
0x43: {  	v45 =	vadd.s32 $0x9, v2  }
0x44: {  	v46 =	vand.u32 $0xFFFFFFF8, v45;
	[tilespmem:v44+s13+$0x0] =	vst.idx.msk $0xffff, v5  }
0x45: {  	v47 =	vor.u32 $0x8, v6;
	v8 =	vand.u32 $0x7, v45;
	v5 =	vadd.s32 v3, v46;
	v4 =	vld.idx.msk [tilespmem:v4+s9+$0x0], $0xffff  }
0x46: {  	v5 =	vor.u32 v8, v5;
	_ =	sdelay $0x2  }
0x47: {  	v48 =	vadd.s32 $0xA, v2  }
0x48: {  	v49 =	vand.u32 $0xFFFFFFF8, v48;
	[tilespmem:v47+s13+$0x0] =	vst.idx.msk $0xffff, v4  }
0x49: {  	v50 =	vor.u32 $0x9, v6;
	v8 =	vand.u32 $0x7, v48;
	v4 =	vadd.s32 v3, v49;
	v5 =	vld.idx.msk [tilespmem:v5+s9+$0x0], $0xffff  }
0x4a: {  	v4 =	vor.u32 v8, v4;
	_ =	sdelay $0x2  }
0x4b: {  	v51 =	vadd.s32 $0xB, v2  }
0x4c: {  	v52 =	vand.u32 $0xFFFFFFF8, v51;
	[tilespmem:v50+s13+$0x0] =	vst.idx.msk $0xffff, v5  }
0x4d: {  	v53 =	vor.u32 $0xA, v6;
	v8 =	vand.u32 $0x7, v51;
	v5 =	vadd.s32 v3, v52;
	v4 =	vld.idx.msk [tilespmem:v4+s9+$0x0], $0xffff  }
0x4e: {  	v5 =	vor.u32 v8, v5;
	_ =	sdelay $0x2  }
0x4f: {  	v54 =	vadd.s32 $0xC, v2  }
0x50: {  	v55 =	vand.u32 $0xFFFFFFF8, v54;
	[tilespmem:v53+s13+$0x0] =	vst.idx.msk $0xffff, v4  }
0x51: {  	v56 =	vor.u32 $0xB, v6;
	v8 =	vand.u32 $0x7, v54;
	v4 =	vadd.s32 v3, v55;
	v5 =	vld.idx.msk [tilespmem:v5+s9+$0x0], $0xffff  }
0x52: {  	v4 =	vor.u32 v8, v4;
	_ =	sdelay $0x2  }
0x53: {  	v57 =	vadd.s32 $0xD, v2  }
0x54: {  	v58 =	vand.u32 $0xFFFFFFF8, v57;
	[tilespmem:v56+s13+$0x0] =	vst.idx.msk $0xffff, v5  }
0x55: {  	v59 =	vor.u32 $0xC, v6;
	v8 =	vand.u32 $0x7, v57;
	v5 =	vadd.s32 v3, v58;
	v4 =	vld.idx.msk [tilespmem:v4+s9+$0x0], $0xffff  }
0x56: {  	v5 =	vor.u32 v8, v5;
	_ =	sdelay $0x2  }
0x57: {  	v60 =	vadd.s32 $0xE, v2  }
0x58: {  	v61 =	vand.u32 $0xFFFFFFF8, v60;
	[tilespmem:v59+s13+$0x0] =	vst.idx.msk $0xffff, v4  }
0x59: {  	v62 =	vor.u32 $0xD, v6;
	v8 =	vand.u32 $0x7, v60;
	v4 =	vadd.s32 v3, v61;
	v5 =	vld.idx.msk [tilespmem:v5+s9+$0x0], $0xffff  }
0x5a: {  	v4 =	vor.u32 v8, v4;
	_ =	sdelay $0x2  }
0x5b: {  	v2 =	vadd.s32 $0xF, v2  }
0x5c: {  	v63 =	vand.u32 $0xFFFFFFF8, v2;
	[tilespmem:v62+s13+$0x0] =	vst.idx.msk $0xffff, v5  }
0x5d: {  	v2 =	vand.u32 $0x7, v2;
	v3 =	vadd.s32 v3, v63;
	v5 =	vor.u32 $0xE, v6;
	v4 =	vld.idx.msk [tilespmem:v4+s9+$0x0], $0xffff  }
0x5e: {  	v2 =	vor.u32 v2, v3;
	_ =	sdelay $0x3  }
0x5f: {  	[tilespmem:v5+s13+$0x0] =	vst.idx.msk $0xffff, v4  }
0x60: {  	s22 =	smov.u32 s16;
	s21 =	simm.s32 $0x10;
	v3 =	vld.idx.msk [tilespmem:v2+s9+$0x0], $0xffff;
	v2 =	vor.u32 $0xF, v6  }
.LBB2_3:
0x61: {  	_ =	sdelay $0x2  }
0x62: {  	p0 =	sne.s32 s21, $0x70  }
0x63: {  	s22 =	sadd.s32 $0x10, s22;
	s23 =	smov.u32 s21;
	s21 =	sadd.s32 $0x10, s21;
	[tilespmem:v2+s13+$0x0] =	vst.idx.msk $0xffff, v3  }
0x64: {  	v3 =	vld [tilespmem:s22+$0x0];
	_ =	sdelay $0x2  }
0x65: {  	v2 =	vmov s23  }
0x66: {  	v2 =	vshll.u32 v2, $0x7  }
0x67: {  	v12 =	vor.u32 v0, v2;
	v4 =	vand.u32 $0xFFFFFFF8, v3;
	v5 =	vadd.s32 $0x1, v3  }
0x68: {  	v2 =	vand.u32 $0x7, v3;
	v4 =	vadd.s32 v12, v4;
	v6 =	vand.u32 $0xFFFFFFF8, v5  }
0x69: {  	v10 =	vor.u32 v2, v4;
	v4 =	vadd.s32 v12, v6;
	v6 =	vadd.s32 $0x2, v3  }
0x6a: {  	v13 =	vadd.s32 $0x3, v3;
	v14 =	vadd.s32 $0x4, v3;
	v2 =	vand.u32 $0xFFFFFFF8, v6  }
0x6b: {  	v8 =	vand.u32 $0xFFFFFFF8, v14;
	v7 =	vadd.s32 v12, v2;
	v2 =	vand.u32 $0xFFFFFFF8, v13  }
0x6c: {  	s23 =	sadd.s32 s23, s19;
	v17 =	vadd.s32 $0x5, v3;
	v16 =	vadd.s32 v12, v8;
	v15 =	vadd.s32 v12, v2  }
0x6d: {  	v18 =	vadd.s32 $0x6, v3;
	v8 =	vand.u32 $0xFFFFFFF8, v17;
	v2 =	vmov s23  }
0x6e: {  	v19 =	vadd.s32 v12, v8;
	v8 =	vand.u32 $0xFFFFFFF8, v18;
	v2 =	vshll.u32 v2, $0x4;
	v9 =	vld.idx.msk [tilespmem:v10+s9+$0x0], $0xffff  }
0x6f: {  	v5 =	vand.u32 $0x7, v5;
	v20 =	vadd.s32 v12, v8;
	v2 =	vor.u32 v1, v2  }
0x70: {  	v21 =	vadd.s32 $0x7, v3;
	v22 =	vadd.s32 $0x9, v3;
	v4 =	vor.u32 v5, v4  }
0x71: {  	v23 =	vadd.s32 $0xA, v3;
	v5 =	vand.u32 $0xFFFFFFF8, v21;
	v8 =	vand.u32 $0xFFFFFFF8, v22  }
0x72: {  	v24 =	vadd.s32 v12, v5;
	v5 =	vand.u32 $0xFFFFFFF8, v23;
	v25 =	vadd.s32 v12, v8  }
0x73: {  	v27 =	vadd.s32 $0xB, v3;
	v26 =	vadd.s32 v12, v5;
	v8 =	vadd.s32 $0xC, v3  }
0x74: {  	v5 =	vadd.s32 $0xD, v3;
	v11 =	vand.u32 $0xFFFFFFF8, v8;
	[tilespmem:v2+s13+$0x0] =	vst.idx.msk $0xffff, v9;
	v9 =	vand.u32 $0xFFFFFFF8, v27  }
0x75: {  	v11 =	vadd.s32 v12, v11;
	v28 =	vld.idx.msk [tilespmem:v4+s9+$0x0], $0xffff;
	v29 =	vadd.s32 v12, v9;
	v4 =	vand.u32 $0xFFFFFFF8, v5  }
0x76: {  	v6 =	vand.u32 $0x7, v6;
	v30 =	vor.u32 $0x1, v2;
	v9 =	vadd.s32 v12, v4  }
0x77: {  	v31 =	vor.u32 v6, v7;
	v6 =	vadd.s32 $0xE, v3;
	v3 =	vadd.s32 $0xF, v3  }
0x78: {  	v32 =	vand.u32 $0xFFFFFFF8, v3;
	v4 =	vand.u32 $0xFFFFFFF8, v6  }
0x79: {  	v7 =	vadd.s32 v12, v4;
	v4 =	vadd.s32 v12, v32;
	_ =	sdelay $0x1  }
0x7a: {  	[tilespmem:v30+s13+$0x0] =	vst.idx.msk $0xffff, v28  }
0x7b: {  	v12 =	vld.idx.msk [tilespmem:v31+s9+$0x0], $0xffff  }
0x7c: {  	v13 =	vand.u32 $0x7, v13;
	v28 =	vor.u32 $0x2, v2  }
0x7d: {  	v13 =	vor.u32 v13, v15;
	_ =	sdelay $0x3  }
0x7e: {  	[tilespmem:v28+s13+$0x0] =	vst.idx.msk $0xffff, v12  }
0x7f: {  	v12 =	vld.idx.msk [tilespmem:v13+s9+$0x0], $0xffff  }
0x80: {  	v14 =	vand.u32 $0x7, v14;
	v13 =	vor.u32 $0x3, v2  }
0x81: {  	v14 =	vor.u32 v14, v16;
	_ =	sdelay $0x3  }
0x82: {  	[tilespmem:v13+s13+$0x0] =	vst.idx.msk $0xffff, v12  }
0x83: {  	v12 =	vld.idx.msk [tilespmem:v14+s9+$0x0], $0xffff  }
0x84: {  	v13 =	vor.u32 $0x4, v2;
	v14 =	vand.u32 $0x7, v17  }
0x85: {  	v14 =	vor.u32 v14, v19;
	_ =	sdelay $0x3  }
0x86: {  	[tilespmem:v13+s13+$0x0] =	vst.idx.msk $0xffff, v12  }
0x87: {  	v12 =	vld.idx.msk [tilespmem:v14+s9+$0x0], $0xffff  }
0x88: {  	v13 =	vor.u32 $0x5, v2;
	v14 =	vand.u32 $0x7, v18  }
0x89: {  	v14 =	vor.u32 v14, v20;
	_ =	sdelay $0x3  }
0x8a: {  	[tilespmem:v13+s13+$0x0] =	vst.idx.msk $0xffff, v12  }
0x8b: {  	v12 =	vld.idx.msk [tilespmem:v14+s9+$0x0], $0xffff  }
0x8c: {  	v13 =	vor.u32 $0x6, v2;
	v14 =	vand.u32 $0x7, v21  }
0x8d: {  	v14 =	vor.u32 v14, v24;
	_ =	sdelay $0x3  }
0x8e: {  	[tilespmem:v13+s13+$0x0] =	vst.idx.msk $0xffff, v12  }
0x8f: {  	v12 =	vld.idx.msk [tilespmem:v14+s9+$0x0], $0xffff  }
0x90: {  	v13 =	vor.u32 $0x7, v2  }
0x91: {  	v10 =	vadd.s32 $0x8, v10;
	_ =	sdelay $0x3  }
0x92: {  	[tilespmem:v13+s13+$0x0] =	vst.idx.msk $0xffff, v12  }
0x93: {  	v10 =	vld.idx.msk [tilespmem:v10+s9+$0x0], $0xffff  }
0x94: {  	v12 =	vor.u32 $0x8, v2;
	v13 =	vand.u32 $0x7, v22  }
0x95: {  	v13 =	vor.u32 v13, v25;
	_ =	sdelay $0x3  }
0x96: {  	[tilespmem:v12+s13+$0x0] =	vst.idx.msk $0xffff, v10  }
0x97: {  	v10 =	vld.idx.msk [tilespmem:v13+s9+$0x0], $0xffff  }
0x98: {  	v12 =	vor.u32 $0x9, v2;
	v13 =	vand.u32 $0x7, v23  }
0x99: {  	v13 =	vor.u32 v13, v26;
	_ =	sdelay $0x3  }
0x9a: {  	[tilespmem:v12+s13+$0x0] =	vst.idx.msk $0xffff, v10  }
0x9b: {  	v10 =	vld.idx.msk [tilespmem:v13+s9+$0x0], $0xffff  }
0x9c: {  	v12 =	vor.u32 $0xA, v2;
	v13 =	vand.u32 $0x7, v27  }
0x9d: {  	v13 =	vor.u32 v13, v29;
	_ =	sdelay $0x3  }
0x9e: {  	[tilespmem:v12+s13+$0x0] =	vst.idx.msk $0xffff, v10  }
0x9f: {  	v10 =	vld.idx.msk [tilespmem:v13+s9+$0x0], $0xffff  }
0xa0: {  	v8 =	vand.u32 $0x7, v8;
	v12 =	vor.u32 $0xB, v2  }
0xa1: {  	v8 =	vor.u32 v8, v11;
	_ =	sdelay $0x3  }
0xa2: {  	[tilespmem:v12+s13+$0x0] =	vst.idx.msk $0xffff, v10  }
0xa3: {  	v8 =	vld.idx.msk [tilespmem:v8+s9+$0x0], $0xffff  }
0xa4: {  	v5 =	vand.u32 $0x7, v5;
	v10 =	vor.u32 $0xC, v2  }
0xa5: {  	v5 =	vor.u32 v5, v9;
	_ =	sdelay $0x3  }
0xa6: {  	[tilespmem:v10+s13+$0x0] =	vst.idx.msk $0xffff, v8  }
0xa7: {  	v5 =	vld.idx.msk [tilespmem:v5+s9+$0x0], $0xffff  }
0xa8: {  	v6 =	vand.u32 $0x7, v6;
	v8 =	vor.u32 $0xD, v2  }
0xa9: {  	v6 =	vor.u32 v6, v7;
	_ =	sdelay $0x3  }
0xaa: {  	[tilespmem:v8+s13+$0x0] =	vst.idx.msk $0xffff, v5  }
0xab: {  	v5 =	vld.idx.msk [tilespmem:v6+s9+$0x0], $0xffff  }
0xac: {  	v3 =	vand.u32 $0x7, v3;
	v6 =	vor.u32 $0xE, v2  }
0xad: {  	v3 =	vor.u32 v3, v4;
	_ =	sdelay $0x1  }
.Ltmp0:
0xae: {  	(pc) =	sbr.rel @p0 .LBB2_3-.Ltmp0, $4  }
0xaf: {  	_ = 	snop  }
0xb0: {  	[tilespmem:v6+s13+$0x0] =	vst.idx.msk $0xffff, v5  }
0xb1: {  	v3 =	vld.idx.msk [tilespmem:v3+s9+$0x0], $0xffff  }
0xb2: {  	v2 =	vor.u32 $0xF, v2  }
0xb3: {  	_ = 	snop  }
0xb4: {  	p0 =	seq.s32 s20, $0xC  }
0xb5: {  	s21 =	sshll.u32 @!p0 s20, $0x8  }
0xb6: {  	s21 =	sand.u32 @!p0 $0x3FFFFF00, s21  }
0xb7: {  	s22 =	simm.s32 @!p0 $0x80;
	s23 =	simm.s32 @!p0 $0x1A00;
	[tilespmem:v2+s13+$0x0] =	vst.idx.msk $0xffff, v3;
	s21 =	sadd.s32 @!p0 $0x100, s21  }
0xb8: {  	[tilespmem:s23], [sflag:$0x1] =	stream.indirect.gather @!p0 [hbm4b:s3+s22], $0x80, s21, s22, $0xb8;
	[tilespmem:$0x16A00] =	vst v63  }
0xb9: {  	_ =	swait.ge [sflag:s14], $0x4000  }
0xba: {  	[sflag:s14] =	ssyncset.done $0x0  }
0xbb: {  	[sflag:s14] =	ssyncadd.s32 $0xFFFFC000  }
0xbc: {  	v2 =	vld [tilespmem:s17+$0x0]  }
0xbd: {  	s30 =	simm.s32 $0x0  }
0xbe: {  	v3 =	vmov s30  }
0xbf: {  	v3 =	vshll.u32 v3, $0x7  }
0xc0: {  	v3 =	vor.u32 v0, v3  }
0xc1: {  	v5 =	vadd.s32 $0x4000, v3;
	v4 =	vand.u32 $0xFFFFFFF8, v2  }
0xc2: {  	v6 =	vand.u32 $0x7, v2;
	v7 =	vadd.s32 v5, v4  }
0xc3: {  	v7 =	vor.u32 v6, v7;
	_ =	sdelay $0x1  }
0xc4: {  	s31 =	sadd.s32 $0x0, s18  }
0xc5: {  	v9 =	vmov s31;
	v8 =	vadd.s32 $0x1, v2  }
0xc6: {  	v9 =	vshll.u32 v9, $0x4;
	v10 =	vand.u32 $0xFFFFFFF8, v8  }
0xc7: {  	v9 =	vor.u32 v1, v9;
	v8 =	vand.u32 $0x7, v8;
	v10 =	vadd.s32 v5, v10;
	v7 =	vld.idx.msk [tilespmem:v7+s9+$0x0], $0xffff  }
0xc8: {  	v8 =	vor.u32 v8, v10;
	_ =	sdelay $0x2  }
0xc9: {  	v22 =	vadd.s32 $0x2, v2  }
0xca: {  	v11 =	vand.u32 $0xFFFFFFF8, v22;
	[tilespmem:v9+s13+$0x0] =	vst.idx.msk $0xffff, v7  }
0xcb: {  	v24 =	vor.u32 $0x1, v9;
	v23 =	vadd.s32 v5, v11;
	v10 =	vand.u32 $0x7, v22;
	v8 =	vld.idx.msk [tilespmem:v8+s9+$0x0], $0xffff  }
0xcc: {  	v7 =	vor.u32 v10, v23;
	_ =	sdelay $0x2  }
0xcd: {  	v25 =	vadd.s32 $0x3, v2  }
0xce: {  	v12 =	vand.u32 $0xFFFFFFF8, v25;
	[tilespmem:v24+s13+$0x0] =	vst.idx.msk $0xffff, v8  }
0xcf: {  	v27 =	vor.u32 $0x2, v9;
	v26 =	vadd.s32 v5, v12;
	v10 =	vand.u32 $0x7, v25;
	v7 =	vld.idx.msk [tilespmem:v7+s9+$0x0], $0xffff  }
0xd0: {  	v8 =	vor.u32 v10, v26;
	_ =	sdelay $0x2  }
0xd1: {  	v28 =	vadd.s32 $0x4, v2  }
0xd2: {  	v29 =	vand.u32 $0xFFFFFFF8, v28;
	[tilespmem:v27+s13+$0x0] =	vst.idx.msk $0xffff, v7  }
0xd3: {  	v31 =	vor.u32 $0x3, v9;
	v30 =	vadd.s32 v5, v29;
	v10 =	vand.u32 $0x7, v28;
	v8 =	vld.idx.msk [tilespmem:v8+s9+$0x0], $0xffff  }
0xd4: {  	v7 =	vor.u32 v10, v30;
	_ =	sdelay $0x2  }
0xd5: {  	v32 =	vadd.s32 $0x5, v2  }
0xd6: {  	v33 =	vand.u32 $0xFFFFFFF8, v32;
	[tilespmem:v31+s13+$0x0] =	vst.idx.msk $0xffff, v8  }
0xd7: {  	v35 =	vor.u32 $0x4, v9;
	v34 =	vadd.s32 v5, v33;
	v10 =	vand.u32 $0x7, v32;
	v7 =	vld.idx.msk [tilespmem:v7+s9+$0x0], $0xffff  }
0xd8: {  	v8 =	vor.u32 v10, v34;
	_ =	sdelay $0x2  }
0xd9: {  	v36 =	vadd.s32 $0x6, v2  }
0xda: {  	v37 =	vand.u32 $0xFFFFFFF8, v36;
	[tilespmem:v35+s13+$0x0] =	vst.idx.msk $0xffff, v7  }
0xdb: {  	v39 =	vor.u32 $0x5, v9;
	v38 =	vadd.s32 v5, v37;
	v10 =	vand.u32 $0x7, v36;
	v8 =	vld.idx.msk [tilespmem:v8+s9+$0x0], $0xffff  }
0xdc: {  	v7 =	vor.u32 v10, v38;
	_ =	sdelay $0x2  }
0xdd: {  	v40 =	vadd.s32 $0x7, v2  }
0xde: {  	v41 =	vand.u32 $0xFFFFFFF8, v40;
	[tilespmem:v39+s13+$0x0] =	vst.idx.msk $0xffff, v8  }
0xdf: {  	v43 =	vor.u32 $0x6, v9;
	v42 =	vadd.s32 v5, v41;
	v10 =	vand.u32 $0x7, v40;
	v7 =	vld.idx.msk [tilespmem:v7+s9+$0x0], $0xffff  }
0xe0: {  	v8 =	vor.u32 v10, v42;
	_ =	sdelay $0x3  }
0xe1: {  	v3 =	vadd.s32 v4, v3;
	[tilespmem:v43+s13+$0x0] =	vst.idx.msk $0xffff, v7  }
0xe2: {  	v44 =	vor.u32 $0x7, v9;
	v3 =	vor.u32 v6, v3;
	v4 =	vld.idx.msk [tilespmem:v8+s9+$0x0], $0xffff  }
0xe3: {  	v3 =	vadd.s32 $0x4008, v3;
	_ =	sdelay $0x2  }
0xe4: {  	v45 =	vadd.s32 $0x9, v2  }
0xe5: {  	v46 =	vand.u32 $0xFFFFFFF8, v45;
	[tilespmem:v44+s13+$0x0] =	vst.idx.msk $0xffff, v4  }
0xe6: {  	v47 =	vor.u32 $0x8, v9;
	v7 =	vand.u32 $0x7, v45;
	v4 =	vadd.s32 v5, v46;
	v3 =	vld.idx.msk [tilespmem:v3+s9+$0x0], $0xffff  }
0xe7: {  	v4 =	vor.u32 v7, v4;
	_ =	sdelay $0x2  }
0xe8: {  	v48 =	vadd.s32 $0xA, v2  }
0xe9: {  	v49 =	vand.u32 $0xFFFFFFF8, v48;
	[tilespmem:v47+s13+$0x0] =	vst.idx.msk $0xffff, v3  }
0xea: {  	v50 =	vor.u32 $0x9, v9;
	v7 =	vand.u32 $0x7, v48;
	v3 =	vadd.s32 v5, v49;
	v4 =	vld.idx.msk [tilespmem:v4+s9+$0x0], $0xffff  }
0xeb: {  	v3 =	vor.u32 v7, v3;
	_ =	sdelay $0x2  }
0xec: {  	v51 =	vadd.s32 $0xB, v2  }
0xed: {  	v52 =	vand.u32 $0xFFFFFFF8, v51;
	[tilespmem:v50+s13+$0x0] =	vst.idx.msk $0xffff, v4  }
0xee: {  	v53 =	vor.u32 $0xA, v9;
	v7 =	vand.u32 $0x7, v51;
	v4 =	vadd.s32 v5, v52;
	v3 =	vld.idx.msk [tilespmem:v3+s9+$0x0], $0xffff  }
0xef: {  	v4 =	vor.u32 v7, v4;
	_ =	sdelay $0x2  }
0xf0: {  	v54 =	vadd.s32 $0xC, v2  }
0xf1: {  	v55 =	vand.u32 $0xFFFFFFF8, v54;
	[tilespmem:v53+s13+$0x0] =	vst.idx.msk $0xffff, v3  }
0xf2: {  	v56 =	vor.u32 $0xB, v9;
	v7 =	vand.u32 $0x7, v54;
	v3 =	vadd.s32 v5, v55;
	v4 =	vld.idx.msk [tilespmem:v4+s9+$0x0], $0xffff  }
0xf3: {  	v3 =	vor.u32 v7, v3;
	_ =	sdelay $0x2  }
0xf4: {  	v57 =	vadd.s32 $0xD, v2  }
0xf5: {  	v58 =	vand.u32 $0xFFFFFFF8, v57;
	[tilespmem:v56+s13+$0x0] =	vst.idx.msk $0xffff, v4  }
0xf6: {  	v59 =	vor.u32 $0xC, v9;
	v7 =	vand.u32 $0x7, v57;
	v4 =	vadd.s32 v5, v58;
	v3 =	vld.idx.msk [tilespmem:v3+s9+$0x0], $0xffff  }
0xf7: {  	v4 =	vor.u32 v7, v4;
	_ =	sdelay $0x2  }
0xf8: {  	v60 =	vadd.s32 $0xE, v2  }
0xf9: {  	v61 =	vand.u32 $0xFFFFFFF8, v60;
	[tilespmem:v59+s13+$0x0] =	vst.idx.msk $0xffff, v3  }
0xfa: {  	v62 =	vor.u32 $0xD, v9;
	v7 =	vand.u32 $0x7, v60;
	v3 =	vadd.s32 v5, v61;
	v4 =	vld.idx.msk [tilespmem:v4+s9+$0x0], $0xffff  }
0xfb: {  	v3 =	vor.u32 v7, v3;
	_ =	sdelay $0x2  }
0xfc: {  	v2 =	vadd.s32 $0xF, v2  }
0xfd: {  	v63 =	vand.u32 $0xFFFFFFF8, v2;
	[tilespmem:v62+s13+$0x0] =	vst.idx.msk $0xffff, v4  }
0xfe: {  	v2 =	vand.u32 $0x7, v2;
	v4 =	vadd.s32 v5, v63;
	v5 =	vor.u32 $0xE, v9;
	v3 =	vld.idx.msk [tilespmem:v3+s9+$0x0], $0xffff  }
0xff: {  	v2 =	vor.u32 v2, v4;
	_ =	sdelay $0x3  }
0x100: {  	[tilespmem:v5+s13+$0x0] =	vst.idx.msk $0xffff, v3  }
0x101: {  	s21 =	simm.s32 $0x10;
	s22 =	smov.u32 s17;
	v3 =	vld.idx.msk [tilespmem:v2+s9+$0x0], $0xffff;
	v2 =	vor.u32 $0xF, v9  }
.LBB2_5:
0x102: {  	_ =	sdelay $0x2  }
0x103: {  	p0 =	sne.s32 s21, $0x70  }
0x104: {  	s22 =	sadd.s32 $0x10, s22;
	s23 =	smov.u32 s21;
	s21 =	sadd.s32 $0x10, s21;
	[tilespmem:v2+s13+$0x0] =	vst.idx.msk $0xffff, v3  }
0x105: {  	v3 =	vld [tilespmem:s22+$0x0];
	_ =	sdelay $0x1  }
0x106: {  	v2 =	vmov s23  }
0x107: {  	v2 =	vshll.u32 v2, $0x7  }
0x108: {  	v4 =	vor.u32 v0, v2  }
0x109: {  	v12 =	vadd.s32 $0x4000, v4;
	v5 =	vand.u32 $0xFFFFFFF8, v3;
	v6 =	vadd.s32 $0x1, v3  }
0x10a: {  	v7 =	vand.u32 $0x7, v3;
	v2 =	vadd.s32 v12, v5;
	v8 =	vand.u32 $0xFFFFFFF8, v6  }
0x10b: {  	v9 =	vadd.s32 $0x2, v3;
	v2 =	vor.u32 v7, v2;
	v8 =	vadd.s32 v12, v8  }
0x10c: {  	v13 =	vadd.s32 $0x3, v3;
	v14 =	vadd.s32 $0x4, v3;
	v10 =	vand.u32 $0xFFFFFFF8, v9  }
0x10d: {  	v11 =	vand.u32 $0xFFFFFFF8, v14;
	v15 =	vadd.s32 v12, v10;
	v10 =	vand.u32 $0xFFFFFFF8, v13  }
0x10e: {  	s23 =	sadd.s32 s23, s18;
	v18 =	vadd.s32 $0x5, v3;
	v17 =	vadd.s32 v12, v11;
	v16 =	vadd.s32 v12, v10  }
0x10f: {  	v19 =	vadd.s32 $0x6, v3;
	v11 =	vand.u32 $0xFFFFFFF8, v18;
	v10 =	vmov s23  }
0x110: {  	v21 =	vadd.s32 v12, v11;
	v11 =	vand.u32 $0xFFFFFFF8, v19;
	v10 =	vshll.u32 v10, $0x4;
	v20 =	vld.idx.msk [tilespmem:v2+s9+$0x0], $0xffff  }
0x111: {  	v6 =	vand.u32 $0x7, v6;
	v22 =	vadd.s32 v12, v11;
	v2 =	vor.u32 v1, v10  }
0x112: {  	v23 =	vadd.s32 $0x7, v3;
	v4 =	vadd.s32 v5, v4;
	v6 =	vor.u32 v6, v8  }
0x113: {  	v25 =	vadd.s32 $0x9, v3;
	v5 =	vand.u32 $0xFFFFFFF8, v23;
	v24 =	vor.u32 v7, v4  }
0x114: {  	v27 =	vadd.s32 $0xA, v3;
	v26 =	vadd.s32 v12, v5;
	v4 =	vand.u32 $0xFFFFFFF8, v25  }
0x115: {  	v28 =	vadd.s32 v12, v4;
	v4 =	vand.u32 $0xFFFFFFF8, v27;
	v10 =	vadd.s32 $0xB, v3  }
0x116: {  	v8 =	vadd.s32 $0xC, v3;
	[tilespmem:v2+s13+$0x0] =	vst.idx.msk $0xffff, v20;
	v20 =	vadd.s32 v12, v4;
	v4 =	vand.u32 $0xFFFFFFF8, v10  }
0x117: {  	v29 =	vld.idx.msk [tilespmem:v6+s9+$0x0], $0xffff;
	v30 =	vadd.s32 v12, v4;
	v4 =	vand.u32 $0xFFFFFFF8, v8;
	v6 =	vadd.s32 $0xD, v3  }
0x118: {  	v5 =	vand.u32 $0x7, v9;
	v31 =	vor.u32 $0x1, v2;
	v11 =	vadd.s32 v12, v4  }
0x119: {  	v15 =	vor.u32 v5, v15;
	v5 =	vadd.s32 $0xE, v3;
	v4 =	vand.u32 $0xFFFFFFF8, v6  }
0x11a: {  	v3 =	vadd.s32 $0xF, v3;
	v9 =	vadd.s32 v12, v4;
	v4 =	vand.u32 $0xFFFFFFF8, v5  }
0x11b: {  	v7 =	vadd.s32 v12, v4;
	v4 =	vand.u32 $0xFFFFFFF8, v3  }
0x11c: {  	v4 =	vadd.s32 v12, v4  }
0x11d: {  	[tilespmem:v31+s13+$0x0] =	vst.idx.msk $0xffff, v29  }
0x11e: {  	v12 =	vld.idx.msk [tilespmem:v15+s9+$0x0], $0xffff  }
0x11f: {  	v13 =	vand.u32 $0x7, v13;
	v15 =	vor.u32 $0x2, v2  }
0x120: {  	v13 =	vor.u32 v13, v16;
	_ =	sdelay $0x3  }
0x121: {  	[tilespmem:v15+s13+$0x0] =	vst.idx.msk $0xffff, v12  }
0x122: {  	v12 =	vld.idx.msk [tilespmem:v13+s9+$0x0], $0xffff  }
0x123: {  	v14 =	vand.u32 $0x7, v14;
	v13 =	vor.u32 $0x3, v2  }
0x124: {  	v14 =	vor.u32 v14, v17;
	_ =	sdelay $0x3  }
0x125: {  	[tilespmem:v13+s13+$0x0] =	vst.idx.msk $0xffff, v12  }
0x126: {  	v12 =	vld.idx.msk [tilespmem:v14+s9+$0x0], $0xffff  }
0x127: {  	v13 =	vor.u32 $0x4, v2;
	v14 =	vand.u32 $0x7, v18  }
0x128: {  	v14 =	vor.u32 v14, v21;
	_ =	sdelay $0x3  }
0x129: {  	[tilespmem:v13+s13+$0x0] =	vst.idx.msk $0xffff, v12  }
0x12a: {  	v12 =	vld.idx.msk [tilespmem:v14+s9+$0x0], $0xffff  }
0x12b: {  	v13 =	vor.u32 $0x5, v2;
	v14 =	vand.u32 $0x7, v19  }
0x12c: {  	v14 =	vor.u32 v14, v22;
	_ =	sdelay $0x3  }
0x12d: {  	[tilespmem:v13+s13+$0x0] =	vst.idx.msk $0xffff, v12  }
0x12e: {  	v12 =	vld.idx.msk [tilespmem:v14+s9+$0x0], $0xffff  }
0x12f: {  	v13 =	vor.u32 $0x6, v2;
	v14 =	vand.u32 $0x7, v23  }
0x130: {  	v14 =	vor.u32 v14, v26;
	_ =	sdelay $0x3  }
0x131: {  	[tilespmem:v13+s13+$0x0] =	vst.idx.msk $0xffff, v12  }
0x132: {  	v12 =	vld.idx.msk [tilespmem:v14+s9+$0x0], $0xffff  }
0x133: {  	v13 =	vor.u32 $0x7, v2  }
0x134: {  	v14 =	vadd.s32 $0x4008, v24;
	_ =	sdelay $0x3  }
0x135: {  	[tilespmem:v13+s13+$0x0] =	vst.idx.msk $0xffff, v12  }
0x136: {  	v12 =	vld.idx.msk [tilespmem:v14+s9+$0x0], $0xffff  }
0x137: {  	v13 =	vor.u32 $0x8, v2;
	v14 =	vand.u32 $0x7, v25  }
0x138: {  	v14 =	vor.u32 v14, v28;
	_ =	sdelay $0x3  }
0x139: {  	[tilespmem:v13+s13+$0x0] =	vst.idx.msk $0xffff, v12  }
0x13a: {  	v12 =	vld.idx.msk [tilespmem:v14+s9+$0x0], $0xffff  }
0x13b: {  	v13 =	vor.u32 $0x9, v2;
	v14 =	vand.u32 $0x7, v27  }
0x13c: {  	v14 =	vor.u32 v14, v20;
	_ =	sdelay $0x3  }
0x13d: {  	[tilespmem:v13+s13+$0x0] =	vst.idx.msk $0xffff, v12  }
0x13e: {  	v12 =	vld.idx.msk [tilespmem:v14+s9+$0x0], $0xffff  }
0x13f: {  	v10 =	vand.u32 $0x7, v10;
	v13 =	vor.u32 $0xA, v2  }
0x140: {  	v10 =	vor.u32 v10, v30;
	_ =	sdelay $0x3  }
0x141: {  	[tilespmem:v13+s13+$0x0] =	vst.idx.msk $0xffff, v12  }
0x142: {  	v10 =	vld.idx.msk [tilespmem:v10+s9+$0x0], $0xffff  }
0x143: {  	v8 =	vand.u32 $0x7, v8;
	v12 =	vor.u32 $0xB, v2  }
0x144: {  	v8 =	vor.u32 v8, v11;
	_ =	sdelay $0x3  }
0x145: {  	[tilespmem:v12+s13+$0x0] =	vst.idx.msk $0xffff, v10  }
0x146: {  	v8 =	vld.idx.msk [tilespmem:v8+s9+$0x0], $0xffff  }
0x147: {  	v6 =	vand.u32 $0x7, v6;
	v10 =	vor.u32 $0xC, v2  }
0x148: {  	v6 =	vor.u32 v6, v9;
	_ =	sdelay $0x3  }
0x149: {  	[tilespmem:v10+s13+$0x0] =	vst.idx.msk $0xffff, v8  }
0x14a: {  	v6 =	vld.idx.msk [tilespmem:v6+s9+$0x0], $0xffff  }
0x14b: {  	v5 =	vand.u32 $0x7, v5;
	v8 =	vor.u32 $0xD, v2  }
0x14c: {  	v5 =	vor.u32 v5, v7;
	_ =	sdelay $0x3  }
0x14d: {  	[tilespmem:v8+s13+$0x0] =	vst.idx.msk $0xffff, v6  }
0x14e: {  	v5 =	vld.idx.msk [tilespmem:v5+s9+$0x0], $0xffff  }
0x14f: {  	v3 =	vand.u32 $0x7, v3;
	v6 =	vor.u32 $0xE, v2  }
0x150: {  	v3 =	vor.u32 v3, v4;
	_ =	sdelay $0x1  }
.Ltmp1:
0x151: {  	(pc) =	sbr.rel @p0 .LBB2_5-.Ltmp1, $4  }
0x152: {  	_ = 	snop  }
0x153: {  	[tilespmem:v6+s13+$0x0] =	vst.idx.msk $0xffff, v5  }
0x154: {  	v3 =	vld.idx.msk [tilespmem:v3+s9+$0x0], $0xffff  }
0x155: {  	v2 =	vor.u32 $0xF, v2  }
0x156: {  	s20 =	sadd.s32 $0x1, s20  }
0x157: {  	p0 =	sne.s32 s20, $0xD  }
.Ltmp2:
0x158: {  	_ = 	snop;
	(pc) =	sbr.rel @p0 .LBB2_2-.Ltmp2, $3  }
0x159: {  	_ =	sdelay $0x1  }
0x15a: {  	s16 =	sadd.s32 $0x100, s16  }
0x15b: {  	s19 =	sadd.s32 $0x100, s19;
	s17 =	sadd.s32 $0x100, s17;
	s18 =	sadd.s32 $0x100, s18;
	[tilespmem:v2+s13+$0x0] =	vst.idx.msk $0xffff, v3  }
0x15c: {  	s15 =	sadd.s32 $0x1, s15  }
0x15d: {  	p0 =	sne.s32 s15, s7  }
.Ltmp3:
0x15e: {  	_ = 	snop;
	(pc) =	sbr.rel @p0 .LBB2_1-.Ltmp3, $4  }
0x15f: {  	[hbm4b:s6+s2] =	stream.linear.scatter [tilespmem:s13], [sflag:$0x3], $0xD000, $0x38;
	[tilespmem:$0x16A00] =	vst v63  }
0x160: {  	_ =	swait.ge [sflag:s8], $0xD000  }
0x161: {  	[sflag:s8] =	ssyncset.done $0x0  }
0x162: {  	[sflag:s8] =	ssyncadd.s32 $0xFFFF3000  }
0x163: {  	_ =	sfence.sel $0x180000  }
0x164: {  	[bflag:$0x0] =	sbarrier.arrive $0xFFFF  }
0x165: {  	p0 =	sne.s32 s0, $0x0;
	_ =	strace $0x90000047  }
0x166: {  	s0 =	sadd.s32 @!p0 $0x100000, s1;
	[bflag:$0x2] =	sbarrier.arrive $0xFFFF  }
0x167: {  	[sflag:s0] =	ssyncadd.tile.s32 @!p0 $0x1;
	_ =	shalt  }
.Lfunc_end2:
_tile_overlayer_lowered:
.L_overlay_start_2:
0x168: {  	(tag) =	ssettag $0x2  }
0x169: {  	s0 =	rddreg [dreg:$0x0];
	s2 =	stileid.u32  }
0x16a: {  	s1 =	rddreg [dreg:$0x1];
	p0 =	sne.s32 s2, $0x0  }
0x16b: {  	s3 =	rddreg [dreg:$0x2];
	[bflag:$0x3] =	sbarrier.arrive $0xFFFF;
	s2 =	simm.s32 @!p0 $0x1C03  }
0x16c: {  	[timem:s3], [sflag:s2] =	dma.local @!p0 [hbm:s0], s1  }
0x16d: {  	s0 =	simm.s32 @!p0 $0x3  }
0x16e: {  	_ =	swait.ge @!p0 [sflag:s0], s1  }
0x16f: {  	s1 =	ssub.s32 @!p0 $0x0, s1;
	[sflag:s0] =	ssyncset.done @!p0 $0x0  }
0x170: {  	[sflag:s0] =	ssyncadd.s32 @!p0 s1  }
0x171: {  	[bflag:$0x3] =	sbarrier.arrive $0xFFFF  }
0x172: {  	_ =	shalt  }

</sc_bundles>
